<compile_context>
chip_gen: v7x
topology: tpu7x:2x2x1
jax: 0.10.2.dev20260603
libtpu: 0.0.44.dev20260713+nightly
codegen_flags: <defaults>
</compile_context>

<pallas_src>
import dataclasses
import functools

import jax
import jax.numpy as jnp
from jax import lax
from jax.experimental import pallas as pl
from jax.experimental.pallas import tpu as pltpu
from jax.experimental.pallas import tpu_sc as plsc

N = 10000
E = 320000
D_IN = 128
D_H = 256
D_OUT = 256
G = 64

R = 1000
NB = N // R

NSUB = 16
NTILE = 2 * NSUB
N_ACC = 10240
RPT = N_ACC // NSUB
ZR = 16

_MESH = plsc.VectorSubcoreMesh(core_axis_name="c", subcore_axis_name="s")

_SC_CP = pltpu.CompilerParams()
if "needs_layout_passes" in pltpu.CompilerParams.__dataclass_fields__:
    _SC_CP = dataclasses.replace(_SC_CP, needs_layout_passes=False)


def _sc_agg_body(edge_split, with_hist, nbuf, W, *refs):
    if with_hist:
        (tab, src_hbm, dst_hbm, agg_a, agg_b, hist_hbm), rest = \
            refs[:6], refs[6:]
    else:
        (tab, src_hbm, dst_hbm, agg_a, agg_b), rest = refs[:5], refs[5:]
    ibs = rest[:nbuf]
    rows = rest[nbuf:2 * nbuf]
    zbuf = rest[2 * nbuf]
    if with_hist:
        hist = rest[2 * nbuf + 1]
        acc = rest[2 * nbuf + 2]
        sems = rest[2 * nbuf + 3:]
    else:
        hist = None
        acc = rest[2 * nbuf + 1]
        sems = rest[2 * nbuf + 2:]
    isems = sems[:nbuf]
    gsems = sems[nbuf:2 * nbuf]
    ssems = sems[2 * nbuf:3 * nbuf]
    if len(sems) > 3 * nbuf:
        ibt, rowst = sems[3 * nbuf:]
    else:
        ibt = rowst = None

    c = lax.axis_index("c")
    s = lax.axis_index("s")
    row0 = s * RPT
    d_half = rows[0].shape[1]

    @pl.loop(0, ZR)
    def _(r):
        @pl.loop(0, d_half, step=16)
        def _(cc):
            zbuf[r, pl.ds(cc, 16)] = jnp.zeros((16,), jnp.float32)

    @pl.loop(0, RPT // ZR)
    def _(i):
        pltpu.sync_copy(zbuf, acc.at[pl.ds(row0 + i * ZR, ZR)])

    if with_hist:
        @pl.loop(0, N_ACC, step=16)
        def _(i):
            hist[pl.ds(i, 16)] = jnp.zeros((16,), jnp.float32)

    plsc.subcore_barrier()

    if edge_split:
        ept = E // (2 * NSUB)
        base = (c * NSUB + s) * ept
    else:
        ept = E // NSUB
        base = s * ept
    nwin = ept // W
    tail = ept - nwin * W

    def fire_idx(j, ib, isem):
        off = base + j * W
        da = pltpu.async_copy(src_hbm.at[pl.ds(off, W)], ib.at[0], isem)
        db = pltpu.async_copy(dst_hbm.at[pl.ds(off, W)], ib.at[1], isem)
        return da, db

    def fire_gather(ib, rowsb, gsem):
        if not edge_split:
            @pl.loop(0, W, step=16)
            def _(k):
                v = ib[0, pl.ds(k, 16)]
                ib[0, pl.ds(k, 16)] = v + v + c
        return pltpu.async_copy(tab.at[ib.at[0]], rowsb, gsem)

    def fire_scatter(ib, rowsb, ssem):
        d = pltpu.async_copy(rowsb, acc.at[ib.at[1]], ssem, add=True)
        if with_hist:
            @pl.loop(0, W, step=16)
            def _(k):
                plsc.addupdate_scatter(hist, [ib[1, pl.ds(k, 16)]],
                                       jnp.ones((16,), jnp.float32))
        return d

    nwin4 = nwin - (nwin % nbuf)

    @pl.loop(0, nwin4, step=nbuf)
    def _(j0):
        dis = [fire_idx(j0 + b, ibs[b], isems[b]) for b in range(nbuf)]
        dgs = []
        for b in range(nbuf):
            dis[b][0].wait()
            dis[b][1].wait()
            dgs.append(fire_gather(ibs[b], rows[b], gsems[b]))
        dss = []
        for b in range(nbuf):
            dgs[b].wait()
            dss.append(fire_scatter(ibs[b], rows[b], ssems[b]))
        for b in range(nbuf):
            dss[b].wait()

    if nwin % nbuf:
        @pl.loop(nwin4, nwin)
        def _(j):
            da, db = fire_idx(j, ibs[0], isems[0])
            da.wait()
            db.wait()
            dg = fire_gather(ibs[0], rows[0], gsems[0])
            dg.wait()
            ds = fire_scatter(ibs[0], rows[0], ssems[0])
            ds.wait()

    if tail:
        toff = base + nwin * W
        da = pltpu.async_copy(src_hbm.at[pl.ds(toff, tail)], ibt.at[0],
                              isems[0])
        db = pltpu.async_copy(dst_hbm.at[pl.ds(toff, tail)], ibt.at[1],
                              isems[0])
        da.wait()
        db.wait()
        if not edge_split:
            @pl.loop(0, tail, step=16)
            def _(k):
                v = ibt[0, pl.ds(k, 16)]
                ibt[0, pl.ds(k, 16)] = v + v + c
        dg = pltpu.async_copy(tab.at[ibt.at[0]], rowst, gsems[0])
        dg.wait()
        ds = pltpu.async_copy(rowst, acc.at[ibt.at[1]], ssems[0], add=True)
        if with_hist:
            @pl.loop(0, tail, step=16)
            def _(k):
                plsc.addupdate_scatter(hist, [ibt[1, pl.ds(k, 16)]],
                                       jnp.ones((16,), jnp.float32))
        ds.wait()

    plsc.subcore_barrier()

    @pl.when(c == 0)
    def _():
        pltpu.sync_copy(acc.at[pl.ds(row0, RPT)], agg_a.at[pl.ds(row0, RPT)])

    @pl.when(c == 1)
    def _():
        pltpu.sync_copy(acc.at[pl.ds(row0, RPT)], agg_b.at[pl.ds(row0, RPT)])

    if with_hist:
        pltpu.sync_copy(hist, hist_hbm.at[c * NSUB + s])


def _make_sc_agg(d_half, edge_split, with_hist, nbuf, W):
    out_type = [jax.ShapeDtypeStruct((N_ACC, d_half), jnp.float32),
                jax.ShapeDtypeStruct((N_ACC, d_half), jnp.float32)]
    if with_hist:
        out_type.append(jax.ShapeDtypeStruct((NTILE, N_ACC), jnp.float32))
    scratch = [pltpu.VMEM((2, W), jnp.int32) for _ in range(nbuf)]
    scratch += [pltpu.VMEM((W, d_half), jnp.float32) for _ in range(nbuf)]
    scratch.append(pltpu.VMEM((ZR, d_half), jnp.float32))
    if with_hist:
        scratch.append(pltpu.VMEM((N_ACC,), jnp.float32))
    scratch.append(pltpu.VMEM_SHARED((N_ACC, d_half), jnp.float32))
    scratch += [pltpu.SemaphoreType.DMA for _ in range(3 * nbuf)]
    ept = (E // (2 * NSUB)) if edge_split else (E // NSUB)
    tail = ept % W
    if tail:
        scratch += [pltpu.VMEM((2, tail), jnp.int32),
                    pltpu.VMEM((tail, d_half), jnp.float32)]
    return pl.kernel(
        functools.partial(_sc_agg_body, edge_split, with_hist, nbuf, W),
        out_type=tuple(out_type),
        mesh=_MESH,
        scratch_types=scratch,
        compiler_params=_SC_CP,
    )


_sc_agg1 = _make_sc_agg(D_IN, True, True, 4, 64)
_sc_agg2 = _make_sc_agg(D_H // 2, False, False, 5, 64)


def _xr_body(x_ref, w1rt_ref, b1_ref, xr_ref):
    xr_ref[...] = (jnp.dot(x_ref[...], w1rt_ref[...],
                           preferred_element_type=jnp.float32)
                   + b1_ref[...])


def _xr(x, w1rt, b1_row):
    return pl.pallas_call(
        _xr_body,
        grid=(NB,),
        in_specs=[
            pl.BlockSpec((R, D_IN), lambda i: (i, 0)),
            pl.BlockSpec((D_IN, D_H), lambda i: (0, 0)),
            pl.BlockSpec((1, D_H), lambda i: (0, 0)),
        ],
        out_specs=pl.BlockSpec((R, D_H), lambda i: (i, 0)),
        out_shape=jax.ShapeDtypeStruct((N, D_H), jnp.float32),
    )(x, w1rt, b1_row)


def _poolh1_body(h1_ref, batch_ref, out_ref, acc):
    j = pl.program_id(0)

    @pl.when(j == 0)
    def _():
        acc[...] = jnp.zeros_like(acc)

    batch_row = batch_ref[0]
    mask = (jax.lax.broadcasted_iota(jnp.int32, (G, R), 0)
            == batch_row).astype(jnp.float32)
    acc[...] += jnp.dot(mask, h1_ref[...],
                        preferred_element_type=jnp.float32)

    @pl.when(j == pl.num_programs(0) - 1)
    def _():
        out_ref[...] = acc[...]


def _poolh1(h1, batch3d):
    return pl.pallas_call(
        _poolh1_body,
        grid=(NB,),
        in_specs=[
            pl.BlockSpec((R, D_H), lambda i: (i, 0)),
            pl.BlockSpec((1, 1, R), lambda i: (i, 0, 0)),
        ],
        out_specs=pl.BlockSpec((G, D_H), lambda i: (0, 0)),
        out_shape=jax.ShapeDtypeStruct((G, D_H), jnp.float32),
        scratch_shapes=[pltpu.VMEM((G, D_H), jnp.float32)],
    )(h1, batch3d)


def _dense1_body(xr_ref, agga_ref, aggb_ref, hist_ref, w1lt_ref,
                 h1_ref, cnt_s):
    j = pl.program_id(0)

    @pl.when(j == 0)
    def _():
        cnt_s[...] = lax.dot_general(
            hist_ref[...], jnp.ones((NTILE, 1), jnp.float32),
            (((0,), (0,)), ((), ())),
            preferred_element_type=jnp.float32)

    inv = 1.0 / jnp.maximum(cnt_s[pl.ds(j * R, R), :], 1.0)
    agg = agga_ref[...] + aggb_ref[...]
    mean = agg * inv
    h = jnp.dot(mean, w1lt_ref[...], preferred_element_type=jnp.float32)
    h += xr_ref[...]
    h1_ref[...] = jnp.maximum(h, 0.0)


def _dense1(xr, agg1a, agg1b, hist, w1lt):
    return pl.pallas_call(
        _dense1_body,
        grid=(NB,),
        in_specs=[
            pl.BlockSpec((R, D_H), lambda i: (i, 0)),
            pl.BlockSpec((R, D_IN), lambda i: (i, 0)),
            pl.BlockSpec((R, D_IN), lambda i: (i, 0)),
            pl.BlockSpec((NTILE, N_ACC), lambda i: (0, 0)),
            pl.BlockSpec((D_IN, D_H), lambda i: (0, 0)),
        ],
        out_specs=pl.BlockSpec((R, D_H), lambda i: (i, 0)),
        out_shape=jax.ShapeDtypeStruct((N, D_H), jnp.float32),
        scratch_shapes=[pltpu.VMEM((N_ACC, 1), jnp.float32)],
    )(xr, agg1a, agg1b, hist, w1lt)


def _dense2_body(a2a_ref, a2b_ref, batch_ref, hist_ref, ph1_ref,
                 w2lt_ref, b2_ref, w2rt_ref, out_ref,
                 acc_m2, acc_g, cnt_s):
    j = pl.program_id(0)

    @pl.when(j == 0)
    def _():
        acc_m2[...] = jnp.zeros_like(acc_m2)
        acc_g[...] = jnp.zeros_like(acc_g)
        cnt_s[...] = lax.dot_general(
            hist_ref[...], jnp.ones((NTILE, 1), jnp.float32),
            (((0,), (0,)), ((), ())),
            preferred_element_type=jnp.float32)

    batch_row = batch_ref[0]
    mask = (jax.lax.broadcasted_iota(jnp.int32, (G, R), 0)
            == batch_row).astype(jnp.float32)
    inv = 1.0 / jnp.maximum(cnt_s[pl.ds(j * R, R), :], 1.0)

    agg2 = jnp.concatenate([a2a_ref[...], a2b_ref[...]], axis=1)
    mean2 = agg2 * inv
    acc_m2[...] += jnp.dot(mask, mean2, preferred_element_type=jnp.float32)
    acc_g[...] += jnp.sum(mask, axis=1, keepdims=True)

    @pl.when(j == pl.num_programs(0) - 1)
    def _():
        out = jnp.dot(acc_m2[...], w2lt_ref[...],
                      preferred_element_type=jnp.float32)
        out += jnp.dot(ph1_ref[...], w2rt_ref[...],
                       preferred_element_type=jnp.float32)
        out += acc_g[...] * b2_ref[...]
        out_ref[...] = out


def _dense2(a2a, a2b, batch3d, hist, ph1, w2lt, b2_row, w2rt):
    return pl.pallas_call(
        _dense2_body,
        grid=(NB,),
        in_specs=[
            pl.BlockSpec((R, D_H // 2), lambda i: (i, 0)),
            pl.BlockSpec((R, D_H // 2), lambda i: (i, 0)),
            pl.BlockSpec((1, 1, R), lambda i: (i, 0, 0)),
            pl.BlockSpec((NTILE, N_ACC), lambda i: (0, 0)),
            pl.BlockSpec((G, D_H), lambda i: (0, 0)),
            pl.BlockSpec((D_H, D_OUT), lambda i: (0, 0)),
            pl.BlockSpec((1, D_OUT), lambda i: (0, 0)),
            pl.BlockSpec((D_H, D_OUT), lambda i: (0, 0)),
        ],
        out_specs=pl.BlockSpec((G, D_OUT), lambda i: (0, 0)),
        out_shape=jax.ShapeDtypeStruct((G, D_OUT), jnp.float32),
        scratch_shapes=[
            pltpu.VMEM((G, D_OUT), jnp.float32),
            pltpu.VMEM((G, 1), jnp.float32),
            pltpu.VMEM((N_ACC, 1), jnp.float32),
        ],
    )(a2a, a2b, batch3d, hist, ph1, w2lt, b2_row, w2rt)


@jax.jit
def kernel(x, edge_index, batch, W1_l, b1_l, W1_r, W2_l, b2_l, W2_r):
    src = edge_index[0]
    dst = edge_index[1]
    agg1a, agg1b, hist = _sc_agg1(x, src, dst)
    xr = _xr(x, W1_r.T, b1_l[None, :])

    h1 = _dense1(xr, agg1a, agg1b, hist, W1_l.T)

    htab = h1.reshape(2 * N, D_H // 2)
    agg2a, agg2b = _sc_agg2(htab, src, dst)

    batch3d = batch.reshape(NB, 1, R)
    ph1 = _poolh1(h1, batch3d)

    return _dense2(agg2a, agg2b, batch3d, hist, ph1,
                   W2_l.T, b2_l[None, :], W2_r.T)

# --- scband reference (transcript-rebuilt; emitter-appended) ---
"""Pipeline reference for scband-graph-sage-54073638256772 (READ-ONLY COPY).

The authoritative reference and input builder live on the scoring server;
editing this copy changes nothing except your own understanding.
"""

import jax, jax.numpy as jnp
import numpy as np

N = 10000
E = 320000
D_IN = 128
D_H = 256
D_OUT = 256
G = 64


def setup_inputs(seed: int = 0) -> dict:
    key = jax.random.key(seed)
    ks = jax.random.split(key, 10)
    x = jax.random.normal(ks[0], (N, D_IN), dtype=jnp.float32)
    edge_index = jax.random.randint(ks[1], (2, E), 0, N, dtype=jnp.int32)
    batch = jnp.sort(jax.random.randint(ks[2], (N,), 0, G, dtype=jnp.int32))
    # SAGEConv layer 1: lin_l (applied to aggregated neighbors, has bias), lin_r (root, no bias)
    W1_l = jax.random.normal(ks[3], (D_H, D_IN), dtype=jnp.float32) * 0.05
    b1_l = jnp.zeros((D_H,), dtype=jnp.float32)
    W1_r = jax.random.normal(ks[4], (D_H, D_IN), dtype=jnp.float32) * 0.05
    # SAGEConv layer 2
    W2_l = jax.random.normal(ks[5], (D_OUT, D_H), dtype=jnp.float32) * 0.05
    b2_l = jnp.zeros((D_OUT,), dtype=jnp.float32)
    W2_r = jax.random.normal(ks[6], (D_OUT, D_H), dtype=jnp.float32) * 0.05
    return {"x": x, "edge_index": edge_index, "batch": batch,
            "W1_l": W1_l, "b1_l": b1_l, "W1_r": W1_r,
            "W2_l": W2_l, "b2_l": b2_l, "W2_r": W2_r}


def _sage_conv(x, edge_index, W_l, b_l, W_r):
    # PyG SAGEConv (mean aggregation):
    # out = lin_l(mean_{j in N(i)} x_j) + lin_r(x_i)
    src = edge_index[0]
    dst = edge_index[1]
    msgs = jnp.take(x, src, axis=0)
    agg = jax.ops.segment_sum(msgs, dst, num_segments=N)
    cnt = jax.ops.segment_sum(jnp.ones((edge_index.shape[1],), dtype=x.dtype), dst, num_segments=N)
    mean = agg / jnp.clip(cnt, 1.0, None)[:, None]
    return mean @ W_l.T + b_l + x @ W_r.T


def reference(x, edge_index, batch, W1_l, b1_l, W1_r, W2_l, b2_l, W2_r):
    # layer 1 + relu (dropout inactive in eval mode)
    h = _sage_conv(x, edge_index, W1_l, b1_l, W1_r)
    h = jax.nn.relu(h)
    # layer 2 (last layer: no activation)
    h = _sage_conv(h, edge_index, W2_l, b2_l, W2_r)
    # global_add_pool over graph assignment
    out = jax.ops.segment_sum(h, batch, num_segments=G)
    return out

if __name__ == "__main__":
    import jax
    _d = setup_inputs()
    print(jax.jit(kernel)(*tuple(_d.values())))

</pallas_src>

<mosaic_0001>
#map = affine_map<(d0, d1) -> (0, 0)>
#map1 = affine_map<(d0, d1) -> (0)>
module attributes {stable_mosaic.version = 14 : i64} {
  func.func @_sc_agg_body(%arg0: i32, %arg1: i32, %arg2: memref<20000x128xf32, #tpu.memory_space<hbm>>, %arg3: memref<320000xi32, #tpu.memory_space<hbm>>, %arg4: memref<320000xi32, #tpu.memory_space<hbm>>, %arg5: memref<10240x128xf32, #tpu.memory_space<hbm>>, %arg6: memref<10240x128xf32, #tpu.memory_space<hbm>>, %arg7: memref<2x64xi32, #tpu.memory_space<vmem>>, %arg8: memref<2x64xi32, #tpu.memory_space<vmem>>, %arg9: memref<2x64xi32, #tpu.memory_space<vmem>>, %arg10: memref<2x64xi32, #tpu.memory_space<vmem>>, %arg11: memref<2x64xi32, #tpu.memory_space<vmem>>, %arg12: memref<64x128xf32, #tpu.memory_space<vmem>>, %arg13: memref<64x128xf32, #tpu.memory_space<vmem>>, %arg14: memref<64x128xf32, #tpu.memory_space<vmem>>, %arg15: memref<64x128xf32, #tpu.memory_space<vmem>>, %arg16: memref<64x128xf32, #tpu.memory_space<vmem>>, %arg17: memref<16x128xf32, #tpu.memory_space<vmem>>, %arg18: memref<10240x128xf32, #tpu.memory_space<vmem_shared>>, %arg19: memref<!tpu.dma_semaphore, #tpu.memory_space<semaphore_mem>>, %arg20: memref<!tpu.dma_semaphore, #tpu.memory_space<semaphore_mem>>, %arg21: memref<!tpu.dma_semaphore, #tpu.memory_space<semaphore_mem>>, %arg22: memref<!tpu.dma_semaphore, #tpu.memory_space<semaphore_mem>>, %arg23: memref<!tpu.dma_semaphore, #tpu.memory_space<semaphore_mem>>, %arg24: memref<!tpu.dma_semaphore, #tpu.memory_space<semaphore_mem>>, %arg25: memref<!tpu.dma_semaphore, #tpu.memory_space<semaphore_mem>>, %arg26: memref<!tpu.dma_semaphore, #tpu.memory_space<semaphore_mem>>, %arg27: memref<!tpu.dma_semaphore, #tpu.memory_space<semaphore_mem>>, %arg28: memref<!tpu.dma_semaphore, #tpu.memory_space<semaphore_mem>>, %arg29: memref<!tpu.dma_semaphore, #tpu.memory_space<semaphore_mem>>, %arg30: memref<!tpu.dma_semaphore, #tpu.memory_space<semaphore_mem>>, %arg31: memref<!tpu.dma_semaphore, #tpu.memory_space<semaphore_mem>>, %arg32: memref<!tpu.dma_semaphore, #tpu.memory_space<semaphore_mem>>, %arg33: memref<!tpu.dma_semaphore, #tpu.memory_space<semaphore_mem>>, %arg34: memref<2x32xi32, #tpu.memory_space<vmem>>, %arg35: memref<32x128xf32, #tpu.memory_space<vmem>>) attributes {dimension_semantics = [#tpu.dimension_semantics<core_parallel>, #tpu.dimension_semantics<subcore_parallel>], iteration_bounds = array<i64: 2, 16>, scalar_prefetch = 0 : i64, scratch_operands = 29 : i64, tpu.core_type = #tpu.core_type<sc_vector_subcore>, window_params = [{transform_indices = #map}, {transform_indices = #map1}, {transform_indices = #map1}, {transform_indices = #map}, {transform_indices = #map}]} {
    %mul3A = arith.constant 640 : i32
    %mul3A_0 = arith.muli %arg1, %mul3A : i32
    %scan3A = arith.constant 0 : i32
    %scan3A_1 = arith.constant 16 : i32
    %scan3A_2 = arith.addi %scan3A, %scan3A_1 : i32
    %scan3A_3 = arith.constant 1 : i32
    scf.for %scan3A_98 = %scan3A to %scan3A_2 step %scan3A_3  : i32 {
      %mul3A_99 = arith.constant 1 : i32
      %mul3A_100 = arith.muli %scan3A_98, %mul3A_99 : i32
      %add3A_101 = arith.constant 0 : i32
      %add3A_102 = arith.addi %add3A_101, %mul3A_100 : i32
      %scan3A_103 = arith.constant 0 : i32
      %scan3A_104 = arith.constant 8 : i32
      %scan3A_105 = arith.addi %scan3A_103, %scan3A_104 : i32
      %scan3A_106 = arith.constant 1 : i32
      scf.for %scan3A_108 = %scan3A_103 to %scan3A_105 step %scan3A_106  : i32 {
        %mul3A_109 = arith.constant 16 : i32
        %mul3A_110 = arith.muli %scan3A_108, %mul3A_109 : i32
        %add3A_111 = arith.constant 0 : i32
        %add3A_112 = arith.addi %add3A_111, %mul3A_110 : i32
        %broadcast_in_dim3A = arith.constant 0.000000e+00 : f32
        %broadcast_in_dim3A_113 = vector.broadcast %broadcast_in_dim3A : f32 to vector<16xf32>
        %swap3A = arith.index_cast %add3A_102 : i32 to index
        %swap3A_114 = arith.index_cast %add3A_112 : i32 to index
        %swap3A_115 = tpu.vector_load %arg17[%swap3A, %swap3A_114] {strides = array<i32>} : memref<16x128xf32, #tpu.memory_space<vmem>>, vector<16xf32>,
        tpu.vector_store %arg17[%swap3A, %swap3A_114], %broadcast_in_dim3A_113 {strides = array<i32>} : memref<16x128xf32, #tpu.memory_space<vmem>>, vector<16xf32>,
      }
      %scan3A_107 = arith.constant 8 : i32
    }
    %scan3A_4 = arith.constant 16 : i32
    %scan3A_5 = arith.constant 0 : i32
    %scan3A_6 = arith.constant 40 : i32
    %scan3A_7 = arith.addi %scan3A_5, %scan3A_6 : i32
    %scan3A_8 = arith.constant 1 : i32
    scf.for %scan3A_98 = %scan3A_5 to %scan3A_7 step %scan3A_8  : i32 {
      %mul3A_99 = arith.constant 1 : i32
      %mul3A_100 = arith.muli %scan3A_98, %mul3A_99 : i32
      %add3A_101 = arith.constant 0 : i32
      %add3A_102 = arith.addi %add3A_101, %mul3A_100 : i32
      %mul3A_103 = arith.constant 16 : i32
      %mul3A_104 = arith.muli %add3A_102, %mul3A_103 : i32
      %add3A_105 = arith.addi %mul3A_0, %mul3A_104 : i32
      "tpu.region"() ({
        %run_scoped3A = tpu.sem_alloc : memref<!tpu.dma_semaphore, #tpu.memory_space<semaphore_mem>>
        %dma_start3A_106 = arith.constant 0 : i32
        %dma_start3A_107 = tpu.memref_slice %arg18[%add3A_105, %dma_start3A_106] : memref<10240x128xf32, #tpu.memory_space<vmem_shared>> -> memref<16x128xf32, #tpu.memory_space<vmem_shared>>
        %dma_start3A_108 = arith.constant 0 : i32
        %dma_start3A_109 = tpu.memref_slice %arg18[%add3A_105, %dma_start3A_108] : memref<10240x128xf32, #tpu.memory_space<vmem_shared>> -> memref<16x128xf32, #tpu.memory_space<vmem_shared>>
        tpu.enqueue_dma source(%arg17 : memref<16x128xf32, #tpu.memory_space<vmem>>) target(%dma_start3A_109 : memref<16x128xf32, #tpu.memory_space<vmem_shared>>) target_semaphore(%run_scoped3A : memref<!tpu.dma_semaphore, #tpu.memory_space<semaphore_mem>>)
        %dma_wait3A_110 = arith.constant 0 : i32
        %dma_wait3A_111 = tpu.memref_slice %arg18[%add3A_105, %dma_wait3A_110] : memref<10240x128xf32, #tpu.memory_space<vmem_shared>> -> memref<16x128xf32, #tpu.memory_space<vmem_shared>>
        %dma_wait3A_112 = arith.constant 0 : i32
        %dma_wait3A_113 = tpu.memref_slice %arg18[%add3A_105, %dma_wait3A_112] : memref<10240x128xf32, #tpu.memory_space<vmem_shared>> -> memref<16x128xf32, #tpu.memory_space<vmem_shared>>
        tpu.wait_dma2 semaphore(%run_scoped3A : memref<!tpu.dma_semaphore, #tpu.memory_space<semaphore_mem>>) src(%arg17 : memref<16x128xf32, #tpu.memory_space<vmem>>) dst(%dma_wait3A_113 : memref<16x128xf32, #tpu.memory_space<vmem_shared>>)
        tpu.yield
      }) : () -> ()
    }
    %scan3A_9 = arith.constant 40 : i32
    %barrier3A = arith.constant 0 : index
    tpu.barrier barrier_id(%barrier3A)
    %mul3A_10 = arith.constant 20000 : i32
    %mul3A_11 = arith.muli %arg1, %mul3A_10 : i32
    %scan3A_12 = arith.constant 0 : i32
    %scan3A_13 = arith.constant 62 : i32
    %scan3A_14 = arith.addi %scan3A_12, %scan3A_13 : i32
    %scan3A_15 = arith.constant 1 : i32
    scf.for %scan3A_98 = %scan3A_12 to %scan3A_14 step %scan3A_15  : i32 {
      %mul3A_99 = arith.constant 5 : i32
      %mul3A_100 = arith.muli %scan3A_98, %mul3A_99 : i32
      %add3A_101 = arith.constant 0 : i32
      %add3A_102 = arith.addi %add3A_101, %mul3A_100 : i32
      %add3A_103 = arith.constant 0 : i32
      %add3A_104 = arith.addi %add3A_102, %add3A_103 : i32
      %mul3A_105 = arith.constant 64 : i32
      %mul3A_106 = arith.muli %add3A_104, %mul3A_105 : i32
      %add3A_107 = arith.addi %mul3A_11, %mul3A_106 : i32
      %dma_start3A_108 = arith.constant 0 : i32
      %dma_start3A_109 = arith.constant 0 : i32
      %dma_start3A_110 = tpu.memref_slice %arg7[%dma_start3A_108, %dma_start3A_109] : memref<2x64xi32, #tpu.memory_space<vmem>> -> memref<1x64xi32, #tpu.memory_space<vmem>>
      %dma_start3A_111 = tpu.memref_squeeze %dma_start3A_110 : memref<1x64xi32, #tpu.memory_space<vmem>> -> memref<64xi32, #tpu.memory_space<vmem>>
      %dma_start3A_112 = tpu.memref_slice %arg3[%add3A_107] : memref<320000xi32, #tpu.memory_space<hbm>> -> memref<64xi32, #tpu.memory_space<hbm>>
      %dma_start3A_113 = arith.constant 0 : i32
      %dma_start3A_114 = tpu.memref_slice %arg7[%dma_start3A_108, %dma_start3A_113] : memref<2x64xi32, #tpu.memory_space<vmem>> -> memref<1x64xi32, #tpu.memory_space<vmem>>
      %dma_start3A_115 = tpu.memref_squeeze %dma_start3A_114 : memref<1x64xi32, #tpu.memory_space<vmem>> -> memref<64xi32, #tpu.memory_space<vmem>>
      %dma_start3A_116 = tpu.memref_slice %arg3[%add3A_107] : memref<320000xi32, #tpu.memory_space<hbm>> -> memref<64xi32, #tpu.memory_space<hbm>>
      tpu.enqueue_dma source(%dma_start3A_116 : memref<64xi32, #tpu.memory_space<hbm>>) target(%dma_start3A_115 : memref<64xi32, #tpu.memory_space<vmem>>) target_semaphore(%arg19 : memref<!tpu.dma_semaphore, #tpu.memory_space<semaphore_mem>>)
      %dma_start3A_117 = arith.constant 1 : i32
      %dma_start3A_118 = arith.constant 0 : i32
      %dma_start3A_119 = tpu.memref_slice %arg7[%dma_start3A_117, %dma_start3A_118] : memref<2x64xi32, #tpu.memory_space<vmem>> -> memref<1x64xi32, #tpu.memory_space<vmem>>
      %dma_start3A_120 = tpu.memref_squeeze %dma_start3A_119 : memref<1x64xi32, #tpu.memory_space<vmem>> -> memref<64xi32, #tpu.memory_space<vmem>>
      %dma_start3A_121 = tpu.memref_slice %arg4[%add3A_107] : memref<320000xi32, #tpu.memory_space<hbm>> -> memref<64xi32, #tpu.memory_space<hbm>>
      %dma_start3A_122 = arith.constant 0 : i32
      %dma_start3A_123 = tpu.memref_slice %arg7[%dma_start3A_117, %dma_start3A_122] : memref<2x64xi32, #tpu.memory_space<vmem>> -> memref<1x64xi32, #tpu.memory_space<vmem>>
      %dma_start3A_124 = tpu.memref_squeeze %dma_start3A_123 : memref<1x64xi32, #tpu.memory_space<vmem>> -> memref<64xi32, #tpu.memory_space<vmem>>
      %dma_start3A_125 = tpu.memref_slice %arg4[%add3A_107] : memref<320000xi32, #tpu.memory_space<hbm>> -> memref<64xi32, #tpu.memory_space<hbm>>
      tpu.enqueue_dma source(%dma_start3A_125 : memref<64xi32, #tpu.memory_space<hbm>>) target(%dma_start3A_124 : memref<64xi32, #tpu.memory_space<vmem>>) target_semaphore(%arg19 : memref<!tpu.dma_semaphore, #tpu.memory_space<semaphore_mem>>)
      %add3A_126 = arith.constant 1 : i32
      %add3A_127 = arith.addi %add3A_102, %add3A_126 : i32
      %mul3A_128 = arith.constant 64 : i32
      %mul3A_129 = arith.muli %add3A_127, %mul3A_128 : i32
      %add3A_130 = arith.addi %mul3A_11, %mul3A_129 : i32
      %dma_start3A_131 = arith.constant 0 : i32
      %dma_start3A_132 = arith.constant 0 : i32
      %dma_start3A_133 = tpu.memref_slice %arg8[%dma_start3A_131, %dma_start3A_132] : memref<2x64xi32, #tpu.memory_space<vmem>> -> memref<1x64xi32, #tpu.memory_space<vmem>>
      %dma_start3A_134 = tpu.memref_squeeze %dma_start3A_133 : memref<1x64xi32, #tpu.memory_space<vmem>> -> memref<64xi32, #tpu.memory_space<vmem>>
      %dma_start3A_135 = tpu.memref_slice %arg3[%add3A_130] : memref<320000xi32, #tpu.memory_space<hbm>> -> memref<64xi32, #tpu.memory_space<hbm>>
      %dma_start3A_136 = arith.constant 0 : i32
      %dma_start3A_137 = tpu.memref_slice %arg8[%dma_start3A_131, %dma_start3A_136] : memref<2x64xi32, #tpu.memory_space<vmem>> -> memref<1x64xi32, #tpu.memory_space<vmem>>
      %dma_start3A_138 = tpu.memref_squeeze %dma_start3A_137 : memref<1x64xi32, #tpu.memory_space<vmem>> -> memref<64xi32, #tpu.memory_space<vmem>>
      %dma_start3A_139 = tpu.memref_slice %arg3[%add3A_130] : memref<320000xi32, #tpu.memory_space<hbm>> -> memref<64xi32, #tpu.memory_space<hbm>>
      tpu.enqueue_dma source(%dma_start3A_139 : memref<64xi32, #tpu.memory_space<hbm>>) target(%dma_start3A_138 : memref<64xi32, #tpu.memory_space<vmem>>) target_semaphore(%arg20 : memref<!tpu.dma_semaphore, #tpu.memory_space<semaphore_mem>>)
      %dma_start3A_140 = arith.constant 1 : i32
      %dma_start3A_141 = arith.constant 0 : i32
      %dma_start3A_142 = tpu.memref_slice %arg8[%dma_start3A_140, %dma_start3A_141] : memref<2x64xi32, #tpu.memory_space<vmem>> -> memref<1x64xi32, #tpu.memory_space<vmem>>
      %dma_start3A_143 = tpu.memref_squeeze %dma_start3A_142 : memref<1x64xi32, #tpu.memory_space<vmem>> -> memref<64xi32, #tpu.memory_space<vmem>>
      %dma_start3A_144 = tpu.memref_slice %arg4[%add3A_130] : memref<320000xi32, #tpu.memory_space<hbm>> -> memref<64xi32, #tpu.memory_space<hbm>>
      %dma_start3A_145 = arith.constant 0 : i32
      %dma_start3A_146 = tpu.memref_slice %arg8[%dma_start3A_140, %dma_start3A_145] : memref<2x64xi32, #tpu.memory_space<vmem>> -> memref<1x64xi32, #tpu.memory_space<vmem>>
      %dma_start3A_147 = tpu.memref_squeeze %dma_start3A_146 : memref<1x64xi32, #tpu.memory_space<vmem>> -> memref<64xi32, #tpu.memory_space<vmem>>
      %dma_start3A_148 = tpu.memref_slice %arg4[%add3A_130] : memref<320000xi32, #tpu.memory_space<hbm>> -> memref<64xi32, #tpu.memory_space<hbm>>
      tpu.enqueue_dma source(%dma_start3A_148 : memref<64xi32, #tpu.memory_space<hbm>>) target(%dma_start3A_147 : memref<64xi32, #tpu.memory_space<vmem>>) target_semaphore(%arg20 : memref<!tpu.dma_semaphore, #tpu.memory_space<semaphore_mem>>)
      %add3A_149 = arith.constant 2 : i32
      %add3A_150 = arith.addi %add3A_102, %add3A_149 : i32
      %mul3A_151 = arith.constant 64 : i32
      %mul3A_152 = arith.muli %add3A_150, %mul3A_151 : i32
      %add3A_153 = arith.addi %mul3A_11, %mul3A_152 : i32
      %dma_start3A_154 = arith.constant 0 : i32
      %dma_start3A_155 = arith.constant 0 : i32
      %dma_start3A_156 = tpu.memref_slice %arg9[%dma_start3A_154, %dma_start3A_155] : memref<2x64xi32, #tpu.memory_space<vmem>> -> memref<1x64xi32, #tpu.memory_space<vmem>>
      %dma_start3A_157 = tpu.memref_squeeze %dma_start3A_156 : memref<1x64xi32, #tpu.memory_space<vmem>> -> memref<64xi32, #tpu.memory_space<vmem>>
      %dma_start3A_158 = tpu.memref_slice %arg3[%add3A_153] : memref<320000xi32, #tpu.memory_space<hbm>> -> memref<64xi32, #tpu.memory_space<hbm>>
      %dma_start3A_159 = arith.constant 0 : i32
      %dma_start3A_160 = tpu.memref_slice %arg9[%dma_start3A_154, %dma_start3A_159] : memref<2x64xi32, #tpu.memory_space<vmem>> -> memref<1x64xi32, #tpu.memory_space<vmem>>
      %dma_start3A_161 = tpu.memref_squeeze %dma_start3A_160 : memref<1x64xi32, #tpu.memory_space<vmem>> -> memref<64xi32, #tpu.memory_space<vmem>>
      %dma_start3A_162 = tpu.memref_slice %arg3[%add3A_153] : memref<320000xi32, #tpu.memory_space<hbm>> -> memref<64xi32, #tpu.memory_space<hbm>>
      tpu.enqueue_dma source(%dma_start3A_162 : memref<64xi32, #tpu.memory_space<hbm>>) target(%dma_start3A_161 : memref<64xi32, #tpu.memory_space<vmem>>) target_semaphore(%arg21 : memref<!tpu.dma_semaphore, #tpu.memory_space<semaphore_mem>>)
      %dma_start3A_163 = arith.constant 1 : i32
      %dma_start3A_164 = arith.constant 0 : i32
      %dma_start3A_165 = tpu.memref_slice %arg9[%dma_start3A_163, %dma_start3A_164] : memref<2x64xi32, #tpu.memory_space<vmem>> -> memref<1x64xi32, #tpu.memory_space<vmem>>
      %dma_start3A_166 = tpu.memref_squeeze %dma_start3A_165 : memref<1x64xi32, #tpu.memory_space<vmem>> -> memref<64xi32, #tpu.memory_space<vmem>>
      %dma_start3A_167 = tpu.memref_slice %arg4[%add3A_153] : memref<320000xi32, #tpu.memory_space<hbm>> -> memref<64xi32, #tpu.memory_space<hbm>>
      %dma_start3A_168 = arith.constant 0 : i32
      %dma_start3A_169 = tpu.memref_slice %arg9[%dma_start3A_163, %dma_start3A_168] : memref<2x64xi32, #tpu.memory_space<vmem>> -> memref<1x64xi32, #tpu.memory_space<vmem>>
      %dma_start3A_170 = tpu.memref_squeeze %dma_start3A_169 : memref<1x64xi32, #tpu.memory_space<vmem>> -> memref<64xi32, #tpu.memory_space<vmem>>
      %dma_start3A_171 = tpu.memref_slice %arg4[%add3A_153] : memref<320000xi32, #tpu.memory_space<hbm>> -> memref<64xi32, #tpu.memory_space<hbm>>
      tpu.enqueue_dma source(%dma_start3A_171 : memref<64xi32, #tpu.memory_space<hbm>>) target(%dma_start3A_170 : memref<64xi32, #tpu.memory_space<vmem>>) target_semaphore(%arg21 : memref<!tpu.dma_semaphore, #tpu.memory_space<semaphore_mem>>)
      %add3A_172 = arith.constant 3 : i32
      %add3A_173 = arith.addi %add3A_102, %add3A_172 : i32
      %mul3A_174 = arith.constant 64 : i32
      %mul3A_175 = arith.muli %add3A_173, %mul3A_174 : i32
      %add3A_176 = arith.addi %mul3A_11, %mul3A_175 : i32
      %dma_start3A_177 = arith.constant 0 : i32
      %dma_start3A_178 = arith.constant 0 : i32
      %dma_start3A_179 = tpu.memref_slice %arg10[%dma_start3A_177, %dma_start3A_178] : memref<2x64xi32, #tpu.memory_space<vmem>> -> memref<1x64xi32, #tpu.memory_space<vmem>>
      %dma_start3A_180 = tpu.memref_squeeze %dma_start3A_179 : memref<1x64xi32, #tpu.memory_space<vmem>> -> memref<64xi32, #tpu.memory_space<vmem>>
      %dma_start3A_181 = tpu.memref_slice %arg3[%add3A_176] : memref<320000xi32, #tpu.memory_space<hbm>> -> memref<64xi32, #tpu.memory_space<hbm>>
      %dma_start3A_182 = arith.constant 0 : i32
      %dma_start3A_183 = tpu.memref_slice %arg10[%dma_start3A_177, %dma_start3A_182] : memref<2x64xi32, #tpu.memory_space<vmem>> -> memref<1x64xi32, #tpu.memory_space<vmem>>
      %dma_start3A_184 = tpu.memref_squeeze %dma_start3A_183 : memref<1x64xi32, #tpu.memory_space<vmem>> -> memref<64xi32, #tpu.memory_space<vmem>>
      %dma_start3A_185 = tpu.memref_slice %arg3[%add3A_176] : memref<320000xi32, #tpu.memory_space<hbm>> -> memref<64xi32, #tpu.memory_space<hbm>>
      tpu.enqueue_dma source(%dma_start3A_185 : memref<64xi32, #tpu.memory_space<hbm>>) target(%dma_start3A_184 : memref<64xi32, #tpu.memory_space<vmem>>) target_semaphore(%arg22 : memref<!tpu.dma_semaphore, #tpu.memory_space<semaphore_mem>>)
      %dma_start3A_186 = arith.constant 1 : i32
      %dma_start3A_187 = arith.constant 0 : i32
      %dma_start3A_188 = tpu.memref_slice %arg10[%dma_start3A_186, %dma_start3A_187] : memref<2x64xi32, #tpu.memory_space<vmem>> -> memref<1x64xi32, #tpu.memory_space<vmem>>
      %dma_start3A_189 = tpu.memref_squeeze %dma_start3A_188 : memref<1x64xi32, #tpu.memory_space<vmem>> -> memref<64xi32, #tpu.memory_space<vmem>>
      %dma_start3A_190 = tpu.memref_slice %arg4[%add3A_176] : memref<320000xi32, #tpu.memory_space<hbm>> -> memref<64xi32, #tpu.memory_space<hbm>>
      %dma_start3A_191 = arith.constant 0 : i32
      %dma_start3A_192 = tpu.memref_slice %arg10[%dma_start3A_186, %dma_start3A_191] : memref<2x64xi32, #tpu.memory_space<vmem>> -> memref<1x64xi32, #tpu.memory_space<vmem>>
      %dma_start3A_193 = tpu.memref_squeeze %dma_start3A_192 : memref<1x64xi32, #tpu.memory_space<vmem>> -> memref<64xi32, #tpu.memory_space<vmem>>
      %dma_start3A_194 = tpu.memref_slice %arg4[%add3A_176] : memref<320000xi32, #tpu.memory_space<hbm>> -> memref<64xi32, #tpu.memory_space<hbm>>
      tpu.enqueue_dma source(%dma_start3A_194 : memref<64xi32, #tpu.memory_space<hbm>>) target(%dma_start3A_193 : memref<64xi32, #tpu.memory_space<vmem>>) target_semaphore(%arg22 : memref<!tpu.dma_semaphore, #tpu.memory_space<semaphore_mem>>)
      %add3A_195 = arith.constant 4 : i32
      %add3A_196 = arith.addi %add3A_102, %add3A_195 : i32
      %mul3A_197 = arith.constant 64 : i32
      %mul3A_198 = arith.muli %add3A_196, %mul3A_197 : i32
      %add3A_199 = arith.addi %mul3A_11, %mul3A_198 : i32
      %dma_start3A_200 = arith.constant 0 : i32
      %dma_start3A_201 = arith.constant 0 : i32
      %dma_start3A_202 = tpu.memref_slice %arg11[%dma_start3A_200, %dma_start3A_201] : memref<2x64xi32, #tpu.memory_space<vmem>> -> memref<1x64xi32, #tpu.memory_space<vmem>>
      %dma_start3A_203 = tpu.memref_squeeze %dma_start3A_202 : memref<1x64xi32, #tpu.memory_space<vmem>> -> memref<64xi32, #tpu.memory_space<vmem>>
      %dma_start3A_204 = tpu.memref_slice %arg3[%add3A_199] : memref<320000xi32, #tpu.memory_space<hbm>> -> memref<64xi32, #tpu.memory_space<hbm>>
      %dma_start3A_205 = arith.constant 0 : i32
      %dma_start3A_206 = tpu.memref_slice %arg11[%dma_start3A_200, %dma_start3A_205] : memref<2x64xi32, #tpu.memory_space<vmem>> -> memref<1x64xi32, #tpu.memory_space<vmem>>
      %dma_start3A_207 = tpu.memref_squeeze %dma_start3A_206 : memref<1x64xi32, #tpu.memory_space<vmem>> -> memref<64xi32, #tpu.memory_space<vmem>>
      %dma_start3A_208 = tpu.memref_slice %arg3[%add3A_199] : memref<320000xi32, #tpu.memory_space<hbm>> -> memref<64xi32, #tpu.memory_space<hbm>>
      tpu.enqueue_dma source(%dma_start3A_208 : memref<64xi32, #tpu.memory_space<hbm>>) target(%dma_start3A_207 : memref<64xi32, #tpu.memory_space<vmem>>) target_semaphore(%arg23 : memref<!tpu.dma_semaphore, #tpu.memory_space<semaphore_mem>>)
      %dma_start3A_209 = arith.constant 1 : i32
      %dma_start3A_210 = arith.constant 0 : i32
      %dma_start3A_211 = tpu.memref_slice %arg11[%dma_start3A_209, %dma_start3A_210] : memref<2x64xi32, #tpu.memory_space<vmem>> -> memref<1x64xi32, #tpu.memory_space<vmem>>
      %dma_start3A_212 = tpu.memref_squeeze %dma_start3A_211 : memref<1x64xi32, #tpu.memory_space<vmem>> -> memref<64xi32, #tpu.memory_space<vmem>>
      %dma_start3A_213 = tpu.memref_slice %arg4[%add3A_199] : memref<320000xi32, #tpu.memory_space<hbm>> -> memref<64xi32, #tpu.memory_space<hbm>>
      %dma_start3A_214 = arith.constant 0 : i32
      %dma_start3A_215 = tpu.memref_slice %arg11[%dma_start3A_209, %dma_start3A_214] : memref<2x64xi32, #tpu.memory_space<vmem>> -> memref<1x64xi32, #tpu.memory_space<vmem>>
      %dma_start3A_216 = tpu.memref_squeeze %dma_start3A_215 : memref<1x64xi32, #tpu.memory_space<vmem>> -> memref<64xi32, #tpu.memory_space<vmem>>
      %dma_start3A_217 = tpu.memref_slice %arg4[%add3A_199] : memref<320000xi32, #tpu.memory_space<hbm>> -> memref<64xi32, #tpu.memory_space<hbm>>
      tpu.enqueue_dma source(%dma_start3A_217 : memref<64xi32, #tpu.memory_space<hbm>>) target(%dma_start3A_216 : memref<64xi32, #tpu.memory_space<vmem>>) target_semaphore(%arg23 : memref<!tpu.dma_semaphore, #tpu.memory_space<semaphore_mem>>)
      %dma_wait3A_218 = arith.constant 0 : i32
      %dma_wait3A_219 = arith.constant 0 : i32
      %dma_wait3A_220 = tpu.memref_slice %arg7[%dma_wait3A_218, %dma_wait3A_219] : memref<2x64xi32, #tpu.memory_space<vmem>> -> memref<1x64xi32, #tpu.memory_space<vmem>>
      %dma_wait3A_221 = tpu.memref_squeeze %dma_wait3A_220 : memref<1x64xi32, #tpu.memory_space<vmem>> -> memref<64xi32, #tpu.memory_space<vmem>>
      %dma_wait3A_222 = tpu.memref_slice %arg3[%add3A_107] : memref<320000xi32, #tpu.memory_space<hbm>> -> memref<64xi32, #tpu.memory_space<hbm>>
      %dma_wait3A_223 = arith.constant 0 : i32
      %dma_wait3A_224 = tpu.memref_slice %arg7[%dma_wait3A_218, %dma_wait3A_223] : memref<2x64xi32, #tpu.memory_space<vmem>> -> memref<1x64xi32, #tpu.memory_space<vmem>>
      %dma_wait3A_225 = tpu.memref_squeeze %dma_wait3A_224 : memref<1x64xi32, #tpu.memory_space<vmem>> -> memref<64xi32, #tpu.memory_space<vmem>>
      %dma_wait3A_226 = tpu.memref_slice %arg3[%add3A_107] : memref<320000xi32, #tpu.memory_space<hbm>> -> memref<64xi32, #tpu.memory_space<hbm>>
      tpu.wait_dma2 semaphore(%arg19 : memref<!tpu.dma_semaphore, #tpu.memory_space<semaphore_mem>>) src(%dma_wait3A_226 : memref<64xi32, #tpu.memory_space<hbm>>) dst(%dma_wait3A_225 : memref<64xi32, #tpu.memory_space<vmem>>)
      %dma_wait3A_227 = arith.constant 1 : i32
      %dma_wait3A_228 = arith.constant 0 : i32
      %dma_wait3A_229 = tpu.memref_slice %arg7[%dma_wait3A_227, %dma_wait3A_228] : memref<2x64xi32, #tpu.memory_space<vmem>> -> memref<1x64xi32, #tpu.memory_space<vmem>>
      %dma_wait3A_230 = tpu.memref_squeeze %dma_wait3A_229 : memref<1x64xi32, #tpu.memory_space<vmem>> -> memref<64xi32, #tpu.memory_space<vmem>>
      %dma_wait3A_231 = tpu.memref_slice %arg4[%add3A_107] : memref<320000xi32, #tpu.memory_space<hbm>> -> memref<64xi32, #tpu.memory_space<hbm>>
      %dma_wait3A_232 = arith.constant 0 : i32
      %dma_wait3A_233 = tpu.memref_slice %arg7[%dma_wait3A_227, %dma_wait3A_232] : memref<2x64xi32, #tpu.memory_space<vmem>> -> memref<1x64xi32, #tpu.memory_space<vmem>>
      %dma_wait3A_234 = tpu.memref_squeeze %dma_wait3A_233 : memref<1x64xi32, #tpu.memory_space<vmem>> -> memref<64xi32, #tpu.memory_space<vmem>>
      %dma_wait3A_235 = tpu.memref_slice %arg4[%add3A_107] : memref<320000xi32, #tpu.memory_space<hbm>> -> memref<64xi32, #tpu.memory_space<hbm>>
      tpu.wait_dma2 semaphore(%arg19 : memref<!tpu.dma_semaphore, #tpu.memory_space<semaphore_mem>>) src(%dma_wait3A_235 : memref<64xi32, #tpu.memory_space<hbm>>) dst(%dma_wait3A_234 : memref<64xi32, #tpu.memory_space<vmem>>)
      %scan3A_236 = arith.constant 0 : i32
      %scan3A_237 = arith.constant 4 : i32
      %scan3A_238 = arith.addi %scan3A_236, %scan3A_237 : i32
      %scan3A_239 = arith.constant 1 : i32
      scf.for %scan3A_473 = %scan3A_236 to %scan3A_238 step %scan3A_239  : i32 {
        %mul3A_474 = arith.constant 16 : i32
        %mul3A_475 = arith.muli %scan3A_473, %mul3A_474 : i32
        %add3A_476 = arith.constant 0 : i32
        %add3A_477 = arith.addi %add3A_476, %mul3A_475 : i32
        %get3A = arith.constant 0 : i32
        %get3A_478 = arith.index_cast %get3A : i32 to index
        %get3A_479 = arith.index_cast %add3A_477 : i32 to index
        %get3A_480 = tpu.vector_load %arg7[%get3A_478, %get3A_479] {strides = array<i32>} : memref<2x64xi32, #tpu.memory_space<vmem>>, vector<16xi32>,
        %add3A_481 = arith.addi %get3A_480, %get3A_480 : vector<16xi32>
        %add3A_482 = vector.broadcast %arg0 : i32 to vector<16xi32>
        %add3A_483 = arith.addi %add3A_481, %add3A_482 : vector<16xi32>
        %swap3A = arith.constant 0 : i32
        %swap3A_484 = arith.index_cast %swap3A : i32 to index
        %swap3A_485 = arith.index_cast %add3A_477 : i32 to index
        %swap3A_486 = tpu.vector_load %arg7[%swap3A_484, %swap3A_485] {strides = array<i32>} : memref<2x64xi32, #tpu.memory_space<vmem>>, vector<16xi32>,
        tpu.vector_store %arg7[%swap3A_484, %swap3A_485], %add3A_483 {strides = array<i32>} : memref<2x64xi32, #tpu.memory_space<vmem>>, vector<16xi32>,
      }
      %scan3A_240 = arith.constant 4 : i32
      %dma_start3A_241 = arith.constant 0 : i32
      %dma_start3A_242 = arith.constant 0 : i32
      %dma_start3A_243 = tpu.memref_slice %arg7[%dma_start3A_241, %dma_start3A_242] : memref<2x64xi32, #tpu.memory_space<vmem>> -> memref<1x64xi32, #tpu.memory_space<vmem>>
      %dma_start3A_244 = tpu.memref_squeeze %dma_start3A_243 : memref<1x64xi32, #tpu.memory_space<vmem>> -> memref<64xi32, #tpu.memory_space<vmem>>
      %dma_start3A_245 = arith.constant 0 : i32
      %dma_start3A_246 = arith.constant 0 : i32
      %dma_start3A_247 = tpu.memref_slice %arg2[%dma_start3A_245, %dma_start3A_246] : memref<20000x128xf32, #tpu.memory_space<hbm>> -> memref<20000x128xf32, #tpu.memory_space<hbm>>
      tpu.enqueue_indirect_dma source(%dma_start3A_247 : memref<20000x128xf32, #tpu.memory_space<hbm>>) target(%arg12 : memref<64x128xf32, #tpu.memory_space<vmem>>) offsets(%dma_start3A_244 : memref<64xi32, #tpu.memory_space<vmem>>) semaphore(%arg24 : memref<!tpu.dma_semaphore, #tpu.memory_space<semaphore_mem>>)
      %dma_wait3A_248 = arith.constant 0 : i32
      %dma_wait3A_249 = arith.constant 0 : i32
      %dma_wait3A_250 = tpu.memref_slice %arg8[%dma_wait3A_248, %dma_wait3A_249] : memref<2x64xi32, #tpu.memory_space<vmem>> -> memref<1x64xi32, #tpu.memory_space<vmem>>
      %dma_wait3A_251 = tpu.memref_squeeze %dma_wait3A_250 : memref<1x64xi32, #tpu.memory_space<vmem>> -> memref<64xi32, #tpu.memory_space<vmem>>
      %dma_wait3A_252 = tpu.memref_slice %arg3[%add3A_130] : memref<320000xi32, #tpu.memory_space<hbm>> -> memref<64xi32, #tpu.memory_space<hbm>>
      %dma_wait3A_253 = arith.constant 0 : i32
      %dma_wait3A_254 = tpu.memref_slice %arg8[%dma_wait3A_248, %dma_wait3A_253] : memref<2x64xi32, #tpu.memory_space<vmem>> -> memref<1x64xi32, #tpu.memory_space<vmem>>
      %dma_wait3A_255 = tpu.memref_squeeze %dma_wait3A_254 : memref<1x64xi32, #tpu.memory_space<vmem>> -> memref<64xi32, #tpu.memory_space<vmem>>
      %dma_wait3A_256 = tpu.memref_slice %arg3[%add3A_130] : memref<320000xi32, #tpu.memory_space<hbm>> -> memref<64xi32, #tpu.memory_space<hbm>>
      tpu.wait_dma2 semaphore(%arg20 : memref<!tpu.dma_semaphore, #tpu.memory_space<semaphore_mem>>) src(%dma_wait3A_256 : memref<64xi32, #tpu.memory_space<hbm>>) dst(%dma_wait3A_255 : memref<64xi32, #tpu.memory_space<vmem>>)
      %dma_wait3A_257 = arith.constant 1 : i32
      %dma_wait3A_258 = arith.constant 0 : i32
      %dma_wait3A_259 = tpu.memref_slice %arg8[%dma_wait3A_257, %dma_wait3A_258] : memref<2x64xi32, #tpu.memory_space<vmem>> -> memref<1x64xi32, #tpu.memory_space<vmem>>
      %dma_wait3A_260 = tpu.memref_squeeze %dma_wait3A_259 : memref<1x64xi32, #tpu.memory_space<vmem>> -> memref<64xi32, #tpu.memory_space<vmem>>
      %dma_wait3A_261 = tpu.memref_slice %arg4[%add3A_130] : memref<320000xi32, #tpu.memory_space<hbm>> -> memref<64xi32, #tpu.memory_space<hbm>>
      %dma_wait3A_262 = arith.constant 0 : i32
      %dma_wait3A_263 = tpu.memref_slice %arg8[%dma_wait3A_257, %dma_wait3A_262] : memref<2x64xi32, #tpu.memory_space<vmem>> -> memref<1x64xi32, #tpu.memory_space<vmem>>
      %dma_wait3A_264 = tpu.memref_squeeze %dma_wait3A_263 : memref<1x64xi32, #tpu.memory_space<vmem>> -> memref<64xi32, #tpu.memory_space<vmem>>
      %dma_wait3A_265 = tpu.memref_slice %arg4[%add3A_130] : memref<320000xi32, #tpu.memory_space<hbm>> -> memref<64xi32, #tpu.memory_space<hbm>>
      tpu.wait_dma2 semaphore(%arg20 : memref<!tpu.dma_semaphore, #tpu.memory_space<semaphore_mem>>) src(%dma_wait3A_265 : memref<64xi32, #tpu.memory_space<hbm>>) dst(%dma_wait3A_264 : memref<64xi32, #tpu.memory_space<vmem>>)
      %scan3A_266 = arith.constant 0 : i32
      %scan3A_267 = arith.constant 4 : i32
      %scan3A_268 = arith.addi %scan3A_266, %scan3A_267 : i32
      %scan3A_269 = arith.constant 1 : i32
      scf.for %scan3A_473 = %scan3A_266 to %scan3A_268 step %scan3A_269  : i32 {
        %mul3A_474 = arith.constant 16 : i32
        %mul3A_475 = arith.muli %scan3A_473, %mul3A_474 : i32
        %add3A_476 = arith.constant 0 : i32
        %add3A_477 = arith.addi %add3A_476, %mul3A_475 : i32
        %get3A = arith.constant 0 : i32
        %get3A_478 = arith.index_cast %get3A : i32 to index
        %get3A_479 = arith.index_cast %add3A_477 : i32 to index
        %get3A_480 = tpu.vector_load %arg8[%get3A_478, %get3A_479] {strides = array<i32>} : memref<2x64xi32, #tpu.memory_space<vmem>>, vector<16xi32>,
        %add3A_481 = arith.addi %get3A_480, %get3A_480 : vector<16xi32>
        %add3A_482 = vector.broadcast %arg0 : i32 to vector<16xi32>
        %add3A_483 = arith.addi %add3A_481, %add3A_482 : vector<16xi32>
        %swap3A = arith.constant 0 : i32
        %swap3A_484 = arith.index_cast %swap3A : i32 to index
        %swap3A_485 = arith.index_cast %add3A_477 : i32 to index
        %swap3A_486 = tpu.vector_load %arg8[%swap3A_484, %swap3A_485] {strides = array<i32>} : memref<2x64xi32, #tpu.memory_space<vmem>>, vector<16xi32>,
        tpu.vector_store %arg8[%swap3A_484, %swap3A_485], %add3A_483 {strides = array<i32>} : memref<2x64xi32, #tpu.memory_space<vmem>>, vector<16xi32>,
      }
      %scan3A_270 = arith.constant 4 : i32
      %dma_start3A_271 = arith.constant 0 : i32
      %dma_start3A_272 = arith.constant 0 : i32
      %dma_start3A_273 = tpu.memref_slice %arg8[%dma_start3A_271, %dma_start3A_272] : memref<2x64xi32, #tpu.memory_space<vmem>> -> memref<1x64xi32, #tpu.memory_space<vmem>>
      %dma_start3A_274 = tpu.memref_squeeze %dma_start3A_273 : memref<1x64xi32, #tpu.memory_space<vmem>> -> memref<64xi32, #tpu.memory_space<vmem>>
      %dma_start3A_275 = arith.constant 0 : i32
      %dma_start3A_276 = arith.constant 0 : i32
      %dma_start3A_277 = tpu.memref_slice %arg2[%dma_start3A_275, %dma_start3A_276] : memref<20000x128xf32, #tpu.memory_space<hbm>> -> memref<20000x128xf32, #tpu.memory_space<hbm>>
      tpu.enqueue_indirect_dma source(%dma_start3A_277 : memref<20000x128xf32, #tpu.memory_space<hbm>>) target(%arg13 : memref<64x128xf32, #tpu.memory_space<vmem>>) offsets(%dma_start3A_274 : memref<64xi32, #tpu.memory_space<vmem>>) semaphore(%arg25 : memref<!tpu.dma_semaphore, #tpu.memory_space<semaphore_mem>>)
      %dma_wait3A_278 = arith.constant 0 : i32
      %dma_wait3A_279 = arith.constant 0 : i32
      %dma_wait3A_280 = tpu.memref_slice %arg9[%dma_wait3A_278, %dma_wait3A_279] : memref<2x64xi32, #tpu.memory_space<vmem>> -> memref<1x64xi32, #tpu.memory_space<vmem>>
      %dma_wait3A_281 = tpu.memref_squeeze %dma_wait3A_280 : memref<1x64xi32, #tpu.memory_space<vmem>> -> memref<64xi32, #tpu.memory_space<vmem>>
      %dma_wait3A_282 = tpu.memref_slice %arg3[%add3A_153] : memref<320000xi32, #tpu.memory_space<hbm>> -> memref<64xi32, #tpu.memory_space<hbm>>
      %dma_wait3A_283 = arith.constant 0 : i32
      %dma_wait3A_284 = tpu.memref_slice %arg9[%dma_wait3A_278, %dma_wait3A_283] : memref<2x64xi32, #tpu.memory_space<vmem>> -> memref<1x64xi32, #tpu.memory_space<vmem>>
      %dma_wait3A_285 = tpu.memref_squeeze %dma_wait3A_284 : memref<1x64xi32, #tpu.memory_space<vmem>> -> memref<64xi32, #tpu.memory_space<vmem>>
      %dma_wait3A_286 = tpu.memref_slice %arg3[%add3A_153] : memref<320000xi32, #tpu.memory_space<hbm>> -> memref<64xi32, #tpu.memory_space<hbm>>
      tpu.wait_dma2 semaphore(%arg21 : memref<!tpu.dma_semaphore, #tpu.memory_space<semaphore_mem>>) src(%dma_wait3A_286 : memref<64xi32, #tpu.memory_space<hbm>>) dst(%dma_wait3A_285 : memref<64xi32, #tpu.memory_space<vmem>>)
      %dma_wait3A_287 = arith.constant 1 : i32
      %dma_wait3A_288 = arith.constant 0 : i32
      %dma_wait3A_289 = tpu.memref_slice %arg9[%dma_wait3A_287, %dma_wait3A_288] : memref<2x64xi32, #tpu.memory_space<vmem>> -> memref<1x64xi32, #tpu.memory_space<vmem>>
      %dma_wait3A_290 = tpu.memref_squeeze %dma_wait3A_289 : memref<1x64xi32, #tpu.memory_space<vmem>> -> memref<64xi32, #tpu.memory_space<vmem>>
      %dma_wait3A_291 = tpu.memref_slice %arg4[%add3A_153] : memref<320000xi32, #tpu.memory_space<hbm>> -> memref<64xi32, #tpu.memory_space<hbm>>
      %dma_wait3A_292 = arith.constant 0 : i32
      %dma_wait3A_293 = tpu.memref_slice %arg9[%dma_wait3A_287, %dma_wait3A_292] : memref<2x64xi32, #tpu.memory_space<vmem>> -> memref<1x64xi32, #tpu.memory_space<vmem>>
      %dma_wait3A_294 = tpu.memref_squeeze %dma_wait3A_293 : memref<1x64xi32, #tpu.memory_space<vmem>> -> memref<64xi32, #tpu.memory_space<vmem>>
      %dma_wait3A_295 = tpu.memref_slice %arg4[%add3A_153] : memref<320000xi32, #tpu.memory_space<hbm>> -> memref<64xi32, #tpu.memory_space<hbm>>
      tpu.wait_dma2 semaphore(%arg21 : memref<!tpu.dma_semaphore, #tpu.memory_space<semaphore_mem>>) src(%dma_wait3A_295 : memref<64xi32, #tpu.memory_space<hbm>>) dst(%dma_wait3A_294 : memref<64xi32, #tpu.memory_space<vmem>>)
      %scan3A_296 = arith.constant 0 : i32
      %scan3A_297 = arith.constant 4 : i32
      %scan3A_298 = arith.addi %scan3A_296, %scan3A_297 : i32
      %scan3A_299 = arith.constant 1 : i32
      scf.for %scan3A_473 = %scan3A_296 to %scan3A_298 step %scan3A_299  : i32 {
        %mul3A_474 = arith.constant 16 : i32
        %mul3A_475 = arith.muli %scan3A_473, %mul3A_474 : i32
        %add3A_476 = arith.constant 0 : i32
        %add3A_477 = arith.addi %add3A_476, %mul3A_475 : i32
        %get3A = arith.constant 0 : i32
        %get3A_478 = arith.index_cast %get3A : i32 to index
        %get3A_479 = arith.index_cast %add3A_477 : i32 to index
        %get3A_480 = tpu.vector_load %arg9[%get3A_478, %get3A_479] {strides = array<i32>} : memref<2x64xi32, #tpu.memory_space<vmem>>, vector<16xi32>,
        %add3A_481 = arith.addi %get3A_480, %get3A_480 : vector<16xi32>
        %add3A_482 = vector.broadcast %arg0 : i32 to vector<16xi32>
        %add3A_483 = arith.addi %add3A_481, %add3A_482 : vector<16xi32>
        %swap3A = arith.constant 0 : i32
        %swap3A_484 = arith.index_cast %swap3A : i32 to index
        %swap3A_485 = arith.index_cast %add3A_477 : i32 to index
        %swap3A_486 = tpu.vector_load %arg9[%swap3A_484, %swap3A_485] {strides = array<i32>} : memref<2x64xi32, #tpu.memory_space<vmem>>, vector<16xi32>,
        tpu.vector_store %arg9[%swap3A_484, %swap3A_485], %add3A_483 {strides = array<i32>} : memref<2x64xi32, #tpu.memory_space<vmem>>, vector<16xi32>,
      }
      %scan3A_300 = arith.constant 4 : i32
      %dma_start3A_301 = arith.constant 0 : i32
      %dma_start3A_302 = arith.constant 0 : i32
      %dma_start3A_303 = tpu.memref_slice %arg9[%dma_start3A_301, %dma_start3A_302] : memref<2x64xi32, #tpu.memory_space<vmem>> -> memref<1x64xi32, #tpu.memory_space<vmem>>
      %dma_start3A_304 = tpu.memref_squeeze %dma_start3A_303 : memref<1x64xi32, #tpu.memory_space<vmem>> -> memref<64xi32, #tpu.memory_space<vmem>>
      %dma_start3A_305 = arith.constant 0 : i32
      %dma_start3A_306 = arith.constant 0 : i32
      %dma_start3A_307 = tpu.memref_slice %arg2[%dma_start3A_305, %dma_start3A_306] : memref<20000x128xf32, #tpu.memory_space<hbm>> -> memref<20000x128xf32, #tpu.memory_space<hbm>>
      tpu.enqueue_indirect_dma source(%dma_start3A_307 : memref<20000x128xf32, #tpu.memory_space<hbm>>) target(%arg14 : memref<64x128xf32, #tpu.memory_space<vmem>>) offsets(%dma_start3A_304 : memref<64xi32, #tpu.memory_space<vmem>>) semaphore(%arg26 : memref<!tpu.dma_semaphore, #tpu.memory_space<semaphore_mem>>)
      %dma_wait3A_308 = arith.constant 0 : i32
      %dma_wait3A_309 = arith.constant 0 : i32
      %dma_wait3A_310 = tpu.memref_slice %arg10[%dma_wait3A_308, %dma_wait3A_309] : memref<2x64xi32, #tpu.memory_space<vmem>> -> memref<1x64xi32, #tpu.memory_space<vmem>>
      %dma_wait3A_311 = tpu.memref_squeeze %dma_wait3A_310 : memref<1x64xi32, #tpu.memory_space<vmem>> -> memref<64xi32, #tpu.memory_space<vmem>>
      %dma_wait3A_312 = tpu.memref_slice %arg3[%add3A_176] : memref<320000xi32, #tpu.memory_space<hbm>> -> memref<64xi32, #tpu.memory_space<hbm>>
      %dma_wait3A_313 = arith.constant 0 : i32
      %dma_wait3A_314 = tpu.memref_slice %arg10[%dma_wait3A_308, %dma_wait3A_313] : memref<2x64xi32, #tpu.memory_space<vmem>> -> memref<1x64xi32, #tpu.memory_space<vmem>>
      %dma_wait3A_315 = tpu.memref_squeeze %dma_wait3A_314 : memref<1x64xi32, #tpu.memory_space<vmem>> -> memref<64xi32, #tpu.memory_space<vmem>>
      %dma_wait3A_316 = tpu.memref_slice %arg3[%add3A_176] : memref<320000xi32, #tpu.memory_space<hbm>> -> memref<64xi32, #tpu.memory_space<hbm>>
      tpu.wait_dma2 semaphore(%arg22 : memref<!tpu.dma_semaphore, #tpu.memory_space<semaphore_mem>>) src(%dma_wait3A_316 : memref<64xi32, #tpu.memory_space<hbm>>) dst(%dma_wait3A_315 : memref<64xi32, #tpu.memory_space<vmem>>)
      %dma_wait3A_317 = arith.constant 1 : i32
      %dma_wait3A_318 = arith.constant 0 : i32
      %dma_wait3A_319 = tpu.memref_slice %arg10[%dma_wait3A_317, %dma_wait3A_318] : memref<2x64xi32, #tpu.memory_space<vmem>> -> memref<1x64xi32, #tpu.memory_space<vmem>>
      %dma_wait3A_320 = tpu.memref_squeeze %dma_wait3A_319 : memref<1x64xi32, #tpu.memory_space<vmem>> -> memref<64xi32, #tpu.memory_space<vmem>>
      %dma_wait3A_321 = tpu.memref_slice %arg4[%add3A_176] : memref<320000xi32, #tpu.memory_space<hbm>> -> memref<64xi32, #tpu.memory_space<hbm>>
      %dma_wait3A_322 = arith.constant 0 : i32
      %dma_wait3A_323 = tpu.memref_slice %arg10[%dma_wait3A_317, %dma_wait3A_322] : memref<2x64xi32, #tpu.memory_space<vmem>> -> memref<1x64xi32, #tpu.memory_space<vmem>>
      %dma_wait3A_324 = tpu.memref_squeeze %dma_wait3A_323 : memref<1x64xi32, #tpu.memory_space<vmem>> -> memref<64xi32, #tpu.memory_space<vmem>>
      %dma_wait3A_325 = tpu.memref_slice %arg4[%add3A_176] : memref<320000xi32, #tpu.memory_space<hbm>> -> memref<64xi32, #tpu.memory_space<hbm>>
      tpu.wait_dma2 semaphore(%arg22 : memref<!tpu.dma_semaphore, #tpu.memory_space<semaphore_mem>>) src(%dma_wait3A_325 : memref<64xi32, #tpu.memory_space<hbm>>) dst(%dma_wait3A_324 : memref<64xi32, #tpu.memory_space<vmem>>)
      %scan3A_326 = arith.constant 0 : i32
      %scan3A_327 = arith.constant 4 : i32
      %scan3A_328 = arith.addi %scan3A_326, %scan3A_327 : i32
      %scan3A_329 = arith.constant 1 : i32
      scf.for %scan3A_473 = %scan3A_326 to %scan3A_328 step %scan3A_329  : i32 {
        %mul3A_474 = arith.constant 16 : i32
        %mul3A_475 = arith.muli %scan3A_473, %mul3A_474 : i32
        %add3A_476 = arith.constant 0 : i32
        %add3A_477 = arith.addi %add3A_476, %mul3A_475 : i32
        %get3A = arith.constant 0 : i32
        %get3A_478 = arith.index_cast %get3A : i32 to index
        %get3A_479 = arith.index_cast %add3A_477 : i32 to index
        %get3A_480 = tpu.vector_load %arg10[%get3A_478, %get3A_479] {strides = array<i32>} : memref<2x64xi32, #tpu.memory_space<vmem>>, vector<16xi32>,
        %add3A_481 = arith.addi %get3A_480, %get3A_480 : vector<16xi32>
        %add3A_482 = vector.broadcast %arg0 : i32 to vector<16xi32>
        %add3A_483 = arith.addi %add3A_481, %add3A_482 : vector<16xi32>
        %swap3A = arith.constant 0 : i32
        %swap3A_484 = arith.index_cast %swap3A : i32 to index
        %swap3A_485 = arith.index_cast %add3A_477 : i32 to index
        %swap3A_486 = tpu.vector_load %arg10[%swap3A_484, %swap3A_485] {strides = array<i32>} : memref<2x64xi32, #tpu.memory_space<vmem>>, vector<16xi32>,
        tpu.vector_store %arg10[%swap3A_484, %swap3A_485], %add3A_483 {strides = array<i32>} : memref<2x64xi32, #tpu.memory_space<vmem>>, vector<16xi32>,
      }
      %scan3A_330 = arith.constant 4 : i32
      %dma_start3A_331 = arith.constant 0 : i32
      %dma_start3A_332 = arith.constant 0 : i32
      %dma_start3A_333 = tpu.memref_slice %arg10[%dma_start3A_331, %dma_start3A_332] : memref<2x64xi32, #tpu.memory_space<vmem>> -> memref<1x64xi32, #tpu.memory_space<vmem>>
      %dma_start3A_334 = tpu.memref_squeeze %dma_start3A_333 : memref<1x64xi32, #tpu.memory_space<vmem>> -> memref<64xi32, #tpu.memory_space<vmem>>
      %dma_start3A_335 = arith.constant 0 : i32
      %dma_start3A_336 = arith.constant 0 : i32
      %dma_start3A_337 = tpu.memref_slice %arg2[%dma_start3A_335, %dma_start3A_336] : memref<20000x128xf32, #tpu.memory_space<hbm>> -> memref<20000x128xf32, #tpu.memory_space<hbm>>
      tpu.enqueue_indirect_dma source(%dma_start3A_337 : memref<20000x128xf32, #tpu.memory_space<hbm>>) target(%arg15 : memref<64x128xf32, #tpu.memory_space<vmem>>) offsets(%dma_start3A_334 : memref<64xi32, #tpu.memory_space<vmem>>) semaphore(%arg27 : memref<!tpu.dma_semaphore, #tpu.memory_space<semaphore_mem>>)
      %dma_wait3A_338 = arith.constant 0 : i32
      %dma_wait3A_339 = arith.constant 0 : i32
      %dma_wait3A_340 = tpu.memref_slice %arg11[%dma_wait3A_338, %dma_wait3A_339] : memref<2x64xi32, #tpu.memory_space<vmem>> -> memref<1x64xi32, #tpu.memory_space<vmem>>
      %dma_wait3A_341 = tpu.memref_squeeze %dma_wait3A_340 : memref<1x64xi32, #tpu.memory_space<vmem>> -> memref<64xi32, #tpu.memory_space<vmem>>
      %dma_wait3A_342 = tpu.memref_slice %arg3[%add3A_199] : memref<320000xi32, #tpu.memory_space<hbm>> -> memref<64xi32, #tpu.memory_space<hbm>>
      %dma_wait3A_343 = arith.constant 0 : i32
      %dma_wait3A_344 = tpu.memref_slice %arg11[%dma_wait3A_338, %dma_wait3A_343] : memref<2x64xi32, #tpu.memory_space<vmem>> -> memref<1x64xi32, #tpu.memory_space<vmem>>
      %dma_wait3A_345 = tpu.memref_squeeze %dma_wait3A_344 : memref<1x64xi32, #tpu.memory_space<vmem>> -> memref<64xi32, #tpu.memory_space<vmem>>
      %dma_wait3A_346 = tpu.memref_slice %arg3[%add3A_199] : memref<320000xi32, #tpu.memory_space<hbm>> -> memref<64xi32, #tpu.memory_space<hbm>>
      tpu.wait_dma2 semaphore(%arg23 : memref<!tpu.dma_semaphore, #tpu.memory_space<semaphore_mem>>) src(%dma_wait3A_346 : memref<64xi32, #tpu.memory_space<hbm>>) dst(%dma_wait3A_345 : memref<64xi32, #tpu.memory_space<vmem>>)
      %dma_wait3A_347 = arith.constant 1 : i32
      %dma_wait3A_348 = arith.constant 0 : i32
      %dma_wait3A_349 = tpu.memref_slice %arg11[%dma_wait3A_347, %dma_wait3A_348] : memref<2x64xi32, #tpu.memory_space<vmem>> -> memref<1x64xi32, #tpu.memory_space<vmem>>
      %dma_wait3A_350 = tpu.memref_squeeze %dma_wait3A_349 : memref<1x64xi32, #tpu.memory_space<vmem>> -> memref<64xi32, #tpu.memory_space<vmem>>
      %dma_wait3A_351 = tpu.memref_slice %arg4[%add3A_199] : memref<320000xi32, #tpu.memory_space<hbm>> -> memref<64xi32, #tpu.memory_space<hbm>>
      %dma_wait3A_352 = arith.constant 0 : i32
      %dma_wait3A_353 = tpu.memref_slice %arg11[%dma_wait3A_347, %dma_wait3A_352] : memref<2x64xi32, #tpu.memory_space<vmem>> -> memref<1x64xi32, #tpu.memory_space<vmem>>
      %dma_wait3A_354 = tpu.memref_squeeze %dma_wait3A_353 : memref<1x64xi32, #tpu.memory_space<vmem>> -> memref<64xi32, #tpu.memory_space<vmem>>
      %dma_wait3A_355 = tpu.memref_slice %arg4[%add3A_199] : memref<320000xi32, #tpu.memory_space<hbm>> -> memref<64xi32, #tpu.memory_space<hbm>>
      tpu.wait_dma2 semaphore(%arg23 : memref<!tpu.dma_semaphore, #tpu.memory_space<semaphore_mem>>) src(%dma_wait3A_355 : memref<64xi32, #tpu.memory_space<hbm>>) dst(%dma_wait3A_354 : memref<64xi32, #tpu.memory_space<vmem>>)
      %scan3A_356 = arith.constant 0 : i32
      %scan3A_357 = arith.constant 4 : i32
      %scan3A_358 = arith.addi %scan3A_356, %scan3A_357 : i32
      %scan3A_359 = arith.constant 1 : i32
      scf.for %scan3A_473 = %scan3A_356 to %scan3A_358 step %scan3A_359  : i32 {
        %mul3A_474 = arith.constant 16 : i32
        %mul3A_475 = arith.muli %scan3A_473, %mul3A_474 : i32
        %add3A_476 = arith.constant 0 : i32
        %add3A_477 = arith.addi %add3A_476, %mul3A_475 : i32
        %get3A = arith.constant 0 : i32
        %get3A_478 = arith.index_cast %get3A : i32 to index
        %get3A_479 = arith.index_cast %add3A_477 : i32 to index
        %get3A_480 = tpu.vector_load %arg11[%get3A_478, %get3A_479] {strides = array<i32>} : memref<2x64xi32, #tpu.memory_space<vmem>>, vector<16xi32>,
        %add3A_481 = arith.addi %get3A_480, %get3A_480 : vector<16xi32>
        %add3A_482 = vector.broadcast %arg0 : i32 to vector<16xi32>
        %add3A_483 = arith.addi %add3A_481, %add3A_482 : vector<16xi32>
        %swap3A = arith.constant 0 : i32
        %swap3A_484 = arith.index_cast %swap3A : i32 to index
        %swap3A_485 = arith.index_cast %add3A_477 : i32 to index
        %swap3A_486 = tpu.vector_load %arg11[%swap3A_484, %swap3A_485] {strides = array<i32>} : memref<2x64xi32, #tpu.memory_space<vmem>>, vector<16xi32>,
        tpu.vector_store %arg11[%swap3A_484, %swap3A_485], %add3A_483 {strides = array<i32>} : memref<2x64xi32, #tpu.memory_space<vmem>>, vector<16xi32>,
      }
      %scan3A_360 = arith.constant 4 : i32
      %dma_start3A_361 = arith.constant 0 : i32
      %dma_start3A_362 = arith.constant 0 : i32
      %dma_start3A_363 = tpu.memref_slice %arg11[%dma_start3A_361, %dma_start3A_362] : memref<2x64xi32, #tpu.memory_space<vmem>> -> memref<1x64xi32, #tpu.memory_space<vmem>>
      %dma_start3A_364 = tpu.memref_squeeze %dma_start3A_363 : memref<1x64xi32, #tpu.memory_space<vmem>> -> memref<64xi32, #tpu.memory_space<vmem>>
      %dma_start3A_365 = arith.constant 0 : i32
      %dma_start3A_366 = arith.constant 0 : i32
      %dma_start3A_367 = tpu.memref_slice %arg2[%dma_start3A_365, %dma_start3A_366] : memref<20000x128xf32, #tpu.memory_space<hbm>> -> memref<20000x128xf32, #tpu.memory_space<hbm>>
      tpu.enqueue_indirect_dma source(%dma_start3A_367 : memref<20000x128xf32, #tpu.memory_space<hbm>>) target(%arg16 : memref<64x128xf32, #tpu.memory_space<vmem>>) offsets(%dma_start3A_364 : memref<64xi32, #tpu.memory_space<vmem>>) semaphore(%arg28 : memref<!tpu.dma_semaphore, #tpu.memory_space<semaphore_mem>>)
      %dma_wait3A_368 = arith.constant 0 : i32
      %dma_wait3A_369 = arith.constant 0 : i32
      %dma_wait3A_370 = tpu.memref_slice %arg7[%dma_wait3A_368, %dma_wait3A_369] : memref<2x64xi32, #tpu.memory_space<vmem>> -> memref<1x64xi32, #tpu.memory_space<vmem>>
      %dma_wait3A_371 = tpu.memref_squeeze %dma_wait3A_370 : memref<1x64xi32, #tpu.memory_space<vmem>> -> memref<64xi32, #tpu.memory_space<vmem>>
      %dma_wait3A_372 = arith.constant 0 : i32
      %dma_wait3A_373 = arith.constant 0 : i32
      %dma_wait3A_374 = tpu.memref_slice %arg2[%dma_wait3A_372, %dma_wait3A_373] : memref<20000x128xf32, #tpu.memory_space<hbm>> -> memref<20000x128xf32, #tpu.memory_space<hbm>>
      tpu.wait_indirect_dma semaphore(%arg24 : memref<!tpu.dma_semaphore, #tpu.memory_space<semaphore_mem>>) src(%dma_wait3A_374 : memref<20000x128xf32, #tpu.memory_space<hbm>>) dst(%arg12 : memref<64x128xf32, #tpu.memory_space<vmem>>)
      %dma_start3A_375 = arith.constant 1 : i32
      %dma_start3A_376 = arith.constant 0 : i32
      %dma_start3A_377 = tpu.memref_slice %arg7[%dma_start3A_375, %dma_start3A_376] : memref<2x64xi32, #tpu.memory_space<vmem>> -> memref<1x64xi32, #tpu.memory_space<vmem>>
      %dma_start3A_378 = tpu.memref_squeeze %dma_start3A_377 : memref<1x64xi32, #tpu.memory_space<vmem>> -> memref<64xi32, #tpu.memory_space<vmem>>
      %dma_start3A_379 = arith.constant 0 : i32
      %dma_start3A_380 = arith.constant 0 : i32
      %dma_start3A_381 = tpu.memref_slice %arg18[%dma_start3A_379, %dma_start3A_380] : memref<10240x128xf32, #tpu.memory_space<vmem_shared>> -> memref<10240x128xf32, #tpu.memory_space<vmem_shared>>
      tpu.enqueue_indirect_dma source(%arg12 : memref<64x128xf32, #tpu.memory_space<vmem>>) target(%dma_start3A_381 : memref<10240x128xf32, #tpu.memory_space<vmem_shared>>) offsets(%dma_start3A_378 : memref<64xi32, #tpu.memory_space<vmem>>) semaphore(%arg29 : memref<!tpu.dma_semaphore, #tpu.memory_space<semaphore_mem>>) {add = true}
      %dma_wait3A_382 = arith.constant 0 : i32
      %dma_wait3A_383 = arith.constant 0 : i32
      %dma_wait3A_384 = tpu.memref_slice %arg8[%dma_wait3A_382, %dma_wait3A_383] : memref<2x64xi32, #tpu.memory_space<vmem>> -> memref<1x64xi32, #tpu.memory_space<vmem>>
      %dma_wait3A_385 = tpu.memref_squeeze %dma_wait3A_384 : memref<1x64xi32, #tpu.memory_space<vmem>> -> memref<64xi32, #tpu.memory_space<vmem>>
      %dma_wait3A_386 = arith.constant 0 : i32
      %dma_wait3A_387 = arith.constant 0 : i32
      %dma_wait3A_388 = tpu.memref_slice %arg2[%dma_wait3A_386, %dma_wait3A_387] : memref<20000x128xf32, #tpu.memory_space<hbm>> -> memref<20000x128xf32, #tpu.memory_space<hbm>>
      tpu.wait_indirect_dma semaphore(%arg25 : memref<!tpu.dma_semaphore, #tpu.memory_space<semaphore_mem>>) src(%dma_wait3A_388 : memref<20000x128xf32, #tpu.memory_space<hbm>>) dst(%arg13 : memref<64x128xf32, #tpu.memory_space<vmem>>)
      %dma_start3A_389 = arith.constant 1 : i32
      %dma_start3A_390 = arith.constant 0 : i32
      %dma_start3A_391 = tpu.memref_slice %arg8[%dma_start3A_389, %dma_start3A_390] : memref<2x64xi32, #tpu.memory_space<vmem>> -> memref<1x64xi32, #tpu.memory_space<vmem>>
      %dma_start3A_392 = tpu.memref_squeeze %dma_start3A_391 : memref<1x64xi32, #tpu.memory_space<vmem>> -> memref<64xi32, #tpu.memory_space<vmem>>
      %dma_start3A_393 = arith.constant 0 : i32
      %dma_start3A_394 = arith.constant 0 : i32
      %dma_start3A_395 = tpu.memref_slice %arg18[%dma_start3A_393, %dma_start3A_394] : memref<10240x128xf32, #tpu.memory_space<vmem_shared>> -> memref<10240x128xf32, #tpu.memory_space<vmem_shared>>
      tpu.enqueue_indirect_dma source(%arg13 : memref<64x128xf32, #tpu.memory_space<vmem>>) target(%dma_start3A_395 : memref<10240x128xf32, #tpu.memory_space<vmem_shared>>) offsets(%dma_start3A_392 : memref<64xi32, #tpu.memory_space<vmem>>) semaphore(%arg30 : memref<!tpu.dma_semaphore, #tpu.memory_space<semaphore_mem>>) {add = true}
      %dma_wait3A_396 = arith.constant 0 : i32
      %dma_wait3A_397 = arith.constant 0 : i32
      %dma_wait3A_398 = tpu.memref_slice %arg9[%dma_wait3A_396, %dma_wait3A_397] : memref<2x64xi32, #tpu.memory_space<vmem>> -> memref<1x64xi32, #tpu.memory_space<vmem>>
      %dma_wait3A_399 = tpu.memref_squeeze %dma_wait3A_398 : memref<1x64xi32, #tpu.memory_space<vmem>> -> memref<64xi32, #tpu.memory_space<vmem>>
      %dma_wait3A_400 = arith.constant 0 : i32
      %dma_wait3A_401 = arith.constant 0 : i32
      %dma_wait3A_402 = tpu.memref_slice %arg2[%dma_wait3A_400, %dma_wait3A_401] : memref<20000x128xf32, #tpu.memory_space<hbm>> -> memref<20000x128xf32, #tpu.memory_space<hbm>>
      tpu.wait_indirect_dma semaphore(%arg26 : memref<!tpu.dma_semaphore, #tpu.memory_space<semaphore_mem>>) src(%dma_wait3A_402 : memref<20000x128xf32, #tpu.memory_space<hbm>>) dst(%arg14 : memref<64x128xf32, #tpu.memory_space<vmem>>)
      %dma_start3A_403 = arith.constant 1 : i32
      %dma_start3A_404 = arith.constant 0 : i32
      %dma_start3A_405 = tpu.memref_slice %arg9[%dma_start3A_403, %dma_start3A_404] : memref<2x64xi32, #tpu.memory_space<vmem>> -> memref<1x64xi32, #tpu.memory_space<vmem>>
      %dma_start3A_406 = tpu.memref_squeeze %dma_start3A_405 : memref<1x64xi32, #tpu.memory_space<vmem>> -> memref<64xi32, #tpu.memory_space<vmem>>
      %dma_start3A_407 = arith.constant 0 : i32
      %dma_start3A_408 = arith.constant 0 : i32
      %dma_start3A_409 = tpu.memref_slice %arg18[%dma_start3A_407, %dma_start3A_408] : memref<10240x128xf32, #tpu.memory_space<vmem_shared>> -> memref<10240x128xf32, #tpu.memory_space<vmem_shared>>
      tpu.enqueue_indirect_dma source(%arg14 : memref<64x128xf32, #tpu.memory_space<vmem>>) target(%dma_start3A_409 : memref<10240x128xf32, #tpu.memory_space<vmem_shared>>) offsets(%dma_start3A_406 : memref<64xi32, #tpu.memory_space<vmem>>) semaphore(%arg31 : memref<!tpu.dma_semaphore, #tpu.memory_space<semaphore_mem>>) {add = true}
      %dma_wait3A_410 = arith.constant 0 : i32
      %dma_wait3A_411 = arith.constant 0 : i32
      %dma_wait3A_412 = tpu.memref_slice %arg10[%dma_wait3A_410, %dma_wait3A_411] : memref<2x64xi32, #tpu.memory_space<vmem>> -> memref<1x64xi32, #tpu.memory_space<vmem>>
      %dma_wait3A_413 = tpu.memref_squeeze %dma_wait3A_412 : memref<1x64xi32, #tpu.memory_space<vmem>> -> memref<64xi32, #tpu.memory_space<vmem>>
      %dma_wait3A_414 = arith.constant 0 : i32
      %dma_wait3A_415 = arith.constant 0 : i32
      %dma_wait3A_416 = tpu.memref_slice %arg2[%dma_wait3A_414, %dma_wait3A_415] : memref<20000x128xf32, #tpu.memory_space<hbm>> -> memref<20000x128xf32, #tpu.memory_space<hbm>>
      tpu.wait_indirect_dma semaphore(%arg27 : memref<!tpu.dma_semaphore, #tpu.memory_space<semaphore_mem>>) src(%dma_wait3A_416 : memref<20000x128xf32, #tpu.memory_space<hbm>>) dst(%arg15 : memref<64x128xf32, #tpu.memory_space<vmem>>)
      %dma_start3A_417 = arith.constant 1 : i32
      %dma_start3A_418 = arith.constant 0 : i32
      %dma_start3A_419 = tpu.memref_slice %arg10[%dma_start3A_417, %dma_start3A_418] : memref<2x64xi32, #tpu.memory_space<vmem>> -> memref<1x64xi32, #tpu.memory_space<vmem>>
      %dma_start3A_420 = tpu.memref_squeeze %dma_start3A_419 : memref<1x64xi32, #tpu.memory_space<vmem>> -> memref<64xi32, #tpu.memory_space<vmem>>
      %dma_start3A_421 = arith.constant 0 : i32
      %dma_start3A_422 = arith.constant 0 : i32
      %dma_start3A_423 = tpu.memref_slice %arg18[%dma_start3A_421, %dma_start3A_422] : memref<10240x128xf32, #tpu.memory_space<vmem_shared>> -> memref<10240x128xf32, #tpu.memory_space<vmem_shared>>
      tpu.enqueue_indirect_dma source(%arg15 : memref<64x128xf32, #tpu.memory_space<vmem>>) target(%dma_start3A_423 : memref<10240x128xf32, #tpu.memory_space<vmem_shared>>) offsets(%dma_start3A_420 : memref<64xi32, #tpu.memory_space<vmem>>) semaphore(%arg32 : memref<!tpu.dma_semaphore, #tpu.memory_space<semaphore_mem>>) {add = true}
      %dma_wait3A_424 = arith.constant 0 : i32
      %dma_wait3A_425 = arith.constant 0 : i32
      %dma_wait3A_426 = tpu.memref_slice %arg11[%dma_wait3A_424, %dma_wait3A_425] : memref<2x64xi32, #tpu.memory_space<vmem>> -> memref<1x64xi32, #tpu.memory_space<vmem>>
      %dma_wait3A_427 = tpu.memref_squeeze %dma_wait3A_426 : memref<1x64xi32, #tpu.memory_space<vmem>> -> memref<64xi32, #tpu.memory_space<vmem>>
      %dma_wait3A_428 = arith.constant 0 : i32
      %dma_wait3A_429 = arith.constant 0 : i32
      %dma_wait3A_430 = tpu.memref_slice %arg2[%dma_wait3A_428, %dma_wait3A_429] : memref<20000x128xf32, #tpu.memory_space<hbm>> -> memref<20000x128xf32, #tpu.memory_space<hbm>>
      tpu.wait_indirect_dma semaphore(%arg28 : memref<!tpu.dma_semaphore, #tpu.memory_space<semaphore_mem>>) src(%dma_wait3A_430 : memref<20000x128xf32, #tpu.memory_space<hbm>>) dst(%arg16 : memref<64x128xf32, #tpu.memory_space<vmem>>)
      %dma_start3A_431 = arith.constant 1 : i32
      %dma_start3A_432 = arith.constant 0 : i32
      %dma_start3A_433 = tpu.memref_slice %arg11[%dma_start3A_431, %dma_start3A_432] : memref<2x64xi32, #tpu.memory_space<vmem>> -> memref<1x64xi32, #tpu.memory_space<vmem>>
      %dma_start3A_434 = tpu.memref_squeeze %dma_start3A_433 : memref<1x64xi32, #tpu.memory_space<vmem>> -> memref<64xi32, #tpu.memory_space<vmem>>
      %dma_start3A_435 = arith.constant 0 : i32
      %dma_start3A_436 = arith.constant 0 : i32
      %dma_start3A_437 = tpu.memref_slice %arg18[%dma_start3A_435, %dma_start3A_436] : memref<10240x128xf32, #tpu.memory_space<vmem_shared>> -> memref<10240x128xf32, #tpu.memory_space<vmem_shared>>
      tpu.enqueue_indirect_dma source(%arg16 : memref<64x128xf32, #tpu.memory_space<vmem>>) target(%dma_start3A_437 : memref<10240x128xf32, #tpu.memory_space<vmem_shared>>) offsets(%dma_start3A_434 : memref<64xi32, #tpu.memory_space<vmem>>) semaphore(%arg33 : memref<!tpu.dma_semaphore, #tpu.memory_space<semaphore_mem>>) {add = true}
      %dma_wait3A_438 = arith.constant 1 : i32
      %dma_wait3A_439 = arith.constant 0 : i32
      %dma_wait3A_440 = tpu.memref_slice %arg7[%dma_wait3A_438, %dma_wait3A_439] : memref<2x64xi32, #tpu.memory_space<vmem>> -> memref<1x64xi32, #tpu.memory_space<vmem>>
      %dma_wait3A_441 = tpu.memref_squeeze %dma_wait3A_440 : memref<1x64xi32, #tpu.memory_space<vmem>> -> memref<64xi32, #tpu.memory_space<vmem>>
      %dma_wait3A_442 = arith.constant 0 : i32
      %dma_wait3A_443 = arith.constant 0 : i32
      %dma_wait3A_444 = tpu.memref_slice %arg18[%dma_wait3A_442, %dma_wait3A_443] : memref<10240x128xf32, #tpu.memory_space<vmem_shared>> -> memref<10240x128xf32, #tpu.memory_space<vmem_shared>>
      tpu.wait_indirect_dma semaphore(%arg29 : memref<!tpu.dma_semaphore, #tpu.memory_space<semaphore_mem>>) src(%arg12 : memref<64x128xf32, #tpu.memory_space<vmem>>) dst(%dma_wait3A_444 : memref<10240x128xf32, #tpu.memory_space<vmem_shared>>)
      %dma_wait3A_445 = arith.constant 1 : i32
      %dma_wait3A_446 = arith.constant 0 : i32
      %dma_wait3A_447 = tpu.memref_slice %arg8[%dma_wait3A_445, %dma_wait3A_446] : memref<2x64xi32, #tpu.memory_space<vmem>> -> memref<1x64xi32, #tpu.memory_space<vmem>>
      %dma_wait3A_448 = tpu.memref_squeeze %dma_wait3A_447 : memref<1x64xi32, #tpu.memory_space<vmem>> -> memref<64xi32, #tpu.memory_space<vmem>>
      %dma_wait3A_449 = arith.constant 0 : i32
      %dma_wait3A_450 = arith.constant 0 : i32
      %dma_wait3A_451 = tpu.memref_slice %arg18[%dma_wait3A_449, %dma_wait3A_450] : memref<10240x128xf32, #tpu.memory_space<vmem_shared>> -> memref<10240x128xf32, #tpu.memory_space<vmem_shared>>
      tpu.wait_indirect_dma semaphore(%arg30 : memref<!tpu.dma_semaphore, #tpu.memory_space<semaphore_mem>>) src(%arg13 : memref<64x128xf32, #tpu.memory_space<vmem>>) dst(%dma_wait3A_451 : memref<10240x128xf32, #tpu.memory_space<vmem_shared>>)
      %dma_wait3A_452 = arith.constant 1 : i32
      %dma_wait3A_453 = arith.constant 0 : i32
      %dma_wait3A_454 = tpu.memref_slice %arg9[%dma_wait3A_452, %dma_wait3A_453] : memref<2x64xi32, #tpu.memory_space<vmem>> -> memref<1x64xi32, #tpu.memory_space<vmem>>
      %dma_wait3A_455 = tpu.memref_squeeze %dma_wait3A_454 : memref<1x64xi32, #tpu.memory_space<vmem>> -> memref<64xi32, #tpu.memory_space<vmem>>
      %dma_wait3A_456 = arith.constant 0 : i32
      %dma_wait3A_457 = arith.constant 0 : i32
      %dma_wait3A_458 = tpu.memref_slice %arg18[%dma_wait3A_456, %dma_wait3A_457] : memref<10240x128xf32, #tpu.memory_space<vmem_shared>> -> memref<10240x128xf32, #tpu.memory_space<vmem_shared>>
      tpu.wait_indirect_dma semaphore(%arg31 : memref<!tpu.dma_semaphore, #tpu.memory_space<semaphore_mem>>) src(%arg14 : memref<64x128xf32, #tpu.memory_space<vmem>>) dst(%dma_wait3A_458 : memref<10240x128xf32, #tpu.memory_space<vmem_shared>>)
      %dma_wait3A_459 = arith.constant 1 : i32
      %dma_wait3A_460 = arith.constant 0 : i32
      %dma_wait3A_461 = tpu.memref_slice %arg10[%dma_wait3A_459, %dma_wait3A_460] : memref<2x64xi32, #tpu.memory_space<vmem>> -> memref<1x64xi32, #tpu.memory_space<vmem>>
      %dma_wait3A_462 = tpu.memref_squeeze %dma_wait3A_461 : memref<1x64xi32, #tpu.memory_space<vmem>> -> memref<64xi32, #tpu.memory_space<vmem>>
      %dma_wait3A_463 = arith.constant 0 : i32
      %dma_wait3A_464 = arith.constant 0 : i32
      %dma_wait3A_465 = tpu.memref_slice %arg18[%dma_wait3A_463, %dma_wait3A_464] : memref<10240x128xf32, #tpu.memory_space<vmem_shared>> -> memref<10240x128xf32, #tpu.memory_space<vmem_shared>>
      tpu.wait_indirect_dma semaphore(%arg32 : memref<!tpu.dma_semaphore, #tpu.memory_space<semaphore_mem>>) src(%arg15 : memref<64x128xf32, #tpu.memory_space<vmem>>) dst(%dma_wait3A_465 : memref<10240x128xf32, #tpu.memory_space<vmem_shared>>)
      %dma_wait3A_466 = arith.constant 1 : i32
      %dma_wait3A_467 = arith.constant 0 : i32
      %dma_wait3A_468 = tpu.memref_slice %arg11[%dma_wait3A_466, %dma_wait3A_467] : memref<2x64xi32, #tpu.memory_space<vmem>> -> memref<1x64xi32, #tpu.memory_space<vmem>>
      %dma_wait3A_469 = tpu.memref_squeeze %dma_wait3A_468 : memref<1x64xi32, #tpu.memory_space<vmem>> -> memref<64xi32, #tpu.memory_space<vmem>>
      %dma_wait3A_470 = arith.constant 0 : i32
      %dma_wait3A_471 = arith.constant 0 : i32
      %dma_wait3A_472 = tpu.memref_slice %arg18[%dma_wait3A_470, %dma_wait3A_471] : memref<10240x128xf32, #tpu.memory_space<vmem_shared>> -> memref<10240x128xf32, #tpu.memory_space<vmem_shared>>
      tpu.wait_indirect_dma semaphore(%arg33 : memref<!tpu.dma_semaphore, #tpu.memory_space<semaphore_mem>>) src(%arg16 : memref<64x128xf32, #tpu.memory_space<vmem>>) dst(%dma_wait3A_472 : memref<10240x128xf32, #tpu.memory_space<vmem_shared>>)
    }
    %scan3A_16 = arith.constant 62 : i32
    %scan3A_17 = arith.constant 0 : i32
    %scan3A_18 = arith.constant 2 : i32
    %scan3A_19 = arith.addi %scan3A_17, %scan3A_18 : i32
    %scan3A_20 = arith.constant 1 : i32
    scf.for %scan3A_98 = %scan3A_17 to %scan3A_19 step %scan3A_20  : i32 {
      %mul3A_99 = arith.constant 1 : i32
      %mul3A_100 = arith.muli %scan3A_98, %mul3A_99 : i32
      %add3A_101 = arith.constant 310 : i32
      %add3A_102 = arith.addi %add3A_101, %mul3A_100 : i32
      %mul3A_103 = arith.constant 64 : i32
      %mul3A_104 = arith.muli %add3A_102, %mul3A_103 : i32
      %add3A_105 = arith.addi %mul3A_11, %mul3A_104 : i32
      %dma_start3A_106 = arith.constant 0 : i32
      %dma_start3A_107 = arith.constant 0 : i32
      %dma_start3A_108 = tpu.memref_slice %arg7[%dma_start3A_106, %dma_start3A_107] : memref<2x64xi32, #tpu.memory_space<vmem>> -> memref<1x64xi32, #tpu.memory_space<vmem>>
      %dma_start3A_109 = tpu.memref_squeeze %dma_start3A_108 : memref<1x64xi32, #tpu.memory_space<vmem>> -> memref<64xi32, #tpu.memory_space<vmem>>
      %dma_start3A_110 = tpu.memref_slice %arg3[%add3A_105] : memref<320000xi32, #tpu.memory_space<hbm>> -> memref<64xi32, #tpu.memory_space<hbm>>
      %dma_start3A_111 = arith.constant 0 : i32
      %dma_start3A_112 = tpu.memref_slice %arg7[%dma_start3A_106, %dma_start3A_111] : memref<2x64xi32, #tpu.memory_space<vmem>> -> memref<1x64xi32, #tpu.memory_space<vmem>>
      %dma_start3A_113 = tpu.memref_squeeze %dma_start3A_112 : memref<1x64xi32, #tpu.memory_space<vmem>> -> memref<64xi32, #tpu.memory_space<vmem>>
      %dma_start3A_114 = tpu.memref_slice %arg3[%add3A_105] : memref<320000xi32, #tpu.memory_space<hbm>> -> memref<64xi32, #tpu.memory_space<hbm>>
      tpu.enqueue_dma source(%dma_start3A_114 : memref<64xi32, #tpu.memory_space<hbm>>) target(%dma_start3A_113 : memref<64xi32, #tpu.memory_space<vmem>>) target_semaphore(%arg19 : memref<!tpu.dma_semaphore, #tpu.memory_space<semaphore_mem>>)
      %dma_start3A_115 = arith.constant 1 : i32
      %dma_start3A_116 = arith.constant 0 : i32
      %dma_start3A_117 = tpu.memref_slice %arg7[%dma_start3A_115, %dma_start3A_116] : memref<2x64xi32, #tpu.memory_space<vmem>> -> memref<1x64xi32, #tpu.memory_space<vmem>>
      %dma_start3A_118 = tpu.memref_squeeze %dma_start3A_117 : memref<1x64xi32, #tpu.memory_space<vmem>> -> memref<64xi32, #tpu.memory_space<vmem>>
      %dma_start3A_119 = tpu.memref_slice %arg4[%add3A_105] : memref<320000xi32, #tpu.memory_space<hbm>> -> memref<64xi32, #tpu.memory_space<hbm>>
      %dma_start3A_120 = arith.constant 0 : i32
      %dma_start3A_121 = tpu.memref_slice %arg7[%dma_start3A_115, %dma_start3A_120] : memref<2x64xi32, #tpu.memory_space<vmem>> -> memref<1x64xi32, #tpu.memory_space<vmem>>
      %dma_start3A_122 = tpu.memref_squeeze %dma_start3A_121 : memref<1x64xi32, #tpu.memory_space<vmem>> -> memref<64xi32, #tpu.memory_space<vmem>>
      %dma_start3A_123 = tpu.memref_slice %arg4[%add3A_105] : memref<320000xi32, #tpu.memory_space<hbm>> -> memref<64xi32, #tpu.memory_space<hbm>>
      tpu.enqueue_dma source(%dma_start3A_123 : memref<64xi32, #tpu.memory_space<hbm>>) target(%dma_start3A_122 : memref<64xi32, #tpu.memory_space<vmem>>) target_semaphore(%arg19 : memref<!tpu.dma_semaphore, #tpu.memory_space<semaphore_mem>>)
      %dma_wait3A_124 = arith.constant 0 : i32
      %dma_wait3A_125 = arith.constant 0 : i32
      %dma_wait3A_126 = tpu.memref_slice %arg7[%dma_wait3A_124, %dma_wait3A_125] : memref<2x64xi32, #tpu.memory_space<vmem>> -> memref<1x64xi32, #tpu.memory_space<vmem>>
      %dma_wait3A_127 = tpu.memref_squeeze %dma_wait3A_126 : memref<1x64xi32, #tpu.memory_space<vmem>> -> memref<64xi32, #tpu.memory_space<vmem>>
      %dma_wait3A_128 = tpu.memref_slice %arg3[%add3A_105] : memref<320000xi32, #tpu.memory_space<hbm>> -> memref<64xi32, #tpu.memory_space<hbm>>
      %dma_wait3A_129 = arith.constant 0 : i32
      %dma_wait3A_130 = tpu.memref_slice %arg7[%dma_wait3A_124, %dma_wait3A_129] : memref<2x64xi32, #tpu.memory_space<vmem>> -> memref<1x64xi32, #tpu.memory_space<vmem>>
      %dma_wait3A_131 = tpu.memref_squeeze %dma_wait3A_130 : memref<1x64xi32, #tpu.memory_space<vmem>> -> memref<64xi32, #tpu.memory_space<vmem>>
      %dma_wait3A_132 = tpu.memref_slice %arg3[%add3A_105] : memref<320000xi32, #tpu.memory_space<hbm>> -> memref<64xi32, #tpu.memory_space<hbm>>
      tpu.wait_dma2 semaphore(%arg19 : memref<!tpu.dma_semaphore, #tpu.memory_space<semaphore_mem>>) src(%dma_wait3A_132 : memref<64xi32, #tpu.memory_space<hbm>>) dst(%dma_wait3A_131 : memref<64xi32, #tpu.memory_space<vmem>>)
      %dma_wait3A_133 = arith.constant 1 : i32
      %dma_wait3A_134 = arith.constant 0 : i32
      %dma_wait3A_135 = tpu.memref_slice %arg7[%dma_wait3A_133, %dma_wait3A_134] : memref<2x64xi32, #tpu.memory_space<vmem>> -> memref<1x64xi32, #tpu.memory_space<vmem>>
      %dma_wait3A_136 = tpu.memref_squeeze %dma_wait3A_135 : memref<1x64xi32, #tpu.memory_space<vmem>> -> memref<64xi32, #tpu.memory_space<vmem>>
      %dma_wait3A_137 = tpu.memref_slice %arg4[%add3A_105] : memref<320000xi32, #tpu.memory_space<hbm>> -> memref<64xi32, #tpu.memory_space<hbm>>
      %dma_wait3A_138 = arith.constant 0 : i32
      %dma_wait3A_139 = tpu.memref_slice %arg7[%dma_wait3A_133, %dma_wait3A_138] : memref<2x64xi32, #tpu.memory_space<vmem>> -> memref<1x64xi32, #tpu.memory_space<vmem>>
      %dma_wait3A_140 = tpu.memref_squeeze %dma_wait3A_139 : memref<1x64xi32, #tpu.memory_space<vmem>> -> memref<64xi32, #tpu.memory_space<vmem>>
      %dma_wait3A_141 = tpu.memref_slice %arg4[%add3A_105] : memref<320000xi32, #tpu.memory_space<hbm>> -> memref<64xi32, #tpu.memory_space<hbm>>
      tpu.wait_dma2 semaphore(%arg19 : memref<!tpu.dma_semaphore, #tpu.memory_space<semaphore_mem>>) src(%dma_wait3A_141 : memref<64xi32, #tpu.memory_space<hbm>>) dst(%dma_wait3A_140 : memref<64xi32, #tpu.memory_space<vmem>>)
      %scan3A_142 = arith.constant 0 : i32
      %scan3A_143 = arith.constant 4 : i32
      %scan3A_144 = arith.addi %scan3A_142, %scan3A_143 : i32
      %scan3A_145 = arith.constant 1 : i32
      scf.for %scan3A_175 = %scan3A_142 to %scan3A_144 step %scan3A_145  : i32 {
        %mul3A_176 = arith.constant 16 : i32
        %mul3A_177 = arith.muli %scan3A_175, %mul3A_176 : i32
        %add3A_178 = arith.constant 0 : i32
        %add3A_179 = arith.addi %add3A_178, %mul3A_177 : i32
        %get3A = arith.constant 0 : i32
        %get3A_180 = arith.index_cast %get3A : i32 to index
        %get3A_181 = arith.index_cast %add3A_179 : i32 to index
        %get3A_182 = tpu.vector_load %arg7[%get3A_180, %get3A_181] {strides = array<i32>} : memref<2x64xi32, #tpu.memory_space<vmem>>, vector<16xi32>,
        %add3A_183 = arith.addi %get3A_182, %get3A_182 : vector<16xi32>
        %add3A_184 = vector.broadcast %arg0 : i32 to vector<16xi32>
        %add3A_185 = arith.addi %add3A_183, %add3A_184 : vector<16xi32>
        %swap3A = arith.constant 0 : i32
        %swap3A_186 = arith.index_cast %swap3A : i32 to index
        %swap3A_187 = arith.index_cast %add3A_179 : i32 to index
        %swap3A_188 = tpu.vector_load %arg7[%swap3A_186, %swap3A_187] {strides = array<i32>} : memref<2x64xi32, #tpu.memory_space<vmem>>, vector<16xi32>,
        tpu.vector_store %arg7[%swap3A_186, %swap3A_187], %add3A_185 {strides = array<i32>} : memref<2x64xi32, #tpu.memory_space<vmem>>, vector<16xi32>,
      }
      %scan3A_146 = arith.constant 4 : i32
      %dma_start3A_147 = arith.constant 0 : i32
      %dma_start3A_148 = arith.constant 0 : i32
      %dma_start3A_149 = tpu.memref_slice %arg7[%dma_start3A_147, %dma_start3A_148] : memref<2x64xi32, #tpu.memory_space<vmem>> -> memref<1x64xi32, #tpu.memory_space<vmem>>
      %dma_start3A_150 = tpu.memref_squeeze %dma_start3A_149 : memref<1x64xi32, #tpu.memory_space<vmem>> -> memref<64xi32, #tpu.memory_space<vmem>>
      %dma_start3A_151 = arith.constant 0 : i32
      %dma_start3A_152 = arith.constant 0 : i32
      %dma_start3A_153 = tpu.memref_slice %arg2[%dma_start3A_151, %dma_start3A_152] : memref<20000x128xf32, #tpu.memory_space<hbm>> -> memref<20000x128xf32, #tpu.memory_space<hbm>>
      tpu.enqueue_indirect_dma source(%dma_start3A_153 : memref<20000x128xf32, #tpu.memory_space<hbm>>) target(%arg12 : memref<64x128xf32, #tpu.memory_space<vmem>>) offsets(%dma_start3A_150 : memref<64xi32, #tpu.memory_space<vmem>>) semaphore(%arg24 : memref<!tpu.dma_semaphore, #tpu.memory_space<semaphore_mem>>)
      %dma_wait3A_154 = arith.constant 0 : i32
      %dma_wait3A_155 = arith.constant 0 : i32
      %dma_wait3A_156 = tpu.memref_slice %arg7[%dma_wait3A_154, %dma_wait3A_155] : memref<2x64xi32, #tpu.memory_space<vmem>> -> memref<1x64xi32, #tpu.memory_space<vmem>>
      %dma_wait3A_157 = tpu.memref_squeeze %dma_wait3A_156 : memref<1x64xi32, #tpu.memory_space<vmem>> -> memref<64xi32, #tpu.memory_space<vmem>>
      %dma_wait3A_158 = arith.constant 0 : i32
      %dma_wait3A_159 = arith.constant 0 : i32
      %dma_wait3A_160 = tpu.memref_slice %arg2[%dma_wait3A_158, %dma_wait3A_159] : memref<20000x128xf32, #tpu.memory_space<hbm>> -> memref<20000x128xf32, #tpu.memory_space<hbm>>
      tpu.wait_indirect_dma semaphore(%arg24 : memref<!tpu.dma_semaphore, #tpu.memory_space<semaphore_mem>>) src(%dma_wait3A_160 : memref<20000x128xf32, #tpu.memory_space<hbm>>) dst(%arg12 : memref<64x128xf32, #tpu.memory_space<vmem>>)
      %dma_start3A_161 = arith.constant 1 : i32
      %dma_start3A_162 = arith.constant 0 : i32
      %dma_start3A_163 = tpu.memref_slice %arg7[%dma_start3A_161, %dma_start3A_162] : memref<2x64xi32, #tpu.memory_space<vmem>> -> memref<1x64xi32, #tpu.memory_space<vmem>>
      %dma_start3A_164 = tpu.memref_squeeze %dma_start3A_163 : memref<1x64xi32, #tpu.memory_space<vmem>> -> memref<64xi32, #tpu.memory_space<vmem>>
      %dma_start3A_165 = arith.constant 0 : i32
      %dma_start3A_166 = arith.constant 0 : i32
      %dma_start3A_167 = tpu.memref_slice %arg18[%dma_start3A_165, %dma_start3A_166] : memref<10240x128xf32, #tpu.memory_space<vmem_shared>> -> memref<10240x128xf32, #tpu.memory_space<vmem_shared>>
      tpu.enqueue_indirect_dma source(%arg12 : memref<64x128xf32, #tpu.memory_space<vmem>>) target(%dma_start3A_167 : memref<10240x128xf32, #tpu.memory_space<vmem_shared>>) offsets(%dma_start3A_164 : memref<64xi32, #tpu.memory_space<vmem>>) semaphore(%arg29 : memref<!tpu.dma_semaphore, #tpu.memory_space<semaphore_mem>>) {add = true}
      %dma_wait3A_168 = arith.constant 1 : i32
      %dma_wait3A_169 = arith.constant 0 : i32
      %dma_wait3A_170 = tpu.memref_slice %arg7[%dma_wait3A_168, %dma_wait3A_169] : memref<2x64xi32, #tpu.memory_space<vmem>> -> memref<1x64xi32, #tpu.memory_space<vmem>>
      %dma_wait3A_171 = tpu.memref_squeeze %dma_wait3A_170 : memref<1x64xi32, #tpu.memory_space<vmem>> -> memref<64xi32, #tpu.memory_space<vmem>>
      %dma_wait3A_172 = arith.constant 0 : i32
      %dma_wait3A_173 = arith.constant 0 : i32
      %dma_wait3A_174 = tpu.memref_slice %arg18[%dma_wait3A_172, %dma_wait3A_173] : memref<10240x128xf32, #tpu.memory_space<vmem_shared>> -> memref<10240x128xf32, #tpu.memory_space<vmem_shared>>
      tpu.wait_indirect_dma semaphore(%arg29 : memref<!tpu.dma_semaphore, #tpu.memory_space<semaphore_mem>>) src(%arg12 : memref<64x128xf32, #tpu.memory_space<vmem>>) dst(%dma_wait3A_174 : memref<10240x128xf32, #tpu.memory_space<vmem_shared>>)
    }
    %scan3A_21 = arith.constant 2 : i32
    %add3A = arith.constant 19968 : i32
    %add3A_22 = arith.addi %mul3A_11, %add3A : i32
    %dma_start3A = arith.constant 0 : i32
    %dma_start3A_23 = arith.constant 0 : i32
    %dma_start3A_24 = tpu.memref_slice %arg34[%dma_start3A, %dma_start3A_23] : memref<2x32xi32, #tpu.memory_space<vmem>> -> memref<1x32xi32, #tpu.memory_space<vmem>>
    %dma_start3A_25 = tpu.memref_squeeze %dma_start3A_24 : memref<1x32xi32, #tpu.memory_space<vmem>> -> memref<32xi32, #tpu.memory_space<vmem>>
    %dma_start3A_26 = tpu.memref_slice %arg3[%add3A_22] : memref<320000xi32, #tpu.memory_space<hbm>> -> memref<32xi32, #tpu.memory_space<hbm>>
    %dma_start3A_27 = arith.constant 0 : i32
    %dma_start3A_28 = tpu.memref_slice %arg34[%dma_start3A, %dma_start3A_27] : memref<2x32xi32, #tpu.memory_space<vmem>> -> memref<1x32xi32, #tpu.memory_space<vmem>>
    %dma_start3A_29 = tpu.memref_squeeze %dma_start3A_28 : memref<1x32xi32, #tpu.memory_space<vmem>> -> memref<32xi32, #tpu.memory_space<vmem>>
    %dma_start3A_30 = tpu.memref_slice %arg3[%add3A_22] : memref<320000xi32, #tpu.memory_space<hbm>> -> memref<32xi32, #tpu.memory_space<hbm>>
    tpu.enqueue_dma source(%dma_start3A_30 : memref<32xi32, #tpu.memory_space<hbm>>) target(%dma_start3A_29 : memref<32xi32, #tpu.memory_space<vmem>>) target_semaphore(%arg19 : memref<!tpu.dma_semaphore, #tpu.memory_space<semaphore_mem>>)
    %dma_start3A_31 = arith.constant 1 : i32
    %dma_start3A_32 = arith.constant 0 : i32
    %dma_start3A_33 = tpu.memref_slice %arg34[%dma_start3A_31, %dma_start3A_32] : memref<2x32xi32, #tpu.memory_space<vmem>> -> memref<1x32xi32, #tpu.memory_space<vmem>>
    %dma_start3A_34 = tpu.memref_squeeze %dma_start3A_33 : memref<1x32xi32, #tpu.memory_space<vmem>> -> memref<32xi32, #tpu.memory_space<vmem>>
    %dma_start3A_35 = tpu.memref_slice %arg4[%add3A_22] : memref<320000xi32, #tpu.memory_space<hbm>> -> memref<32xi32, #tpu.memory_space<hbm>>
    %dma_start3A_36 = arith.constant 0 : i32
    %dma_start3A_37 = tpu.memref_slice %arg34[%dma_start3A_31, %dma_start3A_36] : memref<2x32xi32, #tpu.memory_space<vmem>> -> memref<1x32xi32, #tpu.memory_space<vmem>>
    %dma_start3A_38 = tpu.memref_squeeze %dma_start3A_37 : memref<1x32xi32, #tpu.memory_space<vmem>> -> memref<32xi32, #tpu.memory_space<vmem>>
    %dma_start3A_39 = tpu.memref_slice %arg4[%add3A_22] : memref<320000xi32, #tpu.memory_space<hbm>> -> memref<32xi32, #tpu.memory_space<hbm>>
    tpu.enqueue_dma source(%dma_start3A_39 : memref<32xi32, #tpu.memory_space<hbm>>) target(%dma_start3A_38 : memref<32xi32, #tpu.memory_space<vmem>>) target_semaphore(%arg19 : memref<!tpu.dma_semaphore, #tpu.memory_space<semaphore_mem>>)
    %dma_wait3A = arith.constant 0 : i32
    %dma_wait3A_40 = arith.constant 0 : i32
    %dma_wait3A_41 = tpu.memref_slice %arg34[%dma_wait3A, %dma_wait3A_40] : memref<2x32xi32, #tpu.memory_space<vmem>> -> memref<1x32xi32, #tpu.memory_space<vmem>>
    %dma_wait3A_42 = tpu.memref_squeeze %dma_wait3A_41 : memref<1x32xi32, #tpu.memory_space<vmem>> -> memref<32xi32, #tpu.memory_space<vmem>>
    %dma_wait3A_43 = tpu.memref_slice %arg3[%add3A_22] : memref<320000xi32, #tpu.memory_space<hbm>> -> memref<32xi32, #tpu.memory_space<hbm>>
    %dma_wait3A_44 = arith.constant 0 : i32
    %dma_wait3A_45 = tpu.memref_slice %arg34[%dma_wait3A, %dma_wait3A_44] : memref<2x32xi32, #tpu.memory_space<vmem>> -> memref<1x32xi32, #tpu.memory_space<vmem>>
    %dma_wait3A_46 = tpu.memref_squeeze %dma_wait3A_45 : memref<1x32xi32, #tpu.memory_space<vmem>> -> memref<32xi32, #tpu.memory_space<vmem>>
    %dma_wait3A_47 = tpu.memref_slice %arg3[%add3A_22] : memref<320000xi32, #tpu.memory_space<hbm>> -> memref<32xi32, #tpu.memory_space<hbm>>
    tpu.wait_dma2 semaphore(%arg19 : memref<!tpu.dma_semaphore, #tpu.memory_space<semaphore_mem>>) src(%dma_wait3A_47 : memref<32xi32, #tpu.memory_space<hbm>>) dst(%dma_wait3A_46 : memref<32xi32, #tpu.memory_space<vmem>>)
    %dma_wait3A_48 = arith.constant 1 : i32
    %dma_wait3A_49 = arith.constant 0 : i32
    %dma_wait3A_50 = tpu.memref_slice %arg34[%dma_wait3A_48, %dma_wait3A_49] : memref<2x32xi32, #tpu.memory_space<vmem>> -> memref<1x32xi32, #tpu.memory_space<vmem>>
    %dma_wait3A_51 = tpu.memref_squeeze %dma_wait3A_50 : memref<1x32xi32, #tpu.memory_space<vmem>> -> memref<32xi32, #tpu.memory_space<vmem>>
    %dma_wait3A_52 = tpu.memref_slice %arg4[%add3A_22] : memref<320000xi32, #tpu.memory_space<hbm>> -> memref<32xi32, #tpu.memory_space<hbm>>
    %dma_wait3A_53 = arith.constant 0 : i32
    %dma_wait3A_54 = tpu.memref_slice %arg34[%dma_wait3A_48, %dma_wait3A_53] : memref<2x32xi32, #tpu.memory_space<vmem>> -> memref<1x32xi32, #tpu.memory_space<vmem>>
    %dma_wait3A_55 = tpu.memref_squeeze %dma_wait3A_54 : memref<1x32xi32, #tpu.memory_space<vmem>> -> memref<32xi32, #tpu.memory_space<vmem>>
    %dma_wait3A_56 = tpu.memref_slice %arg4[%add3A_22] : memref<320000xi32, #tpu.memory_space<hbm>> -> memref<32xi32, #tpu.memory_space<hbm>>
    tpu.wait_dma2 semaphore(%arg19 : memref<!tpu.dma_semaphore, #tpu.memory_space<semaphore_mem>>) src(%dma_wait3A_56 : memref<32xi32, #tpu.memory_space<hbm>>) dst(%dma_wait3A_55 : memref<32xi32, #tpu.memory_space<vmem>>)
    %scan3A_57 = arith.constant 0 : i32
    %scan3A_58 = arith.constant 2 : i32
    %scan3A_59 = arith.addi %scan3A_57, %scan3A_58 : i32
    %scan3A_60 = arith.constant 1 : i32
    scf.for %scan3A_98 = %scan3A_57 to %scan3A_59 step %scan3A_60  : i32 {
      %mul3A_99 = arith.constant 16 : i32
      %mul3A_100 = arith.muli %scan3A_98, %mul3A_99 : i32
      %add3A_101 = arith.constant 0 : i32
      %add3A_102 = arith.addi %add3A_101, %mul3A_100 : i32
      %get3A = arith.constant 0 : i32
      %get3A_103 = arith.index_cast %get3A : i32 to index
      %get3A_104 = arith.index_cast %add3A_102 : i32 to index
      %get3A_105 = tpu.vector_load %arg34[%get3A_103, %get3A_104] {strides = array<i32>} : memref<2x32xi32, #tpu.memory_space<vmem>>, vector<16xi32>,
      %add3A_106 = arith.addi %get3A_105, %get3A_105 : vector<16xi32>
      %add3A_107 = vector.broadcast %arg0 : i32 to vector<16xi32>
      %add3A_108 = arith.addi %add3A_106, %add3A_107 : vector<16xi32>
      %swap3A = arith.constant 0 : i32
      %swap3A_109 = arith.index_cast %swap3A : i32 to index
      %swap3A_110 = arith.index_cast %add3A_102 : i32 to index
      %swap3A_111 = tpu.vector_load %arg34[%swap3A_109, %swap3A_110] {strides = array<i32>} : memref<2x32xi32, #tpu.memory_space<vmem>>, vector<16xi32>,
      tpu.vector_store %arg34[%swap3A_109, %swap3A_110], %add3A_108 {strides = array<i32>} : memref<2x32xi32, #tpu.memory_space<vmem>>, vector<16xi32>,
    }
    %scan3A_61 = arith.constant 2 : i32
    %dma_start3A_62 = arith.constant 0 : i32
    %dma_start3A_63 = arith.constant 0 : i32
    %dma_start3A_64 = tpu.memref_slice %arg34[%dma_start3A_62, %dma_start3A_63] : memref<2x32xi32, #tpu.memory_space<vmem>> -> memref<1x32xi32, #tpu.memory_space<vmem>>
    %dma_start3A_65 = tpu.memref_squeeze %dma_start3A_64 : memref<1x32xi32, #tpu.memory_space<vmem>> -> memref<32xi32, #tpu.memory_space<vmem>>
    %dma_start3A_66 = arith.constant 0 : i32
    %dma_start3A_67 = arith.constant 0 : i32
    %dma_start3A_68 = tpu.memref_slice %arg2[%dma_start3A_66, %dma_start3A_67] : memref<20000x128xf32, #tpu.memory_space<hbm>> -> memref<20000x128xf32, #tpu.memory_space<hbm>>
    tpu.enqueue_indirect_dma source(%dma_start3A_68 : memref<20000x128xf32, #tpu.memory_space<hbm>>) target(%arg35 : memref<32x128xf32, #tpu.memory_space<vmem>>) offsets(%dma_start3A_65 : memref<32xi32, #tpu.memory_space<vmem>>) semaphore(%arg24 : memref<!tpu.dma_semaphore, #tpu.memory_space<semaphore_mem>>)
    %dma_wait3A_69 = arith.constant 0 : i32
    %dma_wait3A_70 = arith.constant 0 : i32
    %dma_wait3A_71 = tpu.memref_slice %arg34[%dma_wait3A_69, %dma_wait3A_70] : memref<2x32xi32, #tpu.memory_space<vmem>> -> memref<1x32xi32, #tpu.memory_space<vmem>>
    %dma_wait3A_72 = tpu.memref_squeeze %dma_wait3A_71 : memref<1x32xi32, #tpu.memory_space<vmem>> -> memref<32xi32, #tpu.memory_space<vmem>>
    %dma_wait3A_73 = arith.constant 0 : i32
    %dma_wait3A_74 = arith.constant 0 : i32
    %dma_wait3A_75 = tpu.memref_slice %arg2[%dma_wait3A_73, %dma_wait3A_74] : memref<20000x128xf32, #tpu.memory_space<hbm>> -> memref<20000x128xf32, #tpu.memory_space<hbm>>
    tpu.wait_indirect_dma semaphore(%arg24 : memref<!tpu.dma_semaphore, #tpu.memory_space<semaphore_mem>>) src(%dma_wait3A_75 : memref<20000x128xf32, #tpu.memory_space<hbm>>) dst(%arg35 : memref<32x128xf32, #tpu.memory_space<vmem>>)
    %dma_start3A_76 = arith.constant 1 : i32
    %dma_start3A_77 = arith.constant 0 : i32
    %dma_start3A_78 = tpu.memref_slice %arg34[%dma_start3A_76, %dma_start3A_77] : memref<2x32xi32, #tpu.memory_space<vmem>> -> memref<1x32xi32, #tpu.memory_space<vmem>>
    %dma_start3A_79 = tpu.memref_squeeze %dma_start3A_78 : memref<1x32xi32, #tpu.memory_space<vmem>> -> memref<32xi32, #tpu.memory_space<vmem>>
    %dma_start3A_80 = arith.constant 0 : i32
    %dma_start3A_81 = arith.constant 0 : i32
    %dma_start3A_82 = tpu.memref_slice %arg18[%dma_start3A_80, %dma_start3A_81] : memref<10240x128xf32, #tpu.memory_space<vmem_shared>> -> memref<10240x128xf32, #tpu.memory_space<vmem_shared>>
    tpu.enqueue_indirect_dma source(%arg35 : memref<32x128xf32, #tpu.memory_space<vmem>>) target(%dma_start3A_82 : memref<10240x128xf32, #tpu.memory_space<vmem_shared>>) offsets(%dma_start3A_79 : memref<32xi32, #tpu.memory_space<vmem>>) semaphore(%arg29 : memref<!tpu.dma_semaphore, #tpu.memory_space<semaphore_mem>>) {add = true}
    %dma_wait3A_83 = arith.constant 1 : i32
    %dma_wait3A_84 = arith.constant 0 : i32
    %dma_wait3A_85 = tpu.memref_slice %arg34[%dma_wait3A_83, %dma_wait3A_84] : memref<2x32xi32, #tpu.memory_space<vmem>> -> memref<1x32xi32, #tpu.memory_space<vmem>>
    %dma_wait3A_86 = tpu.memref_squeeze %dma_wait3A_85 : memref<1x32xi32, #tpu.memory_space<vmem>> -> memref<32xi32, #tpu.memory_space<vmem>>
    %dma_wait3A_87 = arith.constant 0 : i32
    %dma_wait3A_88 = arith.constant 0 : i32
    %dma_wait3A_89 = tpu.memref_slice %arg18[%dma_wait3A_87, %dma_wait3A_88] : memref<10240x128xf32, #tpu.memory_space<vmem_shared>> -> memref<10240x128xf32, #tpu.memory_space<vmem_shared>>
    tpu.wait_indirect_dma semaphore(%arg29 : memref<!tpu.dma_semaphore, #tpu.memory_space<semaphore_mem>>) src(%arg35 : memref<32x128xf32, #tpu.memory_space<vmem>>) dst(%dma_wait3A_89 : memref<10240x128xf32, #tpu.memory_space<vmem_shared>>)
    %barrier3A_90 = arith.constant 0 : index
    tpu.barrier barrier_id(%barrier3A_90)
    %eq3A = arith.constant 0 : i32
    %eq3A_91 = arith.cmpi eq, %arg0, %eq3A : i32
    %convert_element_type3A = arith.extui %eq3A_91 : i1 to i32
    %cond3A = arith.constant 0 : i32
    %cond3A_92 = arith.cmpi ne, %convert_element_type3A, %cond3A : i32
    scf.if %cond3A_92 {
      "tpu.region"() ({
        %run_scoped3A = tpu.sem_alloc : memref<!tpu.dma_semaphore, #tpu.memory_space<semaphore_mem>>
        %dma_start3A_98 = arith.constant 0 : i32
        %dma_start3A_99 = tpu.memref_slice %arg5[%mul3A_0, %dma_start3A_98] : memref<10240x128xf32, #tpu.memory_space<hbm>> -> memref<640x128xf32, #tpu.memory_space<hbm>>
        %dma_start3A_100 = arith.constant 0 : i32
        %dma_start3A_101 = tpu.memref_slice %arg18[%mul3A_0, %dma_start3A_100] : memref<10240x128xf32, #tpu.memory_space<vmem_shared>> -> memref<640x128xf32, #tpu.memory_space<vmem_shared>>
        tpu.enqueue_dma source(%dma_start3A_101 : memref<640x128xf32, #tpu.memory_space<vmem_shared>>) target(%dma_start3A_99 : memref<640x128xf32, #tpu.memory_space<hbm>>) target_semaphore(%run_scoped3A : memref<!tpu.dma_semaphore, #tpu.memory_space<semaphore_mem>>)
        %dma_wait3A_102 = arith.constant 0 : i32
        %dma_wait3A_103 = tpu.memref_slice %arg5[%mul3A_0, %dma_wait3A_102] : memref<10240x128xf32, #tpu.memory_space<hbm>> -> memref<640x128xf32, #tpu.memory_space<hbm>>
        %dma_wait3A_104 = arith.constant 0 : i32
        %dma_wait3A_105 = tpu.memref_slice %arg18[%mul3A_0, %dma_wait3A_104] : memref<10240x128xf32, #tpu.memory_space<vmem_shared>> -> memref<640x128xf32, #tpu.memory_space<vmem_shared>>
        tpu.wait_dma2 semaphore(%run_scoped3A : memref<!tpu.dma_semaphore, #tpu.memory_space<semaphore_mem>>) src(%dma_wait3A_105 : memref<640x128xf32, #tpu.memory_space<vmem_shared>>) dst(%dma_wait3A_103 : memref<640x128xf32, #tpu.memory_space<hbm>>)
        tpu.yield
      }) : () -> ()
    } else {
    }
    %eq3A_93 = arith.constant 1 : i32
    %eq3A_94 = arith.cmpi eq, %arg0, %eq3A_93 : i32
    %convert_element_type3A_95 = arith.extui %eq3A_94 : i1 to i32
    %cond3A_96 = arith.constant 0 : i32
    %cond3A_97 = arith.cmpi ne, %convert_element_type3A_95, %cond3A_96 : i32
    scf.if %cond3A_97 {
      "tpu.region"() ({
        %run_scoped3A = tpu.sem_alloc : memref<!tpu.dma_semaphore, #tpu.memory_space<semaphore_mem>>
        %dma_start3A_98 = arith.constant 0 : i32
        %dma_start3A_99 = tpu.memref_slice %arg6[%mul3A_0, %dma_start3A_98] : memref<10240x128xf32, #tpu.memory_space<hbm>> -> memref<640x128xf32, #tpu.memory_space<hbm>>
        %dma_start3A_100 = arith.constant 0 : i32
        %dma_start3A_101 = tpu.memref_slice %arg18[%mul3A_0, %dma_start3A_100] : memref<10240x128xf32, #tpu.memory_space<vmem_shared>> -> memref<640x128xf32, #tpu.memory_space<vmem_shared>>
        tpu.enqueue_dma source(%dma_start3A_101 : memref<640x128xf32, #tpu.memory_space<vmem_shared>>) target(%dma_start3A_99 : memref<640x128xf32, #tpu.memory_space<hbm>>) target_semaphore(%run_scoped3A : memref<!tpu.dma_semaphore, #tpu.memory_space<semaphore_mem>>)
        %dma_wait3A_102 = arith.constant 0 : i32
        %dma_wait3A_103 = tpu.memref_slice %arg6[%mul3A_0, %dma_wait3A_102] : memref<10240x128xf32, #tpu.memory_space<hbm>> -> memref<640x128xf32, #tpu.memory_space<hbm>>
        %dma_wait3A_104 = arith.constant 0 : i32
        %dma_wait3A_105 = tpu.memref_slice %arg18[%mul3A_0, %dma_wait3A_104] : memref<10240x128xf32, #tpu.memory_space<vmem_shared>> -> memref<640x128xf32, #tpu.memory_space<vmem_shared>>
        tpu.wait_dma2 semaphore(%run_scoped3A : memref<!tpu.dma_semaphore, #tpu.memory_space<semaphore_mem>>) src(%dma_wait3A_105 : memref<640x128xf32, #tpu.memory_space<vmem_shared>>) dst(%dma_wait3A_103 : memref<640x128xf32, #tpu.memory_space<hbm>>)
        tpu.yield
      }) : () -> ()
    } else {
    }
    return
  }
}

#map = affine_map<(d0, d1) -> (0, 0)>
#map1 = affine_map<(d0, d1) -> (0)>
module attributes {stable_mosaic.version = 14 : i64} {
  func.func @_sc_agg_body(%arg0: i32, %arg1: i32, %arg2: memref<10000x128xf32, #tpu.memory_space<hbm>>, %arg3: memref<320000xi32, #tpu.memory_space<hbm>>, %arg4: memref<320000xi32, #tpu.memory_space<hbm>>, %arg5: memref<10240x128xf32, #tpu.memory_space<hbm>>, %arg6: memref<10240x128xf32, #tpu.memory_space<hbm>>, %arg7: memref<32x10240xf32, #tpu.memory_space<hbm>>, %arg8: memref<2x64xi32, #tpu.memory_space<vmem>>, %arg9: memref<2x64xi32, #tpu.memory_space<vmem>>, %arg10: memref<2x64xi32, #tpu.memory_space<vmem>>, %arg11: memref<2x64xi32, #tpu.memory_space<vmem>>, %arg12: memref<64x128xf32, #tpu.memory_space<vmem>>, %arg13: memref<64x128xf32, #tpu.memory_space<vmem>>, %arg14: memref<64x128xf32, #tpu.memory_space<vmem>>, %arg15: memref<64x128xf32, #tpu.memory_space<vmem>>, %arg16: memref<16x128xf32, #tpu.memory_space<vmem>>, %arg17: memref<10240xf32, #tpu.memory_space<vmem>>, %arg18: memref<10240x128xf32, #tpu.memory_space<vmem_shared>>, %arg19: memref<!tpu.dma_semaphore, #tpu.memory_space<semaphore_mem>>, %arg20: memref<!tpu.dma_semaphore, #tpu.memory_space<semaphore_mem>>, %arg21: memref<!tpu.dma_semaphore, #tpu.memory_space<semaphore_mem>>, %arg22: memref<!tpu.dma_semaphore, #tpu.memory_space<semaphore_mem>>, %arg23: memref<!tpu.dma_semaphore, #tpu.memory_space<semaphore_mem>>, %arg24: memref<!tpu.dma_semaphore, #tpu.memory_space<semaphore_mem>>, %arg25: memref<!tpu.dma_semaphore, #tpu.memory_space<semaphore_mem>>, %arg26: memref<!tpu.dma_semaphore, #tpu.memory_space<semaphore_mem>>, %arg27: memref<!tpu.dma_semaphore, #tpu.memory_space<semaphore_mem>>, %arg28: memref<!tpu.dma_semaphore, #tpu.memory_space<semaphore_mem>>, %arg29: memref<!tpu.dma_semaphore, #tpu.memory_space<semaphore_mem>>, %arg30: memref<!tpu.dma_semaphore, #tpu.memory_space<semaphore_mem>>, %arg31: memref<2x16xi32, #tpu.memory_space<vmem>>, %arg32: memref<16x128xf32, #tpu.memory_space<vmem>>) attributes {dimension_semantics = [#tpu.dimension_semantics<core_parallel>, #tpu.dimension_semantics<subcore_parallel>], iteration_bounds = array<i64: 2, 16>, scalar_prefetch = 0 : i64, scratch_operands = 25 : i64, tpu.core_type = #tpu.core_type<sc_vector_subcore>, window_params = [{transform_indices = #map}, {transform_indices = #map1}, {transform_indices = #map1}, {transform_indices = #map}, {transform_indices = #map}, {transform_indices = #map}]} {
    %mul3A = arith.constant 640 : i32
    %mul3A_0 = arith.muli %arg1, %mul3A : i32
    %scan3A = arith.constant 0 : i32
    %scan3A_1 = arith.constant 16 : i32
    %scan3A_2 = arith.addi %scan3A, %scan3A_1 : i32
    %scan3A_3 = arith.constant 1 : i32
    scf.for %scan3A_109 = %scan3A to %scan3A_2 step %scan3A_3  : i32 {
      %mul3A_110 = arith.constant 1 : i32
      %mul3A_111 = arith.muli %scan3A_109, %mul3A_110 : i32
      %add3A_112 = arith.constant 0 : i32
      %add3A_113 = arith.addi %add3A_112, %mul3A_111 : i32
      %scan3A_114 = arith.constant 0 : i32
      %scan3A_115 = arith.constant 8 : i32
      %scan3A_116 = arith.addi %scan3A_114, %scan3A_115 : i32
      %scan3A_117 = arith.constant 1 : i32
      scf.for %scan3A_119 = %scan3A_114 to %scan3A_116 step %scan3A_117  : i32 {
        %mul3A_120 = arith.constant 16 : i32
        %mul3A_121 = arith.muli %scan3A_119, %mul3A_120 : i32
        %add3A_122 = arith.constant 0 : i32
        %add3A_123 = arith.addi %add3A_122, %mul3A_121 : i32
        %broadcast_in_dim3A_124 = arith.constant 0.000000e+00 : f32
        %broadcast_in_dim3A_125 = vector.broadcast %broadcast_in_dim3A_124 : f32 to vector<16xf32>
        %swap3A = arith.index_cast %add3A_113 : i32 to index
        %swap3A_126 = arith.index_cast %add3A_123 : i32 to index
        %swap3A_127 = tpu.vector_load %arg16[%swap3A, %swap3A_126] {strides = array<i32>} : memref<16x128xf32, #tpu.memory_space<vmem>>, vector<16xf32>,
        tpu.vector_store %arg16[%swap3A, %swap3A_126], %broadcast_in_dim3A_125 {strides = array<i32>} : memref<16x128xf32, #tpu.memory_space<vmem>>, vector<16xf32>,
      }
      %scan3A_118 = arith.constant 8 : i32
    }
    %scan3A_4 = arith.constant 16 : i32
    %scan3A_5 = arith.constant 0 : i32
    %scan3A_6 = arith.constant 40 : i32
    %scan3A_7 = arith.addi %scan3A_5, %scan3A_6 : i32
    %scan3A_8 = arith.constant 1 : i32
    scf.for %scan3A_109 = %scan3A_5 to %scan3A_7 step %scan3A_8  : i32 {
      %mul3A_110 = arith.constant 1 : i32
      %mul3A_111 = arith.muli %scan3A_109, %mul3A_110 : i32
      %add3A_112 = arith.constant 0 : i32
      %add3A_113 = arith.addi %add3A_112, %mul3A_111 : i32
      %mul3A_114 = arith.constant 16 : i32
      %mul3A_115 = arith.muli %add3A_113, %mul3A_114 : i32
      %add3A_116 = arith.addi %mul3A_0, %mul3A_115 : i32
      "tpu.region"() ({
        %run_scoped3A = tpu.sem_alloc : memref<!tpu.dma_semaphore, #tpu.memory_space<semaphore_mem>>
        %dma_start3A_117 = arith.constant 0 : i32
        %dma_start3A_118 = tpu.memref_slice %arg18[%add3A_116, %dma_start3A_117] : memref<10240x128xf32, #tpu.memory_space<vmem_shared>> -> memref<16x128xf32, #tpu.memory_space<vmem_shared>>
        %dma_start3A_119 = arith.constant 0 : i32
        %dma_start3A_120 = tpu.memref_slice %arg18[%add3A_116, %dma_start3A_119] : memref<10240x128xf32, #tpu.memory_space<vmem_shared>> -> memref<16x128xf32, #tpu.memory_space<vmem_shared>>
        tpu.enqueue_dma source(%arg16 : memref<16x128xf32, #tpu.memory_space<vmem>>) target(%dma_start3A_120 : memref<16x128xf32, #tpu.memory_space<vmem_shared>>) target_semaphore(%run_scoped3A : memref<!tpu.dma_semaphore, #tpu.memory_space<semaphore_mem>>)
        %dma_wait3A_121 = arith.constant 0 : i32
        %dma_wait3A_122 = tpu.memref_slice %arg18[%add3A_116, %dma_wait3A_121] : memref<10240x128xf32, #tpu.memory_space<vmem_shared>> -> memref<16x128xf32, #tpu.memory_space<vmem_shared>>
        %dma_wait3A_123 = arith.constant 0 : i32
        %dma_wait3A_124 = tpu.memref_slice %arg18[%add3A_116, %dma_wait3A_123] : memref<10240x128xf32, #tpu.memory_space<vmem_shared>> -> memref<16x128xf32, #tpu.memory_space<vmem_shared>>
        tpu.wait_dma2 semaphore(%run_scoped3A : memref<!tpu.dma_semaphore, #tpu.memory_space<semaphore_mem>>) src(%arg16 : memref<16x128xf32, #tpu.memory_space<vmem>>) dst(%dma_wait3A_124 : memref<16x128xf32, #tpu.memory_space<vmem_shared>>)
        tpu.yield
      }) : () -> ()
    }
    %scan3A_9 = arith.constant 40 : i32
    %scan3A_10 = arith.constant 0 : i32
    %scan3A_11 = arith.constant 640 : i32
    %scan3A_12 = arith.addi %scan3A_10, %scan3A_11 : i32
    %scan3A_13 = arith.constant 1 : i32
    scf.for %scan3A_109 = %scan3A_10 to %scan3A_12 step %scan3A_13  : i32 {
      %mul3A_110 = arith.constant 16 : i32
      %mul3A_111 = arith.muli %scan3A_109, %mul3A_110 : i32
      %add3A_112 = arith.constant 0 : i32
      %add3A_113 = arith.addi %add3A_112, %mul3A_111 : i32
      %broadcast_in_dim3A_114 = arith.constant 0.000000e+00 : f32
      %broadcast_in_dim3A_115 = vector.broadcast %broadcast_in_dim3A_114 : f32 to vector<16xf32>
      %swap3A = arith.index_cast %add3A_113 : i32 to index
      %swap3A_116 = tpu.vector_load %arg17[%swap3A] {strides = array<i32>} : memref<10240xf32, #tpu.memory_space<vmem>>, vector<16xf32>,
      tpu.vector_store %arg17[%swap3A], %broadcast_in_dim3A_115 {strides = array<i32>} : memref<10240xf32, #tpu.memory_space<vmem>>, vector<16xf32>,
    }
    %scan3A_14 = arith.constant 640 : i32
    %barrier3A = arith.constant 0 : index
    tpu.barrier barrier_id(%barrier3A)
    %mul3A_15 = arith.constant 16 : i32
    %mul3A_16 = arith.muli %arg0, %mul3A_15 : i32
    %add3A = arith.addi %mul3A_16, %arg1 : i32
    %mul3A_17 = arith.constant 10000 : i32
    %mul3A_18 = arith.muli %add3A, %mul3A_17 : i32
    %scan3A_19 = arith.constant 0 : i32
    %scan3A_20 = arith.constant 39 : i32
    %scan3A_21 = arith.addi %scan3A_19, %scan3A_20 : i32
    %scan3A_22 = arith.constant 1 : i32
    scf.for %scan3A_109 = %scan3A_19 to %scan3A_21 step %scan3A_22  : i32 {
      %mul3A_110 = arith.constant 4 : i32
      %mul3A_111 = arith.muli %scan3A_109, %mul3A_110 : i32
      %add3A_112 = arith.constant 0 : i32
      %add3A_113 = arith.addi %add3A_112, %mul3A_111 : i32
      %add3A_114 = arith.constant 0 : i32
      %add3A_115 = arith.addi %add3A_113, %add3A_114 : i32
      %mul3A_116 = arith.constant 64 : i32
      %mul3A_117 = arith.muli %add3A_115, %mul3A_116 : i32
      %add3A_118 = arith.addi %mul3A_18, %mul3A_117 : i32
      %dma_start3A_119 = arith.constant 0 : i32
      %dma_start3A_120 = arith.constant 0 : i32
      %dma_start3A_121 = tpu.memref_slice %arg8[%dma_start3A_119, %dma_start3A_120] : memref<2x64xi32, #tpu.memory_space<vmem>> -> memref<1x64xi32, #tpu.memory_space<vmem>>
      %dma_start3A_122 = tpu.memref_squeeze %dma_start3A_121 : memref<1x64xi32, #tpu.memory_space<vmem>> -> memref<64xi32, #tpu.memory_space<vmem>>
      %dma_start3A_123 = tpu.memref_slice %arg3[%add3A_118] : memref<320000xi32, #tpu.memory_space<hbm>> -> memref<64xi32, #tpu.memory_space<hbm>>
      %dma_start3A_124 = arith.constant 0 : i32
      %dma_start3A_125 = tpu.memref_slice %arg8[%dma_start3A_119, %dma_start3A_124] : memref<2x64xi32, #tpu.memory_space<vmem>> -> memref<1x64xi32, #tpu.memory_space<vmem>>
      %dma_start3A_126 = tpu.memref_squeeze %dma_start3A_125 : memref<1x64xi32, #tpu.memory_space<vmem>> -> memref<64xi32, #tpu.memory_space<vmem>>
      %dma_start3A_127 = tpu.memref_slice %arg3[%add3A_118] : memref<320000xi32, #tpu.memory_space<hbm>> -> memref<64xi32, #tpu.memory_space<hbm>>
      tpu.enqueue_dma source(%dma_start3A_127 : memref<64xi32, #tpu.memory_space<hbm>>) target(%dma_start3A_126 : memref<64xi32, #tpu.memory_space<vmem>>) target_semaphore(%arg19 : memref<!tpu.dma_semaphore, #tpu.memory_space<semaphore_mem>>)
      %dma_start3A_128 = arith.constant 1 : i32
      %dma_start3A_129 = arith.constant 0 : i32
      %dma_start3A_130 = tpu.memref_slice %arg8[%dma_start3A_128, %dma_start3A_129] : memref<2x64xi32, #tpu.memory_space<vmem>> -> memref<1x64xi32, #tpu.memory_space<vmem>>
      %dma_start3A_131 = tpu.memref_squeeze %dma_start3A_130 : memref<1x64xi32, #tpu.memory_space<vmem>> -> memref<64xi32, #tpu.memory_space<vmem>>
      %dma_start3A_132 = tpu.memref_slice %arg4[%add3A_118] : memref<320000xi32, #tpu.memory_space<hbm>> -> memref<64xi32, #tpu.memory_space<hbm>>
      %dma_start3A_133 = arith.constant 0 : i32
      %dma_start3A_134 = tpu.memref_slice %arg8[%dma_start3A_128, %dma_start3A_133] : memref<2x64xi32, #tpu.memory_space<vmem>> -> memref<1x64xi32, #tpu.memory_space<vmem>>
      %dma_start3A_135 = tpu.memref_squeeze %dma_start3A_134 : memref<1x64xi32, #tpu.memory_space<vmem>> -> memref<64xi32, #tpu.memory_space<vmem>>
      %dma_start3A_136 = tpu.memref_slice %arg4[%add3A_118] : memref<320000xi32, #tpu.memory_space<hbm>> -> memref<64xi32, #tpu.memory_space<hbm>>
      tpu.enqueue_dma source(%dma_start3A_136 : memref<64xi32, #tpu.memory_space<hbm>>) target(%dma_start3A_135 : memref<64xi32, #tpu.memory_space<vmem>>) target_semaphore(%arg19 : memref<!tpu.dma_semaphore, #tpu.memory_space<semaphore_mem>>)
      %add3A_137 = arith.constant 1 : i32
      %add3A_138 = arith.addi %add3A_113, %add3A_137 : i32
      %mul3A_139 = arith.constant 64 : i32
      %mul3A_140 = arith.muli %add3A_138, %mul3A_139 : i32
      %add3A_141 = arith.addi %mul3A_18, %mul3A_140 : i32
      %dma_start3A_142 = arith.constant 0 : i32
      %dma_start3A_143 = arith.constant 0 : i32
      %dma_start3A_144 = tpu.memref_slice %arg9[%dma_start3A_142, %dma_start3A_143] : memref<2x64xi32, #tpu.memory_space<vmem>> -> memref<1x64xi32, #tpu.memory_space<vmem>>
      %dma_start3A_145 = tpu.memref_squeeze %dma_start3A_144 : memref<1x64xi32, #tpu.memory_space<vmem>> -> memref<64xi32, #tpu.memory_space<vmem>>
      %dma_start3A_146 = tpu.memref_slice %arg3[%add3A_141] : memref<320000xi32, #tpu.memory_space<hbm>> -> memref<64xi32, #tpu.memory_space<hbm>>
      %dma_start3A_147 = arith.constant 0 : i32
      %dma_start3A_148 = tpu.memref_slice %arg9[%dma_start3A_142, %dma_start3A_147] : memref<2x64xi32, #tpu.memory_space<vmem>> -> memref<1x64xi32, #tpu.memory_space<vmem>>
      %dma_start3A_149 = tpu.memref_squeeze %dma_start3A_148 : memref<1x64xi32, #tpu.memory_space<vmem>> -> memref<64xi32, #tpu.memory_space<vmem>>
      %dma_start3A_150 = tpu.memref_slice %arg3[%add3A_141] : memref<320000xi32, #tpu.memory_space<hbm>> -> memref<64xi32, #tpu.memory_space<hbm>>
      tpu.enqueue_dma source(%dma_start3A_150 : memref<64xi32, #tpu.memory_space<hbm>>) target(%dma_start3A_149 : memref<64xi32, #tpu.memory_space<vmem>>) target_semaphore(%arg20 : memref<!tpu.dma_semaphore, #tpu.memory_space<semaphore_mem>>)
      %dma_start3A_151 = arith.constant 1 : i32
      %dma_start3A_152 = arith.constant 0 : i32
      %dma_start3A_153 = tpu.memref_slice %arg9[%dma_start3A_151, %dma_start3A_152] : memref<2x64xi32, #tpu.memory_space<vmem>> -> memref<1x64xi32, #tpu.memory_space<vmem>>
      %dma_start3A_154 = tpu.memref_squeeze %dma_start3A_153 : memref<1x64xi32, #tpu.memory_space<vmem>> -> memref<64xi32, #tpu.memory_space<vmem>>
      %dma_start3A_155 = tpu.memref_slice %arg4[%add3A_141] : memref<320000xi32, #tpu.memory_space<hbm>> -> memref<64xi32, #tpu.memory_space<hbm>>
      %dma_start3A_156 = arith.constant 0 : i32
      %dma_start3A_157 = tpu.memref_slice %arg9[%dma_start3A_151, %dma_start3A_156] : memref<2x64xi32, #tpu.memory_space<vmem>> -> memref<1x64xi32, #tpu.memory_space<vmem>>
      %dma_start3A_158 = tpu.memref_squeeze %dma_start3A_157 : memref<1x64xi32, #tpu.memory_space<vmem>> -> memref<64xi32, #tpu.memory_space<vmem>>
      %dma_start3A_159 = tpu.memref_slice %arg4[%add3A_141] : memref<320000xi32, #tpu.memory_space<hbm>> -> memref<64xi32, #tpu.memory_space<hbm>>
      tpu.enqueue_dma source(%dma_start3A_159 : memref<64xi32, #tpu.memory_space<hbm>>) target(%dma_start3A_158 : memref<64xi32, #tpu.memory_space<vmem>>) target_semaphore(%arg20 : memref<!tpu.dma_semaphore, #tpu.memory_space<semaphore_mem>>)
      %add3A_160 = arith.constant 2 : i32
      %add3A_161 = arith.addi %add3A_113, %add3A_160 : i32
      %mul3A_162 = arith.constant 64 : i32
      %mul3A_163 = arith.muli %add3A_161, %mul3A_162 : i32
      %add3A_164 = arith.addi %mul3A_18, %mul3A_163 : i32
      %dma_start3A_165 = arith.constant 0 : i32
      %dma_start3A_166 = arith.constant 0 : i32
      %dma_start3A_167 = tpu.memref_slice %arg10[%dma_start3A_165, %dma_start3A_166] : memref<2x64xi32, #tpu.memory_space<vmem>> -> memref<1x64xi32, #tpu.memory_space<vmem>>
      %dma_start3A_168 = tpu.memref_squeeze %dma_start3A_167 : memref<1x64xi32, #tpu.memory_space<vmem>> -> memref<64xi32, #tpu.memory_space<vmem>>
      %dma_start3A_169 = tpu.memref_slice %arg3[%add3A_164] : memref<320000xi32, #tpu.memory_space<hbm>> -> memref<64xi32, #tpu.memory_space<hbm>>
      %dma_start3A_170 = arith.constant 0 : i32
      %dma_start3A_171 = tpu.memref_slice %arg10[%dma_start3A_165, %dma_start3A_170] : memref<2x64xi32, #tpu.memory_space<vmem>> -> memref<1x64xi32, #tpu.memory_space<vmem>>
      %dma_start3A_172 = tpu.memref_squeeze %dma_start3A_171 : memref<1x64xi32, #tpu.memory_space<vmem>> -> memref<64xi32, #tpu.memory_space<vmem>>
      %dma_start3A_173 = tpu.memref_slice %arg3[%add3A_164] : memref<320000xi32, #tpu.memory_space<hbm>> -> memref<64xi32, #tpu.memory_space<hbm>>
      tpu.enqueue_dma source(%dma_start3A_173 : memref<64xi32, #tpu.memory_space<hbm>>) target(%dma_start3A_172 : memref<64xi32, #tpu.memory_space<vmem>>) target_semaphore(%arg21 : memref<!tpu.dma_semaphore, #tpu.memory_space<semaphore_mem>>)
      %dma_start3A_174 = arith.constant 1 : i32
      %dma_start3A_175 = arith.constant 0 : i32
      %dma_start3A_176 = tpu.memref_slice %arg10[%dma_start3A_174, %dma_start3A_175] : memref<2x64xi32, #tpu.memory_space<vmem>> -> memref<1x64xi32, #tpu.memory_space<vmem>>
      %dma_start3A_177 = tpu.memref_squeeze %dma_start3A_176 : memref<1x64xi32, #tpu.memory_space<vmem>> -> memref<64xi32, #tpu.memory_space<vmem>>
      %dma_start3A_178 = tpu.memref_slice %arg4[%add3A_164] : memref<320000xi32, #tpu.memory_space<hbm>> -> memref<64xi32, #tpu.memory_space<hbm>>
      %dma_start3A_179 = arith.constant 0 : i32
      %dma_start3A_180 = tpu.memref_slice %arg10[%dma_start3A_174, %dma_start3A_179] : memref<2x64xi32, #tpu.memory_space<vmem>> -> memref<1x64xi32, #tpu.memory_space<vmem>>
      %dma_start3A_181 = tpu.memref_squeeze %dma_start3A_180 : memref<1x64xi32, #tpu.memory_space<vmem>> -> memref<64xi32, #tpu.memory_space<vmem>>
      %dma_start3A_182 = tpu.memref_slice %arg4[%add3A_164] : memref<320000xi32, #tpu.memory_space<hbm>> -> memref<64xi32, #tpu.memory_space<hbm>>
      tpu.enqueue_dma source(%dma_start3A_182 : memref<64xi32, #tpu.memory_space<hbm>>) target(%dma_start3A_181 : memref<64xi32, #tpu.memory_space<vmem>>) target_semaphore(%arg21 : memref<!tpu.dma_semaphore, #tpu.memory_space<semaphore_mem>>)
      %add3A_183 = arith.constant 3 : i32
      %add3A_184 = arith.addi %add3A_113, %add3A_183 : i32
      %mul3A_185 = arith.constant 64 : i32
      %mul3A_186 = arith.muli %add3A_184, %mul3A_185 : i32
      %add3A_187 = arith.addi %mul3A_18, %mul3A_186 : i32
      %dma_start3A_188 = arith.constant 0 : i32
      %dma_start3A_189 = arith.constant 0 : i32
      %dma_start3A_190 = tpu.memref_slice %arg11[%dma_start3A_188, %dma_start3A_189] : memref<2x64xi32, #tpu.memory_space<vmem>> -> memref<1x64xi32, #tpu.memory_space<vmem>>
      %dma_start3A_191 = tpu.memref_squeeze %dma_start3A_190 : memref<1x64xi32, #tpu.memory_space<vmem>> -> memref<64xi32, #tpu.memory_space<vmem>>
      %dma_start3A_192 = tpu.memref_slice %arg3[%add3A_187] : memref<320000xi32, #tpu.memory_space<hbm>> -> memref<64xi32, #tpu.memory_space<hbm>>
      %dma_start3A_193 = arith.constant 0 : i32
      %dma_start3A_194 = tpu.memref_slice %arg11[%dma_start3A_188, %dma_start3A_193] : memref<2x64xi32, #tpu.memory_space<vmem>> -> memref<1x64xi32, #tpu.memory_space<vmem>>
      %dma_start3A_195 = tpu.memref_squeeze %dma_start3A_194 : memref<1x64xi32, #tpu.memory_space<vmem>> -> memref<64xi32, #tpu.memory_space<vmem>>
      %dma_start3A_196 = tpu.memref_slice %arg3[%add3A_187] : memref<320000xi32, #tpu.memory_space<hbm>> -> memref<64xi32, #tpu.memory_space<hbm>>
      tpu.enqueue_dma source(%dma_start3A_196 : memref<64xi32, #tpu.memory_space<hbm>>) target(%dma_start3A_195 : memref<64xi32, #tpu.memory_space<vmem>>) target_semaphore(%arg22 : memref<!tpu.dma_semaphore, #tpu.memory_space<semaphore_mem>>)
      %dma_start3A_197 = arith.constant 1 : i32
      %dma_start3A_198 = arith.constant 0 : i32
      %dma_start3A_199 = tpu.memref_slice %arg11[%dma_start3A_197, %dma_start3A_198] : memref<2x64xi32, #tpu.memory_space<vmem>> -> memref<1x64xi32, #tpu.memory_space<vmem>>
      %dma_start3A_200 = tpu.memref_squeeze %dma_start3A_199 : memref<1x64xi32, #tpu.memory_space<vmem>> -> memref<64xi32, #tpu.memory_space<vmem>>
      %dma_start3A_201 = tpu.memref_slice %arg4[%add3A_187] : memref<320000xi32, #tpu.memory_space<hbm>> -> memref<64xi32, #tpu.memory_space<hbm>>
      %dma_start3A_202 = arith.constant 0 : i32
      %dma_start3A_203 = tpu.memref_slice %arg11[%dma_start3A_197, %dma_start3A_202] : memref<2x64xi32, #tpu.memory_space<vmem>> -> memref<1x64xi32, #tpu.memory_space<vmem>>
      %dma_start3A_204 = tpu.memref_squeeze %dma_start3A_203 : memref<1x64xi32, #tpu.memory_space<vmem>> -> memref<64xi32, #tpu.memory_space<vmem>>
      %dma_start3A_205 = tpu.memref_slice %arg4[%add3A_187] : memref<320000xi32, #tpu.memory_space<hbm>> -> memref<64xi32, #tpu.memory_space<hbm>>
      tpu.enqueue_dma source(%dma_start3A_205 : memref<64xi32, #tpu.memory_space<hbm>>) target(%dma_start3A_204 : memref<64xi32, #tpu.memory_space<vmem>>) target_semaphore(%arg22 : memref<!tpu.dma_semaphore, #tpu.memory_space<semaphore_mem>>)
      %dma_wait3A_206 = arith.constant 0 : i32
      %dma_wait3A_207 = arith.constant 0 : i32
      %dma_wait3A_208 = tpu.memref_slice %arg8[%dma_wait3A_206, %dma_wait3A_207] : memref<2x64xi32, #tpu.memory_space<vmem>> -> memref<1x64xi32, #tpu.memory_space<vmem>>
      %dma_wait3A_209 = tpu.memref_squeeze %dma_wait3A_208 : memref<1x64xi32, #tpu.memory_space<vmem>> -> memref<64xi32, #tpu.memory_space<vmem>>
      %dma_wait3A_210 = tpu.memref_slice %arg3[%add3A_118] : memref<320000xi32, #tpu.memory_space<hbm>> -> memref<64xi32, #tpu.memory_space<hbm>>
      %dma_wait3A_211 = arith.constant 0 : i32
      %dma_wait3A_212 = tpu.memref_slice %arg8[%dma_wait3A_206, %dma_wait3A_211] : memref<2x64xi32, #tpu.memory_space<vmem>> -> memref<1x64xi32, #tpu.memory_space<vmem>>
      %dma_wait3A_213 = tpu.memref_squeeze %dma_wait3A_212 : memref<1x64xi32, #tpu.memory_space<vmem>> -> memref<64xi32, #tpu.memory_space<vmem>>
      %dma_wait3A_214 = tpu.memref_slice %arg3[%add3A_118] : memref<320000xi32, #tpu.memory_space<hbm>> -> memref<64xi32, #tpu.memory_space<hbm>>
      tpu.wait_dma2 semaphore(%arg19 : memref<!tpu.dma_semaphore, #tpu.memory_space<semaphore_mem>>) src(%dma_wait3A_214 : memref<64xi32, #tpu.memory_space<hbm>>) dst(%dma_wait3A_213 : memref<64xi32, #tpu.memory_space<vmem>>)
      %dma_wait3A_215 = arith.constant 1 : i32
      %dma_wait3A_216 = arith.constant 0 : i32
      %dma_wait3A_217 = tpu.memref_slice %arg8[%dma_wait3A_215, %dma_wait3A_216] : memref<2x64xi32, #tpu.memory_space<vmem>> -> memref<1x64xi32, #tpu.memory_space<vmem>>
      %dma_wait3A_218 = tpu.memref_squeeze %dma_wait3A_217 : memref<1x64xi32, #tpu.memory_space<vmem>> -> memref<64xi32, #tpu.memory_space<vmem>>
      %dma_wait3A_219 = tpu.memref_slice %arg4[%add3A_118] : memref<320000xi32, #tpu.memory_space<hbm>> -> memref<64xi32, #tpu.memory_space<hbm>>
      %dma_wait3A_220 = arith.constant 0 : i32
      %dma_wait3A_221 = tpu.memref_slice %arg8[%dma_wait3A_215, %dma_wait3A_220] : memref<2x64xi32, #tpu.memory_space<vmem>> -> memref<1x64xi32, #tpu.memory_space<vmem>>
      %dma_wait3A_222 = tpu.memref_squeeze %dma_wait3A_221 : memref<1x64xi32, #tpu.memory_space<vmem>> -> memref<64xi32, #tpu.memory_space<vmem>>
      %dma_wait3A_223 = tpu.memref_slice %arg4[%add3A_118] : memref<320000xi32, #tpu.memory_space<hbm>> -> memref<64xi32, #tpu.memory_space<hbm>>
      tpu.wait_dma2 semaphore(%arg19 : memref<!tpu.dma_semaphore, #tpu.memory_space<semaphore_mem>>) src(%dma_wait3A_223 : memref<64xi32, #tpu.memory_space<hbm>>) dst(%dma_wait3A_222 : memref<64xi32, #tpu.memory_space<vmem>>)
      %dma_start3A_224 = arith.constant 0 : i32
      %dma_start3A_225 = arith.constant 0 : i32
      %dma_start3A_226 = tpu.memref_slice %arg8[%dma_start3A_224, %dma_start3A_225] : memref<2x64xi32, #tpu.memory_space<vmem>> -> memref<1x64xi32, #tpu.memory_space<vmem>>
      %dma_start3A_227 = tpu.memref_squeeze %dma_start3A_226 : memref<1x64xi32, #tpu.memory_space<vmem>> -> memref<64xi32, #tpu.memory_space<vmem>>
      %dma_start3A_228 = arith.constant 0 : i32
      %dma_start3A_229 = arith.constant 0 : i32
      %dma_start3A_230 = tpu.memref_slice %arg2[%dma_start3A_228, %dma_start3A_229] : memref<10000x128xf32, #tpu.memory_space<hbm>> -> memref<10000x128xf32, #tpu.memory_space<hbm>>
      tpu.enqueue_indirect_dma source(%dma_start3A_230 : memref<10000x128xf32, #tpu.memory_space<hbm>>) target(%arg12 : memref<64x128xf32, #tpu.memory_space<vmem>>) offsets(%dma_start3A_227 : memref<64xi32, #tpu.memory_space<vmem>>) semaphore(%arg23 : memref<!tpu.dma_semaphore, #tpu.memory_space<semaphore_mem>>)
      %dma_wait3A_231 = arith.constant 0 : i32
      %dma_wait3A_232 = arith.constant 0 : i32
      %dma_wait3A_233 = tpu.memref_slice %arg9[%dma_wait3A_231, %dma_wait3A_232] : memref<2x64xi32, #tpu.memory_space<vmem>> -> memref<1x64xi32, #tpu.memory_space<vmem>>
      %dma_wait3A_234 = tpu.memref_squeeze %dma_wait3A_233 : memref<1x64xi32, #tpu.memory_space<vmem>> -> memref<64xi32, #tpu.memory_space<vmem>>
      %dma_wait3A_235 = tpu.memref_slice %arg3[%add3A_141] : memref<320000xi32, #tpu.memory_space<hbm>> -> memref<64xi32, #tpu.memory_space<hbm>>
      %dma_wait3A_236 = arith.constant 0 : i32
      %dma_wait3A_237 = tpu.memref_slice %arg9[%dma_wait3A_231, %dma_wait3A_236] : memref<2x64xi32, #tpu.memory_space<vmem>> -> memref<1x64xi32, #tpu.memory_space<vmem>>
      %dma_wait3A_238 = tpu.memref_squeeze %dma_wait3A_237 : memref<1x64xi32, #tpu.memory_space<vmem>> -> memref<64xi32, #tpu.memory_space<vmem>>
      %dma_wait3A_239 = tpu.memref_slice %arg3[%add3A_141] : memref<320000xi32, #tpu.memory_space<hbm>> -> memref<64xi32, #tpu.memory_space<hbm>>
      tpu.wait_dma2 semaphore(%arg20 : memref<!tpu.dma_semaphore, #tpu.memory_space<semaphore_mem>>) src(%dma_wait3A_239 : memref<64xi32, #tpu.memory_space<hbm>>) dst(%dma_wait3A_238 : memref<64xi32, #tpu.memory_space<vmem>>)
      %dma_wait3A_240 = arith.constant 1 : i32
      %dma_wait3A_241 = arith.constant 0 : i32
      %dma_wait3A_242 = tpu.memref_slice %arg9[%dma_wait3A_240, %dma_wait3A_241] : memref<2x64xi32, #tpu.memory_space<vmem>> -> memref<1x64xi32, #tpu.memory_space<vmem>>
      %dma_wait3A_243 = tpu.memref_squeeze %dma_wait3A_242 : memref<1x64xi32, #tpu.memory_space<vmem>> -> memref<64xi32, #tpu.memory_space<vmem>>
      %dma_wait3A_244 = tpu.memref_slice %arg4[%add3A_141] : memref<320000xi32, #tpu.memory_space<hbm>> -> memref<64xi32, #tpu.memory_space<hbm>>
      %dma_wait3A_245 = arith.constant 0 : i32
      %dma_wait3A_246 = tpu.memref_slice %arg9[%dma_wait3A_240, %dma_wait3A_245] : memref<2x64xi32, #tpu.memory_space<vmem>> -> memref<1x64xi32, #tpu.memory_space<vmem>>
      %dma_wait3A_247 = tpu.memref_squeeze %dma_wait3A_246 : memref<1x64xi32, #tpu.memory_space<vmem>> -> memref<64xi32, #tpu.memory_space<vmem>>
      %dma_wait3A_248 = tpu.memref_slice %arg4[%add3A_141] : memref<320000xi32, #tpu.memory_space<hbm>> -> memref<64xi32, #tpu.memory_space<hbm>>
      tpu.wait_dma2 semaphore(%arg20 : memref<!tpu.dma_semaphore, #tpu.memory_space<semaphore_mem>>) src(%dma_wait3A_248 : memref<64xi32, #tpu.memory_space<hbm>>) dst(%dma_wait3A_247 : memref<64xi32, #tpu.memory_space<vmem>>)
      %dma_start3A_249 = arith.constant 0 : i32
      %dma_start3A_250 = arith.constant 0 : i32
      %dma_start3A_251 = tpu.memref_slice %arg9[%dma_start3A_249, %dma_start3A_250] : memref<2x64xi32, #tpu.memory_space<vmem>> -> memref<1x64xi32, #tpu.memory_space<vmem>>
      %dma_start3A_252 = tpu.memref_squeeze %dma_start3A_251 : memref<1x64xi32, #tpu.memory_space<vmem>> -> memref<64xi32, #tpu.memory_space<vmem>>
      %dma_start3A_253 = arith.constant 0 : i32
      %dma_start3A_254 = arith.constant 0 : i32
      %dma_start3A_255 = tpu.memref_slice %arg2[%dma_start3A_253, %dma_start3A_254] : memref<10000x128xf32, #tpu.memory_space<hbm>> -> memref<10000x128xf32, #tpu.memory_space<hbm>>
      tpu.enqueue_indirect_dma source(%dma_start3A_255 : memref<10000x128xf32, #tpu.memory_space<hbm>>) target(%arg13 : memref<64x128xf32, #tpu.memory_space<vmem>>) offsets(%dma_start3A_252 : memref<64xi32, #tpu.memory_space<vmem>>) semaphore(%arg24 : memref<!tpu.dma_semaphore, #tpu.memory_space<semaphore_mem>>)
      %dma_wait3A_256 = arith.constant 0 : i32
      %dma_wait3A_257 = arith.constant 0 : i32
      %dma_wait3A_258 = tpu.memref_slice %arg10[%dma_wait3A_256, %dma_wait3A_257] : memref<2x64xi32, #tpu.memory_space<vmem>> -> memref<1x64xi32, #tpu.memory_space<vmem>>
      %dma_wait3A_259 = tpu.memref_squeeze %dma_wait3A_258 : memref<1x64xi32, #tpu.memory_space<vmem>> -> memref<64xi32, #tpu.memory_space<vmem>>
      %dma_wait3A_260 = tpu.memref_slice %arg3[%add3A_164] : memref<320000xi32, #tpu.memory_space<hbm>> -> memref<64xi32, #tpu.memory_space<hbm>>
      %dma_wait3A_261 = arith.constant 0 : i32
      %dma_wait3A_262 = tpu.memref_slice %arg10[%dma_wait3A_256, %dma_wait3A_261] : memref<2x64xi32, #tpu.memory_space<vmem>> -> memref<1x64xi32, #tpu.memory_space<vmem>>
      %dma_wait3A_263 = tpu.memref_squeeze %dma_wait3A_262 : memref<1x64xi32, #tpu.memory_space<vmem>> -> memref<64xi32, #tpu.memory_space<vmem>>
      %dma_wait3A_264 = tpu.memref_slice %arg3[%add3A_164] : memref<320000xi32, #tpu.memory_space<hbm>> -> memref<64xi32, #tpu.memory_space<hbm>>
      tpu.wait_dma2 semaphore(%arg21 : memref<!tpu.dma_semaphore, #tpu.memory_space<semaphore_mem>>) src(%dma_wait3A_264 : memref<64xi32, #tpu.memory_space<hbm>>) dst(%dma_wait3A_263 : memref<64xi32, #tpu.memory_space<vmem>>)
      %dma_wait3A_265 = arith.constant 1 : i32
      %dma_wait3A_266 = arith.constant 0 : i32
      %dma_wait3A_267 = tpu.memref_slice %arg10[%dma_wait3A_265, %dma_wait3A_266] : memref<2x64xi32, #tpu.memory_space<vmem>> -> memref<1x64xi32, #tpu.memory_space<vmem>>
      %dma_wait3A_268 = tpu.memref_squeeze %dma_wait3A_267 : memref<1x64xi32, #tpu.memory_space<vmem>> -> memref<64xi32, #tpu.memory_space<vmem>>
      %dma_wait3A_269 = tpu.memref_slice %arg4[%add3A_164] : memref<320000xi32, #tpu.memory_space<hbm>> -> memref<64xi32, #tpu.memory_space<hbm>>
      %dma_wait3A_270 = arith.constant 0 : i32
      %dma_wait3A_271 = tpu.memref_slice %arg10[%dma_wait3A_265, %dma_wait3A_270] : memref<2x64xi32, #tpu.memory_space<vmem>> -> memref<1x64xi32, #tpu.memory_space<vmem>>
      %dma_wait3A_272 = tpu.memref_squeeze %dma_wait3A_271 : memref<1x64xi32, #tpu.memory_space<vmem>> -> memref<64xi32, #tpu.memory_space<vmem>>
      %dma_wait3A_273 = tpu.memref_slice %arg4[%add3A_164] : memref<320000xi32, #tpu.memory_space<hbm>> -> memref<64xi32, #tpu.memory_space<hbm>>
      tpu.wait_dma2 semaphore(%arg21 : memref<!tpu.dma_semaphore, #tpu.memory_space<semaphore_mem>>) src(%dma_wait3A_273 : memref<64xi32, #tpu.memory_space<hbm>>) dst(%dma_wait3A_272 : memref<64xi32, #tpu.memory_space<vmem>>)
      %dma_start3A_274 = arith.constant 0 : i32
      %dma_start3A_275 = arith.constant 0 : i32
      %dma_start3A_276 = tpu.memref_slice %arg10[%dma_start3A_274, %dma_start3A_275] : memref<2x64xi32, #tpu.memory_space<vmem>> -> memref<1x64xi32, #tpu.memory_space<vmem>>
      %dma_start3A_277 = tpu.memref_squeeze %dma_start3A_276 : memref<1x64xi32, #tpu.memory_space<vmem>> -> memref<64xi32, #tpu.memory_space<vmem>>
      %dma_start3A_278 = arith.constant 0 : i32
      %dma_start3A_279 = arith.constant 0 : i32
      %dma_start3A_280 = tpu.memref_slice %arg2[%dma_start3A_278, %dma_start3A_279] : memref<10000x128xf32, #tpu.memory_space<hbm>> -> memref<10000x128xf32, #tpu.memory_space<hbm>>
      tpu.enqueue_indirect_dma source(%dma_start3A_280 : memref<10000x128xf32, #tpu.memory_space<hbm>>) target(%arg14 : memref<64x128xf32, #tpu.memory_space<vmem>>) offsets(%dma_start3A_277 : memref<64xi32, #tpu.memory_space<vmem>>) semaphore(%arg25 : memref<!tpu.dma_semaphore, #tpu.memory_space<semaphore_mem>>)
      %dma_wait3A_281 = arith.constant 0 : i32
      %dma_wait3A_282 = arith.constant 0 : i32
      %dma_wait3A_283 = tpu.memref_slice %arg11[%dma_wait3A_281, %dma_wait3A_282] : memref<2x64xi32, #tpu.memory_space<vmem>> -> memref<1x64xi32, #tpu.memory_space<vmem>>
      %dma_wait3A_284 = tpu.memref_squeeze %dma_wait3A_283 : memref<1x64xi32, #tpu.memory_space<vmem>> -> memref<64xi32, #tpu.memory_space<vmem>>
      %dma_wait3A_285 = tpu.memref_slice %arg3[%add3A_187] : memref<320000xi32, #tpu.memory_space<hbm>> -> memref<64xi32, #tpu.memory_space<hbm>>
      %dma_wait3A_286 = arith.constant 0 : i32
      %dma_wait3A_287 = tpu.memref_slice %arg11[%dma_wait3A_281, %dma_wait3A_286] : memref<2x64xi32, #tpu.memory_space<vmem>> -> memref<1x64xi32, #tpu.memory_space<vmem>>
      %dma_wait3A_288 = tpu.memref_squeeze %dma_wait3A_287 : memref<1x64xi32, #tpu.memory_space<vmem>> -> memref<64xi32, #tpu.memory_space<vmem>>
      %dma_wait3A_289 = tpu.memref_slice %arg3[%add3A_187] : memref<320000xi32, #tpu.memory_space<hbm>> -> memref<64xi32, #tpu.memory_space<hbm>>
      tpu.wait_dma2 semaphore(%arg22 : memref<!tpu.dma_semaphore, #tpu.memory_space<semaphore_mem>>) src(%dma_wait3A_289 : memref<64xi32, #tpu.memory_space<hbm>>) dst(%dma_wait3A_288 : memref<64xi32, #tpu.memory_space<vmem>>)
      %dma_wait3A_290 = arith.constant 1 : i32
      %dma_wait3A_291 = arith.constant 0 : i32
      %dma_wait3A_292 = tpu.memref_slice %arg11[%dma_wait3A_290, %dma_wait3A_291] : memref<2x64xi32, #tpu.memory_space<vmem>> -> memref<1x64xi32, #tpu.memory_space<vmem>>
      %dma_wait3A_293 = tpu.memref_squeeze %dma_wait3A_292 : memref<1x64xi32, #tpu.memory_space<vmem>> -> memref<64xi32, #tpu.memory_space<vmem>>
      %dma_wait3A_294 = tpu.memref_slice %arg4[%add3A_187] : memref<320000xi32, #tpu.memory_space<hbm>> -> memref<64xi32, #tpu.memory_space<hbm>>
      %dma_wait3A_295 = arith.constant 0 : i32
      %dma_wait3A_296 = tpu.memref_slice %arg11[%dma_wait3A_290, %dma_wait3A_295] : memref<2x64xi32, #tpu.memory_space<vmem>> -> memref<1x64xi32, #tpu.memory_space<vmem>>
      %dma_wait3A_297 = tpu.memref_squeeze %dma_wait3A_296 : memref<1x64xi32, #tpu.memory_space<vmem>> -> memref<64xi32, #tpu.memory_space<vmem>>
      %dma_wait3A_298 = tpu.memref_slice %arg4[%add3A_187] : memref<320000xi32, #tpu.memory_space<hbm>> -> memref<64xi32, #tpu.memory_space<hbm>>
      tpu.wait_dma2 semaphore(%arg22 : memref<!tpu.dma_semaphore, #tpu.memory_space<semaphore_mem>>) src(%dma_wait3A_298 : memref<64xi32, #tpu.memory_space<hbm>>) dst(%dma_wait3A_297 : memref<64xi32, #tpu.memory_space<vmem>>)
      %dma_start3A_299 = arith.constant 0 : i32
      %dma_start3A_300 = arith.constant 0 : i32
      %dma_start3A_301 = tpu.memref_slice %arg11[%dma_start3A_299, %dma_start3A_300] : memref<2x64xi32, #tpu.memory_space<vmem>> -> memref<1x64xi32, #tpu.memory_space<vmem>>
      %dma_start3A_302 = tpu.memref_squeeze %dma_start3A_301 : memref<1x64xi32, #tpu.memory_space<vmem>> -> memref<64xi32, #tpu.memory_space<vmem>>
      %dma_start3A_303 = arith.constant 0 : i32
      %dma_start3A_304 = arith.constant 0 : i32
      %dma_start3A_305 = tpu.memref_slice %arg2[%dma_start3A_303, %dma_start3A_304] : memref<10000x128xf32, #tpu.memory_space<hbm>> -> memref<10000x128xf32, #tpu.memory_space<hbm>>
      tpu.enqueue_indirect_dma source(%dma_start3A_305 : memref<10000x128xf32, #tpu.memory_space<hbm>>) target(%arg15 : memref<64x128xf32, #tpu.memory_space<vmem>>) offsets(%dma_start3A_302 : memref<64xi32, #tpu.memory_space<vmem>>) semaphore(%arg26 : memref<!tpu.dma_semaphore, #tpu.memory_space<semaphore_mem>>)
      %dma_wait3A_306 = arith.constant 0 : i32
      %dma_wait3A_307 = arith.constant 0 : i32
      %dma_wait3A_308 = tpu.memref_slice %arg8[%dma_wait3A_306, %dma_wait3A_307] : memref<2x64xi32, #tpu.memory_space<vmem>> -> memref<1x64xi32, #tpu.memory_space<vmem>>
      %dma_wait3A_309 = tpu.memref_squeeze %dma_wait3A_308 : memref<1x64xi32, #tpu.memory_space<vmem>> -> memref<64xi32, #tpu.memory_space<vmem>>
      %dma_wait3A_310 = arith.constant 0 : i32
      %dma_wait3A_311 = arith.constant 0 : i32
      %dma_wait3A_312 = tpu.memref_slice %arg2[%dma_wait3A_310, %dma_wait3A_311] : memref<10000x128xf32, #tpu.memory_space<hbm>> -> memref<10000x128xf32, #tpu.memory_space<hbm>>
      tpu.wait_indirect_dma semaphore(%arg23 : memref<!tpu.dma_semaphore, #tpu.memory_space<semaphore_mem>>) src(%dma_wait3A_312 : memref<10000x128xf32, #tpu.memory_space<hbm>>) dst(%arg12 : memref<64x128xf32, #tpu.memory_space<vmem>>)
      %dma_start3A_313 = arith.constant 1 : i32
      %dma_start3A_314 = arith.constant 0 : i32
      %dma_start3A_315 = tpu.memref_slice %arg8[%dma_start3A_313, %dma_start3A_314] : memref<2x64xi32, #tpu.memory_space<vmem>> -> memref<1x64xi32, #tpu.memory_space<vmem>>
      %dma_start3A_316 = tpu.memref_squeeze %dma_start3A_315 : memref<1x64xi32, #tpu.memory_space<vmem>> -> memref<64xi32, #tpu.memory_space<vmem>>
      %dma_start3A_317 = arith.constant 0 : i32
      %dma_start3A_318 = arith.constant 0 : i32
      %dma_start3A_319 = tpu.memref_slice %arg18[%dma_start3A_317, %dma_start3A_318] : memref<10240x128xf32, #tpu.memory_space<vmem_shared>> -> memref<10240x128xf32, #tpu.memory_space<vmem_shared>>
      tpu.enqueue_indirect_dma source(%arg12 : memref<64x128xf32, #tpu.memory_space<vmem>>) target(%dma_start3A_319 : memref<10240x128xf32, #tpu.memory_space<vmem_shared>>) offsets(%dma_start3A_316 : memref<64xi32, #tpu.memory_space<vmem>>) semaphore(%arg27 : memref<!tpu.dma_semaphore, #tpu.memory_space<semaphore_mem>>) {add = true}
      %scan3A_320 = arith.constant 0 : i32
      %scan3A_321 = arith.constant 4 : i32
      %scan3A_322 = arith.addi %scan3A_320, %scan3A_321 : i32
      %scan3A_323 = arith.constant 1 : i32
      scf.for %scan3A_410 = %scan3A_320 to %scan3A_322 step %scan3A_323  : i32 {
        %mul3A_411 = arith.constant 16 : i32
        %mul3A_412 = arith.muli %scan3A_410, %mul3A_411 : i32
        %add3A_413 = arith.constant 0 : i32
        %add3A_414 = arith.addi %add3A_413, %mul3A_412 : i32
        %get3A_415 = arith.constant 1 : i32
        %get3A_416 = arith.index_cast %get3A_415 : i32 to index
        %get3A_417 = arith.index_cast %add3A_414 : i32 to index
        %get3A_418 = tpu.vector_load %arg8[%get3A_416, %get3A_417] {strides = array<i32>} : memref<2x64xi32, #tpu.memory_space<vmem>>, vector<16xi32>,
        %broadcast_in_dim3A_419 = arith.constant 1.000000e+00 : f32
        %broadcast_in_dim3A_420 = vector.broadcast %broadcast_in_dim3A_419 : f32 to vector<16xf32>
        tpu.vector_store_idx %arg17[%get3A_418], %broadcast_in_dim3A_420 {add = true} : memref<10240xf32, #tpu.memory_space<vmem>>[vector<16xi32>], vector<16xf32>,
      }
      %scan3A_324 = arith.constant 4 : i32
      %dma_wait3A_325 = arith.constant 0 : i32
      %dma_wait3A_326 = arith.constant 0 : i32
      %dma_wait3A_327 = tpu.memref_slice %arg9[%dma_wait3A_325, %dma_wait3A_326] : memref<2x64xi32, #tpu.memory_space<vmem>> -> memref<1x64xi32, #tpu.memory_space<vmem>>
      %dma_wait3A_328 = tpu.memref_squeeze %dma_wait3A_327 : memref<1x64xi32, #tpu.memory_space<vmem>> -> memref<64xi32, #tpu.memory_space<vmem>>
      %dma_wait3A_329 = arith.constant 0 : i32
      %dma_wait3A_330 = arith.constant 0 : i32
      %dma_wait3A_331 = tpu.memref_slice %arg2[%dma_wait3A_329, %dma_wait3A_330] : memref<10000x128xf32, #tpu.memory_space<hbm>> -> memref<10000x128xf32, #tpu.memory_space<hbm>>
      tpu.wait_indirect_dma semaphore(%arg24 : memref<!tpu.dma_semaphore, #tpu.memory_space<semaphore_mem>>) src(%dma_wait3A_331 : memref<10000x128xf32, #tpu.memory_space<hbm>>) dst(%arg13 : memref<64x128xf32, #tpu.memory_space<vmem>>)
      %dma_start3A_332 = arith.constant 1 : i32
      %dma_start3A_333 = arith.constant 0 : i32
      %dma_start3A_334 = tpu.memref_slice %arg9[%dma_start3A_332, %dma_start3A_333] : memref<2x64xi32, #tpu.memory_space<vmem>> -> memref<1x64xi32, #tpu.memory_space<vmem>>
      %dma_start3A_335 = tpu.memref_squeeze %dma_start3A_334 : memref<1x64xi32, #tpu.memory_space<vmem>> -> memref<64xi32, #tpu.memory_space<vmem>>
      %dma_start3A_336 = arith.constant 0 : i32
      %dma_start3A_337 = arith.constant 0 : i32
      %dma_start3A_338 = tpu.memref_slice %arg18[%dma_start3A_336, %dma_start3A_337] : memref<10240x128xf32, #tpu.memory_space<vmem_shared>> -> memref<10240x128xf32, #tpu.memory_space<vmem_shared>>
      tpu.enqueue_indirect_dma source(%arg13 : memref<64x128xf32, #tpu.memory_space<vmem>>) target(%dma_start3A_338 : memref<10240x128xf32, #tpu.memory_space<vmem_shared>>) offsets(%dma_start3A_335 : memref<64xi32, #tpu.memory_space<vmem>>) semaphore(%arg28 : memref<!tpu.dma_semaphore, #tpu.memory_space<semaphore_mem>>) {add = true}
      %scan3A_339 = arith.constant 0 : i32
      %scan3A_340 = arith.constant 4 : i32
      %scan3A_341 = arith.addi %scan3A_339, %scan3A_340 : i32
      %scan3A_342 = arith.constant 1 : i32
      scf.for %scan3A_410 = %scan3A_339 to %scan3A_341 step %scan3A_342  : i32 {
        %mul3A_411 = arith.constant 16 : i32
        %mul3A_412 = arith.muli %scan3A_410, %mul3A_411 : i32
        %add3A_413 = arith.constant 0 : i32
        %add3A_414 = arith.addi %add3A_413, %mul3A_412 : i32
        %get3A_415 = arith.constant 1 : i32
        %get3A_416 = arith.index_cast %get3A_415 : i32 to index
        %get3A_417 = arith.index_cast %add3A_414 : i32 to index
        %get3A_418 = tpu.vector_load %arg9[%get3A_416, %get3A_417] {strides = array<i32>} : memref<2x64xi32, #tpu.memory_space<vmem>>, vector<16xi32>,
        %broadcast_in_dim3A_419 = arith.constant 1.000000e+00 : f32
        %broadcast_in_dim3A_420 = vector.broadcast %broadcast_in_dim3A_419 : f32 to vector<16xf32>
        tpu.vector_store_idx %arg17[%get3A_418], %broadcast_in_dim3A_420 {add = true} : memref<10240xf32, #tpu.memory_space<vmem>>[vector<16xi32>], vector<16xf32>,
      }
      %scan3A_343 = arith.constant 4 : i32
      %dma_wait3A_344 = arith.constant 0 : i32
      %dma_wait3A_345 = arith.constant 0 : i32
      %dma_wait3A_346 = tpu.memref_slice %arg10[%dma_wait3A_344, %dma_wait3A_345] : memref<2x64xi32, #tpu.memory_space<vmem>> -> memref<1x64xi32, #tpu.memory_space<vmem>>
      %dma_wait3A_347 = tpu.memref_squeeze %dma_wait3A_346 : memref<1x64xi32, #tpu.memory_space<vmem>> -> memref<64xi32, #tpu.memory_space<vmem>>
      %dma_wait3A_348 = arith.constant 0 : i32
      %dma_wait3A_349 = arith.constant 0 : i32
      %dma_wait3A_350 = tpu.memref_slice %arg2[%dma_wait3A_348, %dma_wait3A_349] : memref<10000x128xf32, #tpu.memory_space<hbm>> -> memref<10000x128xf32, #tpu.memory_space<hbm>>
      tpu.wait_indirect_dma semaphore(%arg25 : memref<!tpu.dma_semaphore, #tpu.memory_space<semaphore_mem>>) src(%dma_wait3A_350 : memref<10000x128xf32, #tpu.memory_space<hbm>>) dst(%arg14 : memref<64x128xf32, #tpu.memory_space<vmem>>)
      %dma_start3A_351 = arith.constant 1 : i32
      %dma_start3A_352 = arith.constant 0 : i32
      %dma_start3A_353 = tpu.memref_slice %arg10[%dma_start3A_351, %dma_start3A_352] : memref<2x64xi32, #tpu.memory_space<vmem>> -> memref<1x64xi32, #tpu.memory_space<vmem>>
      %dma_start3A_354 = tpu.memref_squeeze %dma_start3A_353 : memref<1x64xi32, #tpu.memory_space<vmem>> -> memref<64xi32, #tpu.memory_space<vmem>>
      %dma_start3A_355 = arith.constant 0 : i32
      %dma_start3A_356 = arith.constant 0 : i32
      %dma_start3A_357 = tpu.memref_slice %arg18[%dma_start3A_355, %dma_start3A_356] : memref<10240x128xf32, #tpu.memory_space<vmem_shared>> -> memref<10240x128xf32, #tpu.memory_space<vmem_shared>>
      tpu.enqueue_indirect_dma source(%arg14 : memref<64x128xf32, #tpu.memory_space<vmem>>) target(%dma_start3A_357 : memref<10240x128xf32, #tpu.memory_space<vmem_shared>>) offsets(%dma_start3A_354 : memref<64xi32, #tpu.memory_space<vmem>>) semaphore(%arg29 : memref<!tpu.dma_semaphore, #tpu.memory_space<semaphore_mem>>) {add = true}
      %scan3A_358 = arith.constant 0 : i32
      %scan3A_359 = arith.constant 4 : i32
      %scan3A_360 = arith.addi %scan3A_358, %scan3A_359 : i32
      %scan3A_361 = arith.constant 1 : i32
      scf.for %scan3A_410 = %scan3A_358 to %scan3A_360 step %scan3A_361  : i32 {
        %mul3A_411 = arith.constant 16 : i32
        %mul3A_412 = arith.muli %scan3A_410, %mul3A_411 : i32
        %add3A_413 = arith.constant 0 : i32
        %add3A_414 = arith.addi %add3A_413, %mul3A_412 : i32
        %get3A_415 = arith.constant 1 : i32
        %get3A_416 = arith.index_cast %get3A_415 : i32 to index
        %get3A_417 = arith.index_cast %add3A_414 : i32 to index
        %get3A_418 = tpu.vector_load %arg10[%get3A_416, %get3A_417] {strides = array<i32>} : memref<2x64xi32, #tpu.memory_space<vmem>>, vector<16xi32>,
        %broadcast_in_dim3A_419 = arith.constant 1.000000e+00 : f32
        %broadcast_in_dim3A_420 = vector.broadcast %broadcast_in_dim3A_419 : f32 to vector<16xf32>
        tpu.vector_store_idx %arg17[%get3A_418], %broadcast_in_dim3A_420 {add = true} : memref<10240xf32, #tpu.memory_space<vmem>>[vector<16xi32>], vector<16xf32>,
      }
      %scan3A_362 = arith.constant 4 : i32
      %dma_wait3A_363 = arith.constant 0 : i32
      %dma_wait3A_364 = arith.constant 0 : i32
      %dma_wait3A_365 = tpu.memref_slice %arg11[%dma_wait3A_363, %dma_wait3A_364] : memref<2x64xi32, #tpu.memory_space<vmem>> -> memref<1x64xi32, #tpu.memory_space<vmem>>
      %dma_wait3A_366 = tpu.memref_squeeze %dma_wait3A_365 : memref<1x64xi32, #tpu.memory_space<vmem>> -> memref<64xi32, #tpu.memory_space<vmem>>
      %dma_wait3A_367 = arith.constant 0 : i32
      %dma_wait3A_368 = arith.constant 0 : i32
      %dma_wait3A_369 = tpu.memref_slice %arg2[%dma_wait3A_367, %dma_wait3A_368] : memref<10000x128xf32, #tpu.memory_space<hbm>> -> memref<10000x128xf32, #tpu.memory_space<hbm>>
      tpu.wait_indirect_dma semaphore(%arg26 : memref<!tpu.dma_semaphore, #tpu.memory_space<semaphore_mem>>) src(%dma_wait3A_369 : memref<10000x128xf32, #tpu.memory_space<hbm>>) dst(%arg15 : memref<64x128xf32, #tpu.memory_space<vmem>>)
      %dma_start3A_370 = arith.constant 1 : i32
      %dma_start3A_371 = arith.constant 0 : i32
      %dma_start3A_372 = tpu.memref_slice %arg11[%dma_start3A_370, %dma_start3A_371] : memref<2x64xi32, #tpu.memory_space<vmem>> -> memref<1x64xi32, #tpu.memory_space<vmem>>
      %dma_start3A_373 = tpu.memref_squeeze %dma_start3A_372 : memref<1x64xi32, #tpu.memory_space<vmem>> -> memref<64xi32, #tpu.memory_space<vmem>>
      %dma_start3A_374 = arith.constant 0 : i32
      %dma_start3A_375 = arith.constant 0 : i32
      %dma_start3A_376 = tpu.memref_slice %arg18[%dma_start3A_374, %dma_start3A_375] : memref<10240x128xf32, #tpu.memory_space<vmem_shared>> -> memref<10240x128xf32, #tpu.memory_space<vmem_shared>>
      tpu.enqueue_indirect_dma source(%arg15 : memref<64x128xf32, #tpu.memory_space<vmem>>) target(%dma_start3A_376 : memref<10240x128xf32, #tpu.memory_space<vmem_shared>>) offsets(%dma_start3A_373 : memref<64xi32, #tpu.memory_space<vmem>>) semaphore(%arg30 : memref<!tpu.dma_semaphore, #tpu.memory_space<semaphore_mem>>) {add = true}
      %scan3A_377 = arith.constant 0 : i32
      %scan3A_378 = arith.constant 4 : i32
      %scan3A_379 = arith.addi %scan3A_377, %scan3A_378 : i32
      %scan3A_380 = arith.constant 1 : i32
      scf.for %scan3A_410 = %scan3A_377 to %scan3A_379 step %scan3A_380  : i32 {
        %mul3A_411 = arith.constant 16 : i32
        %mul3A_412 = arith.muli %scan3A_410, %mul3A_411 : i32
        %add3A_413 = arith.constant 0 : i32
        %add3A_414 = arith.addi %add3A_413, %mul3A_412 : i32
        %get3A_415 = arith.constant 1 : i32
        %get3A_416 = arith.index_cast %get3A_415 : i32 to index
        %get3A_417 = arith.index_cast %add3A_414 : i32 to index
        %get3A_418 = tpu.vector_load %arg11[%get3A_416, %get3A_417] {strides = array<i32>} : memref<2x64xi32, #tpu.memory_space<vmem>>, vector<16xi32>,
        %broadcast_in_dim3A_419 = arith.constant 1.000000e+00 : f32
        %broadcast_in_dim3A_420 = vector.broadcast %broadcast_in_dim3A_419 : f32 to vector<16xf32>
        tpu.vector_store_idx %arg17[%get3A_418], %broadcast_in_dim3A_420 {add = true} : memref<10240xf32, #tpu.memory_space<vmem>>[vector<16xi32>], vector<16xf32>,
      }
      %scan3A_381 = arith.constant 4 : i32
      %dma_wait3A_382 = arith.constant 1 : i32
      %dma_wait3A_383 = arith.constant 0 : i32
      %dma_wait3A_384 = tpu.memref_slice %arg8[%dma_wait3A_382, %dma_wait3A_383] : memref<2x64xi32, #tpu.memory_space<vmem>> -> memref<1x64xi32, #tpu.memory_space<vmem>>
      %dma_wait3A_385 = tpu.memref_squeeze %dma_wait3A_384 : memref<1x64xi32, #tpu.memory_space<vmem>> -> memref<64xi32, #tpu.memory_space<vmem>>
      %dma_wait3A_386 = arith.constant 0 : i32
      %dma_wait3A_387 = arith.constant 0 : i32
      %dma_wait3A_388 = tpu.memref_slice %arg18[%dma_wait3A_386, %dma_wait3A_387] : memref<10240x128xf32, #tpu.memory_space<vmem_shared>> -> memref<10240x128xf32, #tpu.memory_space<vmem_shared>>
      tpu.wait_indirect_dma semaphore(%arg27 : memref<!tpu.dma_semaphore, #tpu.memory_space<semaphore_mem>>) src(%arg12 : memref<64x128xf32, #tpu.memory_space<vmem>>) dst(%dma_wait3A_388 : memref<10240x128xf32, #tpu.memory_space<vmem_shared>>)
      %dma_wait3A_389 = arith.constant 1 : i32
      %dma_wait3A_390 = arith.constant 0 : i32
      %dma_wait3A_391 = tpu.memref_slice %arg9[%dma_wait3A_389, %dma_wait3A_390] : memref<2x64xi32, #tpu.memory_space<vmem>> -> memref<1x64xi32, #tpu.memory_space<vmem>>
      %dma_wait3A_392 = tpu.memref_squeeze %dma_wait3A_391 : memref<1x64xi32, #tpu.memory_space<vmem>> -> memref<64xi32, #tpu.memory_space<vmem>>
      %dma_wait3A_393 = arith.constant 0 : i32
      %dma_wait3A_394 = arith.constant 0 : i32
      %dma_wait3A_395 = tpu.memref_slice %arg18[%dma_wait3A_393, %dma_wait3A_394] : memref<10240x128xf32, #tpu.memory_space<vmem_shared>> -> memref<10240x128xf32, #tpu.memory_space<vmem_shared>>
      tpu.wait_indirect_dma semaphore(%arg28 : memref<!tpu.dma_semaphore, #tpu.memory_space<semaphore_mem>>) src(%arg13 : memref<64x128xf32, #tpu.memory_space<vmem>>) dst(%dma_wait3A_395 : memref<10240x128xf32, #tpu.memory_space<vmem_shared>>)
      %dma_wait3A_396 = arith.constant 1 : i32
      %dma_wait3A_397 = arith.constant 0 : i32
      %dma_wait3A_398 = tpu.memref_slice %arg10[%dma_wait3A_396, %dma_wait3A_397] : memref<2x64xi32, #tpu.memory_space<vmem>> -> memref<1x64xi32, #tpu.memory_space<vmem>>
      %dma_wait3A_399 = tpu.memref_squeeze %dma_wait3A_398 : memref<1x64xi32, #tpu.memory_space<vmem>> -> memref<64xi32, #tpu.memory_space<vmem>>
      %dma_wait3A_400 = arith.constant 0 : i32
      %dma_wait3A_401 = arith.constant 0 : i32
      %dma_wait3A_402 = tpu.memref_slice %arg18[%dma_wait3A_400, %dma_wait3A_401] : memref<10240x128xf32, #tpu.memory_space<vmem_shared>> -> memref<10240x128xf32, #tpu.memory_space<vmem_shared>>
      tpu.wait_indirect_dma semaphore(%arg29 : memref<!tpu.dma_semaphore, #tpu.memory_space<semaphore_mem>>) src(%arg14 : memref<64x128xf32, #tpu.memory_space<vmem>>) dst(%dma_wait3A_402 : memref<10240x128xf32, #tpu.memory_space<vmem_shared>>)
      %dma_wait3A_403 = arith.constant 1 : i32
      %dma_wait3A_404 = arith.constant 0 : i32
      %dma_wait3A_405 = tpu.memref_slice %arg11[%dma_wait3A_403, %dma_wait3A_404] : memref<2x64xi32, #tpu.memory_space<vmem>> -> memref<1x64xi32, #tpu.memory_space<vmem>>
      %dma_wait3A_406 = tpu.memref_squeeze %dma_wait3A_405 : memref<1x64xi32, #tpu.memory_space<vmem>> -> memref<64xi32, #tpu.memory_space<vmem>>
      %dma_wait3A_407 = arith.constant 0 : i32
      %dma_wait3A_408 = arith.constant 0 : i32
      %dma_wait3A_409 = tpu.memref_slice %arg18[%dma_wait3A_407, %dma_wait3A_408] : memref<10240x128xf32, #tpu.memory_space<vmem_shared>> -> memref<10240x128xf32, #tpu.memory_space<vmem_shared>>
      tpu.wait_indirect_dma semaphore(%arg30 : memref<!tpu.dma_semaphore, #tpu.memory_space<semaphore_mem>>) src(%arg15 : memref<64x128xf32, #tpu.memory_space<vmem>>) dst(%dma_wait3A_409 : memref<10240x128xf32, #tpu.memory_space<vmem_shared>>)
    }
    %scan3A_23 = arith.constant 39 : i32
    %add3A_24 = arith.constant 9984 : i32
    %add3A_25 = arith.addi %mul3A_18, %add3A_24 : i32
    %dma_start3A = arith.constant 0 : i32
    %dma_start3A_26 = arith.constant 0 : i32
    %dma_start3A_27 = tpu.memref_slice %arg31[%dma_start3A, %dma_start3A_26] : memref<2x16xi32, #tpu.memory_space<vmem>> -> memref<1x16xi32, #tpu.memory_space<vmem>>
    %dma_start3A_28 = tpu.memref_squeeze %dma_start3A_27 : memref<1x16xi32, #tpu.memory_space<vmem>> -> memref<16xi32, #tpu.memory_space<vmem>>
    %dma_start3A_29 = tpu.memref_slice %arg3[%add3A_25] : memref<320000xi32, #tpu.memory_space<hbm>> -> memref<16xi32, #tpu.memory_space<hbm>>
    %dma_start3A_30 = arith.constant 0 : i32
    %dma_start3A_31 = tpu.memref_slice %arg31[%dma_start3A, %dma_start3A_30] : memref<2x16xi32, #tpu.memory_space<vmem>> -> memref<1x16xi32, #tpu.memory_space<vmem>>
    %dma_start3A_32 = tpu.memref_squeeze %dma_start3A_31 : memref<1x16xi32, #tpu.memory_space<vmem>> -> memref<16xi32, #tpu.memory_space<vmem>>
    %dma_start3A_33 = tpu.memref_slice %arg3[%add3A_25] : memref<320000xi32, #tpu.memory_space<hbm>> -> memref<16xi32, #tpu.memory_space<hbm>>
    tpu.enqueue_dma source(%dma_start3A_33 : memref<16xi32, #tpu.memory_space<hbm>>) target(%dma_start3A_32 : memref<16xi32, #tpu.memory_space<vmem>>) target_semaphore(%arg19 : memref<!tpu.dma_semaphore, #tpu.memory_space<semaphore_mem>>)
    %dma_start3A_34 = arith.constant 1 : i32
    %dma_start3A_35 = arith.constant 0 : i32
    %dma_start3A_36 = tpu.memref_slice %arg31[%dma_start3A_34, %dma_start3A_35] : memref<2x16xi32, #tpu.memory_space<vmem>> -> memref<1x16xi32, #tpu.memory_space<vmem>>
    %dma_start3A_37 = tpu.memref_squeeze %dma_start3A_36 : memref<1x16xi32, #tpu.memory_space<vmem>> -> memref<16xi32, #tpu.memory_space<vmem>>
    %dma_start3A_38 = tpu.memref_slice %arg4[%add3A_25] : memref<320000xi32, #tpu.memory_space<hbm>> -> memref<16xi32, #tpu.memory_space<hbm>>
    %dma_start3A_39 = arith.constant 0 : i32
    %dma_start3A_40 = tpu.memref_slice %arg31[%dma_start3A_34, %dma_start3A_39] : memref<2x16xi32, #tpu.memory_space<vmem>> -> memref<1x16xi32, #tpu.memory_space<vmem>>
    %dma_start3A_41 = tpu.memref_squeeze %dma_start3A_40 : memref<1x16xi32, #tpu.memory_space<vmem>> -> memref<16xi32, #tpu.memory_space<vmem>>
    %dma_start3A_42 = tpu.memref_slice %arg4[%add3A_25] : memref<320000xi32, #tpu.memory_space<hbm>> -> memref<16xi32, #tpu.memory_space<hbm>>
    tpu.enqueue_dma source(%dma_start3A_42 : memref<16xi32, #tpu.memory_space<hbm>>) target(%dma_start3A_41 : memref<16xi32, #tpu.memory_space<vmem>>) target_semaphore(%arg19 : memref<!tpu.dma_semaphore, #tpu.memory_space<semaphore_mem>>)
    %dma_wait3A = arith.constant 0 : i32
    %dma_wait3A_43 = arith.constant 0 : i32
    %dma_wait3A_44 = tpu.memref_slice %arg31[%dma_wait3A, %dma_wait3A_43] : memref<2x16xi32, #tpu.memory_space<vmem>> -> memref<1x16xi32, #tpu.memory_space<vmem>>
    %dma_wait3A_45 = tpu.memref_squeeze %dma_wait3A_44 : memref<1x16xi32, #tpu.memory_space<vmem>> -> memref<16xi32, #tpu.memory_space<vmem>>
    %dma_wait3A_46 = tpu.memref_slice %arg3[%add3A_25] : memref<320000xi32, #tpu.memory_space<hbm>> -> memref<16xi32, #tpu.memory_space<hbm>>
    %dma_wait3A_47 = arith.constant 0 : i32
    %dma_wait3A_48 = tpu.memref_slice %arg31[%dma_wait3A, %dma_wait3A_47] : memref<2x16xi32, #tpu.memory_space<vmem>> -> memref<1x16xi32, #tpu.memory_space<vmem>>
    %dma_wait3A_49 = tpu.memref_squeeze %dma_wait3A_48 : memref<1x16xi32, #tpu.memory_space<vmem>> -> memref<16xi32, #tpu.memory_space<vmem>>
    %dma_wait3A_50 = tpu.memref_slice %arg3[%add3A_25] : memref<320000xi32, #tpu.memory_space<hbm>> -> memref<16xi32, #tpu.memory_space<hbm>>
    tpu.wait_dma2 semaphore(%arg19 : memref<!tpu.dma_semaphore, #tpu.memory_space<semaphore_mem>>) src(%dma_wait3A_50 : memref<16xi32, #tpu.memory_space<hbm>>) dst(%dma_wait3A_49 : memref<16xi32, #tpu.memory_space<vmem>>)
    %dma_wait3A_51 = arith.constant 1 : i32
    %dma_wait3A_52 = arith.constant 0 : i32
    %dma_wait3A_53 = tpu.memref_slice %arg31[%dma_wait3A_51, %dma_wait3A_52] : memref<2x16xi32, #tpu.memory_space<vmem>> -> memref<1x16xi32, #tpu.memory_space<vmem>>
    %dma_wait3A_54 = tpu.memref_squeeze %dma_wait3A_53 : memref<1x16xi32, #tpu.memory_space<vmem>> -> memref<16xi32, #tpu.memory_space<vmem>>
    %dma_wait3A_55 = tpu.memref_slice %arg4[%add3A_25] : memref<320000xi32, #tpu.memory_space<hbm>> -> memref<16xi32, #tpu.memory_space<hbm>>
    %dma_wait3A_56 = arith.constant 0 : i32
    %dma_wait3A_57 = tpu.memref_slice %arg31[%dma_wait3A_51, %dma_wait3A_56] : memref<2x16xi32, #tpu.memory_space<vmem>> -> memref<1x16xi32, #tpu.memory_space<vmem>>
    %dma_wait3A_58 = tpu.memref_squeeze %dma_wait3A_57 : memref<1x16xi32, #tpu.memory_space<vmem>> -> memref<16xi32, #tpu.memory_space<vmem>>
    %dma_wait3A_59 = tpu.memref_slice %arg4[%add3A_25] : memref<320000xi32, #tpu.memory_space<hbm>> -> memref<16xi32, #tpu.memory_space<hbm>>
    tpu.wait_dma2 semaphore(%arg19 : memref<!tpu.dma_semaphore, #tpu.memory_space<semaphore_mem>>) src(%dma_wait3A_59 : memref<16xi32, #tpu.memory_space<hbm>>) dst(%dma_wait3A_58 : memref<16xi32, #tpu.memory_space<vmem>>)
    %dma_start3A_60 = arith.constant 0 : i32
    %dma_start3A_61 = arith.constant 0 : i32
    %dma_start3A_62 = tpu.memref_slice %arg31[%dma_start3A_60, %dma_start3A_61] : memref<2x16xi32, #tpu.memory_space<vmem>> -> memref<1x16xi32, #tpu.memory_space<vmem>>
    %dma_start3A_63 = tpu.memref_squeeze %dma_start3A_62 : memref<1x16xi32, #tpu.memory_space<vmem>> -> memref<16xi32, #tpu.memory_space<vmem>>
    %dma_start3A_64 = arith.constant 0 : i32
    %dma_start3A_65 = arith.constant 0 : i32
    %dma_start3A_66 = tpu.memref_slice %arg2[%dma_start3A_64, %dma_start3A_65] : memref<10000x128xf32, #tpu.memory_space<hbm>> -> memref<10000x128xf32, #tpu.memory_space<hbm>>
    tpu.enqueue_indirect_dma source(%dma_start3A_66 : memref<10000x128xf32, #tpu.memory_space<hbm>>) target(%arg32 : memref<16x128xf32, #tpu.memory_space<vmem>>) offsets(%dma_start3A_63 : memref<16xi32, #tpu.memory_space<vmem>>) semaphore(%arg23 : memref<!tpu.dma_semaphore, #tpu.memory_space<semaphore_mem>>)
    %dma_wait3A_67 = arith.constant 0 : i32
    %dma_wait3A_68 = arith.constant 0 : i32
    %dma_wait3A_69 = tpu.memref_slice %arg31[%dma_wait3A_67, %dma_wait3A_68] : memref<2x16xi32, #tpu.memory_space<vmem>> -> memref<1x16xi32, #tpu.memory_space<vmem>>
    %dma_wait3A_70 = tpu.memref_squeeze %dma_wait3A_69 : memref<1x16xi32, #tpu.memory_space<vmem>> -> memref<16xi32, #tpu.memory_space<vmem>>
    %dma_wait3A_71 = arith.constant 0 : i32
    %dma_wait3A_72 = arith.constant 0 : i32
    %dma_wait3A_73 = tpu.memref_slice %arg2[%dma_wait3A_71, %dma_wait3A_72] : memref<10000x128xf32, #tpu.memory_space<hbm>> -> memref<10000x128xf32, #tpu.memory_space<hbm>>
    tpu.wait_indirect_dma semaphore(%arg23 : memref<!tpu.dma_semaphore, #tpu.memory_space<semaphore_mem>>) src(%dma_wait3A_73 : memref<10000x128xf32, #tpu.memory_space<hbm>>) dst(%arg32 : memref<16x128xf32, #tpu.memory_space<vmem>>)
    %dma_start3A_74 = arith.constant 1 : i32
    %dma_start3A_75 = arith.constant 0 : i32
    %dma_start3A_76 = tpu.memref_slice %arg31[%dma_start3A_74, %dma_start3A_75] : memref<2x16xi32, #tpu.memory_space<vmem>> -> memref<1x16xi32, #tpu.memory_space<vmem>>
    %dma_start3A_77 = tpu.memref_squeeze %dma_start3A_76 : memref<1x16xi32, #tpu.memory_space<vmem>> -> memref<16xi32, #tpu.memory_space<vmem>>
    %dma_start3A_78 = arith.constant 0 : i32
    %dma_start3A_79 = arith.constant 0 : i32
    %dma_start3A_80 = tpu.memref_slice %arg18[%dma_start3A_78, %dma_start3A_79] : memref<10240x128xf32, #tpu.memory_space<vmem_shared>> -> memref<10240x128xf32, #tpu.memory_space<vmem_shared>>
    tpu.enqueue_indirect_dma source(%arg32 : memref<16x128xf32, #tpu.memory_space<vmem>>) target(%dma_start3A_80 : memref<10240x128xf32, #tpu.memory_space<vmem_shared>>) offsets(%dma_start3A_77 : memref<16xi32, #tpu.memory_space<vmem>>) semaphore(%arg27 : memref<!tpu.dma_semaphore, #tpu.memory_space<semaphore_mem>>) {add = true}
    %scan3A_81 = arith.constant 0 : i32
    %mul3A_82 = arith.constant 16 : i32
    %mul3A_83 = arith.muli %scan3A_81, %mul3A_82 : i32
    %add3A_84 = arith.constant 0 : i32
    %add3A_85 = arith.addi %add3A_84, %mul3A_83 : i32
    %get3A = arith.constant 1 : i32
    %get3A_86 = arith.index_cast %get3A : i32 to index
    %get3A_87 = arith.index_cast %add3A_85 : i32 to index
    %get3A_88 = tpu.vector_load %arg31[%get3A_86, %get3A_87] {strides = array<i32>} : memref<2x16xi32, #tpu.memory_space<vmem>>, vector<16xi32>,
    %broadcast_in_dim3A = arith.constant 1.000000e+00 : f32
    %broadcast_in_dim3A_89 = vector.broadcast %broadcast_in_dim3A : f32 to vector<16xf32>
    tpu.vector_store_idx %arg17[%get3A_88], %broadcast_in_dim3A_89 {add = true} : memref<10240xf32, #tpu.memory_space<vmem>>[vector<16xi32>], vector<16xf32>,
    %scan3A_90 = arith.constant 1 : i32
    %dma_wait3A_91 = arith.constant 1 : i32
    %dma_wait3A_92 = arith.constant 0 : i32
    %dma_wait3A_93 = tpu.memref_slice %arg31[%dma_wait3A_91, %dma_wait3A_92] : memref<2x16xi32, #tpu.memory_space<vmem>> -> memref<1x16xi32, #tpu.memory_space<vmem>>
    %dma_wait3A_94 = tpu.memref_squeeze %dma_wait3A_93 : memref<1x16xi32, #tpu.memory_space<vmem>> -> memref<16xi32, #tpu.memory_space<vmem>>
    %dma_wait3A_95 = arith.constant 0 : i32
    %dma_wait3A_96 = arith.constant 0 : i32
    %dma_wait3A_97 = tpu.memref_slice %arg18[%dma_wait3A_95, %dma_wait3A_96] : memref<10240x128xf32, #tpu.memory_space<vmem_shared>> -> memref<10240x128xf32, #tpu.memory_space<vmem_shared>>
    tpu.wait_indirect_dma semaphore(%arg27 : memref<!tpu.dma_semaphore, #tpu.memory_space<semaphore_mem>>) src(%arg32 : memref<16x128xf32, #tpu.memory_space<vmem>>) dst(%dma_wait3A_97 : memref<10240x128xf32, #tpu.memory_space<vmem_shared>>)
    %barrier3A_98 = arith.constant 0 : index
    tpu.barrier barrier_id(%barrier3A_98)
    %eq3A = arith.constant 0 : i32
    %eq3A_99 = arith.cmpi eq, %arg0, %eq3A : i32
    %convert_element_type3A = arith.extui %eq3A_99 : i1 to i32
    %cond3A = arith.constant 0 : i32
    %cond3A_100 = arith.cmpi ne, %convert_element_type3A, %cond3A : i32
    scf.if %cond3A_100 {
      "tpu.region"() ({
        %run_scoped3A = tpu.sem_alloc : memref<!tpu.dma_semaphore, #tpu.memory_space<semaphore_mem>>
        %dma_start3A_109 = arith.constant 0 : i32
        %dma_start3A_110 = tpu.memref_slice %arg5[%mul3A_0, %dma_start3A_109] : memref<10240x128xf32, #tpu.memory_space<hbm>> -> memref<640x128xf32, #tpu.memory_space<hbm>>
        %dma_start3A_111 = arith.constant 0 : i32
        %dma_start3A_112 = tpu.memref_slice %arg18[%mul3A_0, %dma_start3A_111] : memref<10240x128xf32, #tpu.memory_space<vmem_shared>> -> memref<640x128xf32, #tpu.memory_space<vmem_shared>>
        tpu.enqueue_dma source(%dma_start3A_112 : memref<640x128xf32, #tpu.memory_space<vmem_shared>>) target(%dma_start3A_110 : memref<640x128xf32, #tpu.memory_space<hbm>>) target_semaphore(%run_scoped3A : memref<!tpu.dma_semaphore, #tpu.memory_space<semaphore_mem>>)
        %dma_wait3A_113 = arith.constant 0 : i32
        %dma_wait3A_114 = tpu.memref_slice %arg5[%mul3A_0, %dma_wait3A_113] : memref<10240x128xf32, #tpu.memory_space<hbm>> -> memref<640x128xf32, #tpu.memory_space<hbm>>
        %dma_wait3A_115 = arith.constant 0 : i32
        %dma_wait3A_116 = tpu.memref_slice %arg18[%mul3A_0, %dma_wait3A_115] : memref<10240x128xf32, #tpu.memory_space<vmem_shared>> -> memref<640x128xf32, #tpu.memory_space<vmem_shared>>
        tpu.wait_dma2 semaphore(%run_scoped3A : memref<!tpu.dma_semaphore, #tpu.memory_space<semaphore_mem>>) src(%dma_wait3A_116 : memref<640x128xf32, #tpu.memory_space<vmem_shared>>) dst(%dma_wait3A_114 : memref<640x128xf32, #tpu.memory_space<hbm>>)
        tpu.yield
      }) : () -> ()
    } else {
    }
    %eq3A_101 = arith.constant 1 : i32
    %eq3A_102 = arith.cmpi eq, %arg0, %eq3A_101 : i32
    %convert_element_type3A_103 = arith.extui %eq3A_102 : i1 to i32
    %cond3A_104 = arith.constant 0 : i32
    %cond3A_105 = arith.cmpi ne, %convert_element_type3A_103, %cond3A_104 : i32
    scf.if %cond3A_105 {
      "tpu.region"() ({
        %run_scoped3A = tpu.sem_alloc : memref<!tpu.dma_semaphore, #tpu.memory_space<semaphore_mem>>
        %dma_start3A_109 = arith.constant 0 : i32
        %dma_start3A_110 = tpu.memref_slice %arg6[%mul3A_0, %dma_start3A_109] : memref<10240x128xf32, #tpu.memory_space<hbm>> -> memref<640x128xf32, #tpu.memory_space<hbm>>
        %dma_start3A_111 = arith.constant 0 : i32
        %dma_start3A_112 = tpu.memref_slice %arg18[%mul3A_0, %dma_start3A_111] : memref<10240x128xf32, #tpu.memory_space<vmem_shared>> -> memref<640x128xf32, #tpu.memory_space<vmem_shared>>
        tpu.enqueue_dma source(%dma_start3A_112 : memref<640x128xf32, #tpu.memory_space<vmem_shared>>) target(%dma_start3A_110 : memref<640x128xf32, #tpu.memory_space<hbm>>) target_semaphore(%run_scoped3A : memref<!tpu.dma_semaphore, #tpu.memory_space<semaphore_mem>>)
        %dma_wait3A_113 = arith.constant 0 : i32
        %dma_wait3A_114 = tpu.memref_slice %arg6[%mul3A_0, %dma_wait3A_113] : memref<10240x128xf32, #tpu.memory_space<hbm>> -> memref<640x128xf32, #tpu.memory_space<hbm>>
        %dma_wait3A_115 = arith.constant 0 : i32
        %dma_wait3A_116 = tpu.memref_slice %arg18[%mul3A_0, %dma_wait3A_115] : memref<10240x128xf32, #tpu.memory_space<vmem_shared>> -> memref<640x128xf32, #tpu.memory_space<vmem_shared>>
        tpu.wait_dma2 semaphore(%run_scoped3A : memref<!tpu.dma_semaphore, #tpu.memory_space<semaphore_mem>>) src(%dma_wait3A_116 : memref<640x128xf32, #tpu.memory_space<vmem_shared>>) dst(%dma_wait3A_114 : memref<640x128xf32, #tpu.memory_space<hbm>>)
        tpu.yield
      }) : () -> ()
    } else {
    }
    %mul3A_106 = arith.constant 16 : i32
    %mul3A_107 = arith.muli %arg0, %mul3A_106 : i32
    %add3A_108 = arith.addi %mul3A_107, %arg1 : i32
    "tpu.region"() ({
      %run_scoped3A = tpu.sem_alloc : memref<!tpu.dma_semaphore, #tpu.memory_space<semaphore_mem>>
      %dma_start3A_109 = arith.constant 0 : i32
      %dma_start3A_110 = tpu.memref_slice %arg7[%add3A_108, %dma_start3A_109] : memref<32x10240xf32, #tpu.memory_space<hbm>> -> memref<1x10240xf32, #tpu.memory_space<hbm>>
      %dma_start3A_111 = tpu.memref_squeeze %dma_start3A_110 : memref<1x10240xf32, #tpu.memory_space<hbm>> -> memref<10240xf32, #tpu.memory_space<hbm>>
      %dma_start3A_112 = arith.constant 0 : i32
      %dma_start3A_113 = tpu.memref_slice %arg7[%add3A_108, %dma_start3A_112] : memref<32x10240xf32, #tpu.memory_space<hbm>> -> memref<1x10240xf32, #tpu.memory_space<hbm>>
      %dma_start3A_114 = tpu.memref_squeeze %dma_start3A_113 : memref<1x10240xf32, #tpu.memory_space<hbm>> -> memref<10240xf32, #tpu.memory_space<hbm>>
      tpu.enqueue_dma source(%arg17 : memref<10240xf32, #tpu.memory_space<vmem>>) target(%dma_start3A_114 : memref<10240xf32, #tpu.memory_space<hbm>>) target_semaphore(%run_scoped3A : memref<!tpu.dma_semaphore, #tpu.memory_space<semaphore_mem>>)
      %dma_wait3A_115 = arith.constant 0 : i32
      %dma_wait3A_116 = tpu.memref_slice %arg7[%add3A_108, %dma_wait3A_115] : memref<32x10240xf32, #tpu.memory_space<hbm>> -> memref<1x10240xf32, #tpu.memory_space<hbm>>
      %dma_wait3A_117 = tpu.memref_squeeze %dma_wait3A_116 : memref<1x10240xf32, #tpu.memory_space<hbm>> -> memref<10240xf32, #tpu.memory_space<hbm>>
      %dma_wait3A_118 = arith.constant 0 : i32
      %dma_wait3A_119 = tpu.memref_slice %arg7[%add3A_108, %dma_wait3A_118] : memref<32x10240xf32, #tpu.memory_space<hbm>> -> memref<1x10240xf32, #tpu.memory_space<hbm>>
      %dma_wait3A_120 = tpu.memref_squeeze %dma_wait3A_119 : memref<1x10240xf32, #tpu.memory_space<hbm>> -> memref<10240xf32, #tpu.memory_space<hbm>>
      tpu.wait_dma2 semaphore(%run_scoped3A : memref<!tpu.dma_semaphore, #tpu.memory_space<semaphore_mem>>) src(%arg17 : memref<10240xf32, #tpu.memory_space<vmem>>) dst(%dma_wait3A_120 : memref<10240xf32, #tpu.memory_space<hbm>>)
      tpu.yield
    }) : () -> ()
    return
  }
}

module attributes {stable_mosaic.version = 14 : i64} {
  func.func @_xr_body(%arg0: i32, %arg1: memref<1000x128xf32, #tpu.memory_space<vmem>>, %arg2: memref<128x256xf32, #tpu.memory_space<vmem>>, %arg3: memref<1x256xf32, #tpu.memory_space<vmem>>, %arg4: memref<1000x256xf32, #tpu.memory_space<vmem>>) attributes {dimension_semantics = [#tpu.dimension_semantics<arbitrary>], iteration_bounds = array<i64: 10>, scalar_prefetch = 0 : i64, scratch_operands = 0 : i64, tpu.core_type = #tpu.core_type<tc>, window_params = [{transform_indices = @transform_0, window_bounds = array<i64: 1000, 128>}, {pipeline_mode = #tpu.pipeline_mode<synchronous>, transform_indices = @transform_1, window_bounds = array<i64: 128, 256>}, {pipeline_mode = #tpu.pipeline_mode<synchronous>, transform_indices = @transform_2, window_bounds = array<i64: 1, 256>}, {transform_indices = @transform_3, window_bounds = array<i64: 1000, 256>}]} {
    %get3A = arith.constant 0 : index
    %get3A_0 = arith.constant 0 : index
    %get3A_1 = vector.load %arg1[%get3A, %get3A_0] : memref<1000x128xf32, #tpu.memory_space<vmem>>, vector<1000x128xf32>
    %get3A_2 = arith.constant 0 : index
    %get3A_3 = arith.constant 0 : index
    %get3A_4 = vector.load %arg2[%get3A_2, %get3A_3] : memref<128x256xf32, #tpu.memory_space<vmem>>, vector<128x256xf32>
    %dot_general3A = arith.constant dense<0.000000e+00> : vector<1000x256xf32>
    %dot_general3A_5 = tpu.matmul %get3A_1, %get3A_4, %dot_general3A {dimension_numbers = #tpu.dot_dimension_numbers<[1], [0], [0], [1], [0, 0, 1, 1], [], []>, transpose_lhs_hint = false} : vector<1000x128xf32>, vector<128x256xf32>, vector<1000x256xf32> -> vector<1000x256xf32>
    %get3A_6 = arith.constant 0 : index
    %get3A_7 = arith.constant 0 : index
    %get3A_8 = vector.load %arg3[%get3A_6, %get3A_7] : memref<1x256xf32, #tpu.memory_space<vmem>>, vector<1x256xf32>
    %add3A = vector.broadcast %get3A_8 : vector<1x256xf32> to vector<1000x256xf32>
    %add3A_9 = arith.addf %dot_general3A_5, %add3A : vector<1000x256xf32>
    %swap3A = arith.constant 0 : index
    %swap3A_10 = arith.constant 0 : index
    %swap3A_11 = vector.load %arg4[%swap3A, %swap3A_10] : memref<1000x256xf32, #tpu.memory_space<vmem>>, vector<1000x256xf32>
    tpu.vector_store %arg4[%swap3A, %swap3A_10], %add3A_9 {strides = array<i32>} : memref<1000x256xf32, #tpu.memory_space<vmem>>, vector<1000x256xf32>,
    return
  }
  func.func @transform_0(%arg0: i32) -> (i32, i32) {
    %c0_i32 = arith.constant 0 : i32
    %c0_i32_0 = arith.constant 0 : i32
    return %arg0, %c0_i32 : i32, i32
  }
  func.func @transform_1(%arg0: i32) -> (i32, i32) {
    %c0_i32 = arith.constant 0 : i32
    %c0_i32_0 = arith.constant 0 : i32
    %c0_i32_1 = arith.constant 0 : i32
    return %c0_i32, %c0_i32_0 : i32, i32
  }
  func.func @transform_2(%arg0: i32) -> (i32, i32) {
    %c0_i32 = arith.constant 0 : i32
    %c0_i32_0 = arith.constant 0 : i32
    %c0_i32_1 = arith.constant 0 : i32
    return %c0_i32, %c0_i32_0 : i32, i32
  }
  func.func @transform_3(%arg0: i32) -> (i32, i32) {
    %c0_i32 = arith.constant 0 : i32
    %c0_i32_0 = arith.constant 0 : i32
    return %arg0, %c0_i32 : i32, i32
  }
}

module attributes {stable_mosaic.version = 14 : i64} {
  func.func @_dense1_body(%arg0: i32, %arg1: memref<1000x256xf32, #tpu.memory_space<vmem>>, %arg2: memref<1000x128xf32, #tpu.memory_space<vmem>>, %arg3: memref<1000x128xf32, #tpu.memory_space<vmem>>, %arg4: memref<32x10240xf32, #tpu.memory_space<vmem>>, %arg5: memref<128x256xf32, #tpu.memory_space<vmem>>, %arg6: memref<1000x256xf32, #tpu.memory_space<vmem>>, %arg7: memref<10240x1xf32, #tpu.memory_space<vmem>>) attributes {dimension_semantics = [#tpu.dimension_semantics<arbitrary>], iteration_bounds = array<i64: 10>, scalar_prefetch = 0 : i64, scratch_operands = 1 : i64, tpu.core_type = #tpu.core_type<tc>, window_params = [{transform_indices = @transform_0, window_bounds = array<i64: 1000, 256>}, {transform_indices = @transform_1, window_bounds = array<i64: 1000, 128>}, {transform_indices = @transform_2, window_bounds = array<i64: 1000, 128>}, {pipeline_mode = #tpu.pipeline_mode<synchronous>, transform_indices = @transform_3, window_bounds = array<i64: 32, 10240>}, {pipeline_mode = #tpu.pipeline_mode<synchronous>, transform_indices = @transform_4, window_bounds = array<i64: 128, 256>}, {transform_indices = @transform_5, window_bounds = array<i64: 1000, 256>}]} {
    %eq3A = arith.constant 0 : i32
    %eq3A_0 = arith.cmpi eq, %arg0, %eq3A : i32
    %convert_element_type3A = arith.extui %eq3A_0 : i1 to i32
    %cond3A = arith.constant 0 : i32
    %cond3A_1 = arith.cmpi ne, %convert_element_type3A, %cond3A : i32
    scf.if %cond3A_1 {
      %get3A_30 = arith.constant 0 : index
      %get3A_31 = arith.constant 0 : index
      %get3A_32 = vector.load %arg4[%get3A_30, %get3A_31] : memref<32x10240xf32, #tpu.memory_space<vmem>>, vector<32x10240xf32>
      %broadcast_in_dim3A = arith.constant 1.000000e+00 : f32
      %broadcast_in_dim3A_33 = vector.broadcast %broadcast_in_dim3A : f32 to vector<32x1xf32>
      %dot_general3A_34 = arith.constant dense<0.000000e+00> : vector<10240x1xf32>
      %dot_general3A_35 = tpu.matmul %get3A_32, %broadcast_in_dim3A_33, %dot_general3A_34 {dimension_numbers = #tpu.dot_dimension_numbers<[0], [0], [1], [1], [0, 1, 1, 1], [], []>, transpose_lhs_hint = false} : vector<32x10240xf32>, vector<32x1xf32>, vector<10240x1xf32> -> vector<10240x1xf32>
      %swap3A_36 = arith.constant 0 : index
      %swap3A_37 = arith.constant 0 : index
      %swap3A_38 = vector.load %arg7[%swap3A_36, %swap3A_37] : memref<10240x1xf32, #tpu.memory_space<vmem>>, vector<10240x1xf32>
      tpu.vector_store %arg7[%swap3A_36, %swap3A_37], %dot_general3A_35 {strides = array<i32>} : memref<10240x1xf32, #tpu.memory_space<vmem>>, vector<10240x1xf32>,
    } else {
    }
    %mul3A = arith.constant 1000 : i32
    %mul3A_2 = arith.muli %arg0, %mul3A : i32
    %get3A = arith.index_cast %mul3A_2 : i32 to index
    %get3A_3 = arith.constant 0 : index
    %get3A_4 = vector.load %arg7[%get3A, %get3A_3] : memref<10240x1xf32, #tpu.memory_space<vmem>>, vector<1000x1xf32>
    %max3A = arith.constant 1.000000e+00 : f32
    %max3A_5 = vector.broadcast %max3A : f32 to vector<1000x1xf32>
    %max3A_6 = arith.maximumf %get3A_4, %max3A_5 : vector<1000x1xf32>
    %div3A = arith.constant 1.000000e+00 : f32
    %div3A_7 = vector.broadcast %div3A : f32 to vector<1000x1xf32>
    %div3A_8 = arith.divf %div3A_7, %max3A_6 : vector<1000x1xf32>
    %get3A_9 = arith.constant 0 : index
    %get3A_10 = arith.constant 0 : index
    %get3A_11 = vector.load %arg2[%get3A_9, %get3A_10] : memref<1000x128xf32, #tpu.memory_space<vmem>>, vector<1000x128xf32>
    %get3A_12 = arith.constant 0 : index
    %get3A_13 = arith.constant 0 : index
    %get3A_14 = vector.load %arg3[%get3A_12, %get3A_13] : memref<1000x128xf32, #tpu.memory_space<vmem>>, vector<1000x128xf32>
    %add3A = arith.addf %get3A_11, %get3A_14 : vector<1000x128xf32>
    %mul3A_15 = vector.broadcast %div3A_8 : vector<1000x1xf32> to vector<1000x128xf32>
    %mul3A_16 = arith.mulf %add3A, %mul3A_15 : vector<1000x128xf32>
    %get3A_17 = arith.constant 0 : index
    %get3A_18 = arith.constant 0 : index
    %get3A_19 = vector.load %arg5[%get3A_17, %get3A_18] : memref<128x256xf32, #tpu.memory_space<vmem>>, vector<128x256xf32>
    %dot_general3A = arith.constant dense<0.000000e+00> : vector<1000x256xf32>
    %dot_general3A_20 = tpu.matmul %mul3A_16, %get3A_19, %dot_general3A {dimension_numbers = #tpu.dot_dimension_numbers<[1], [0], [0], [1], [0, 0, 1, 1], [], []>, transpose_lhs_hint = false} : vector<1000x128xf32>, vector<128x256xf32>, vector<1000x256xf32> -> vector<1000x256xf32>
    %get3A_21 = arith.constant 0 : index
    %get3A_22 = arith.constant 0 : index
    %get3A_23 = vector.load %arg1[%get3A_21, %get3A_22] : memref<1000x256xf32, #tpu.memory_space<vmem>>, vector<1000x256xf32>
    %add3A_24 = arith.addf %dot_general3A_20, %get3A_23 : vector<1000x256xf32>
    %max3A_25 = arith.constant 0.000000e+00 : f32
    %max3A_26 = vector.broadcast %max3A_25 : f32 to vector<1000x256xf32>
    %max3A_27 = arith.maximumf %add3A_24, %max3A_26 : vector<1000x256xf32>
    %swap3A = arith.constant 0 : index
    %swap3A_28 = arith.constant 0 : index
    %swap3A_29 = vector.load %arg6[%swap3A, %swap3A_28] : memref<1000x256xf32, #tpu.memory_space<vmem>>, vector<1000x256xf32>
    tpu.vector_store %arg6[%swap3A, %swap3A_28], %max3A_27 {strides = array<i32>} : memref<1000x256xf32, #tpu.memory_space<vmem>>, vector<1000x256xf32>,
    return
  }
  func.func @transform_0(%arg0: i32) -> (i32, i32) {
    %c0_i32 = arith.constant 0 : i32
    %c0_i32_0 = arith.constant 0 : i32
    return %arg0, %c0_i32 : i32, i32
  }
  func.func @transform_1(%arg0: i32) -> (i32, i32) {
    %c0_i32 = arith.constant 0 : i32
    %c0_i32_0 = arith.constant 0 : i32
    return %arg0, %c0_i32 : i32, i32
  }
  func.func @transform_2(%arg0: i32) -> (i32, i32) {
    %c0_i32 = arith.constant 0 : i32
    %c0_i32_0 = arith.constant 0 : i32
    return %arg0, %c0_i32 : i32, i32
  }
  func.func @transform_3(%arg0: i32) -> (i32, i32) {
    %c0_i32 = arith.constant 0 : i32
    %c0_i32_0 = arith.constant 0 : i32
    %c0_i32_1 = arith.constant 0 : i32
    return %c0_i32, %c0_i32_0 : i32, i32
  }
  func.func @transform_4(%arg0: i32) -> (i32, i32) {
    %c0_i32 = arith.constant 0 : i32
    %c0_i32_0 = arith.constant 0 : i32
    %c0_i32_1 = arith.constant 0 : i32
    return %c0_i32, %c0_i32_0 : i32, i32
  }
  func.func @transform_5(%arg0: i32) -> (i32, i32) {
    %c0_i32 = arith.constant 0 : i32
    %c0_i32_0 = arith.constant 0 : i32
    return %arg0, %c0_i32 : i32, i32
  }
}

module attributes {stable_mosaic.version = 14 : i64} {
  func.func @_poolh1_body(%arg0: i32, %arg1: memref<1000x256xf32, #tpu.memory_space<vmem>>, %arg2: memref<1x1x1000xi32, #tpu.memory_space<vmem>>, %arg3: memref<64x256xf32, #tpu.memory_space<vmem>>, %arg4: memref<64x256xf32, #tpu.memory_space<vmem>>) attributes {dimension_semantics = [#tpu.dimension_semantics<arbitrary>], iteration_bounds = array<i64: 10>, scalar_prefetch = 0 : i64, scratch_operands = 1 : i64, tpu.core_type = #tpu.core_type<tc>, window_params = [{transform_indices = @transform_0, window_bounds = array<i64: 1000, 256>}, {transform_indices = @transform_1, window_bounds = array<i64: 1, 1, 1000>}, {pipeline_mode = #tpu.pipeline_mode<synchronous>, transform_indices = @transform_2, window_bounds = array<i64: 64, 256>}]} {
    %eq3A = arith.constant 0 : i32
    %eq3A_0 = arith.cmpi eq, %arg0, %eq3A : i32
    %convert_element_type3A = arith.extui %eq3A_0 : i1 to i32
    %cond3A = arith.constant 0 : i32
    %cond3A_1 = arith.cmpi ne, %convert_element_type3A, %cond3A : i32
    scf.if %cond3A_1 {
      %broadcast_in_dim3A = arith.constant 0.000000e+00 : f32
      %broadcast_in_dim3A_24 = vector.broadcast %broadcast_in_dim3A : f32 to vector<64x256xf32>
      %swap3A_25 = arith.constant 0 : index
      %swap3A_26 = arith.constant 0 : index
      %swap3A_27 = vector.load %arg4[%swap3A_25, %swap3A_26] : memref<64x256xf32, #tpu.memory_space<vmem>>, vector<64x256xf32>
      tpu.vector_store %arg4[%swap3A_25, %swap3A_26], %broadcast_in_dim3A_24 {strides = array<i32>} : memref<64x256xf32, #tpu.memory_space<vmem>>, vector<64x256xf32>,
    } else {
    }
    %get3A = arith.constant 0 : index
    %get3A_2 = arith.constant 0 : index
    %get3A_3 = arith.constant 0 : index
    %get3A_4 = vector.load %arg2[%get3A, %get3A_2, %get3A_3] : memref<1x1x1000xi32, #tpu.memory_space<vmem>>, vector<1x1x1000xi32>
    %get3A_5 = vector.shape_cast %get3A_4 : vector<1x1x1000xi32> to vector<1x1000xi32>
    %iota3A = tpu.iota {dimensions = array<i32: 0>} : vector<64x1000xi32>
    %eq3A_6 = vector.broadcast %get3A_5 : vector<1x1000xi32> to vector<64x1000xi32>
    %eq3A_7 = arith.cmpi eq, %iota3A, %eq3A_6 : vector<64x1000xi32>
    %convert_element_type3A_8 = arith.extui %eq3A_7 : vector<64x1000xi1> to vector<64x1000xi32>
    %convert_element_type3A_9 = arith.sitofp %convert_element_type3A_8 : vector<64x1000xi32> to vector<64x1000xf32>
    %get3A_10 = arith.constant 0 : index
    %get3A_11 = arith.constant 0 : index
    %get3A_12 = vector.load %arg4[%get3A_10, %get3A_11] : memref<64x256xf32, #tpu.memory_space<vmem>>, vector<64x256xf32>
    %get3A_13 = arith.constant 0 : index
    %get3A_14 = arith.constant 0 : index
    %get3A_15 = vector.load %arg1[%get3A_13, %get3A_14] : memref<1000x256xf32, #tpu.memory_space<vmem>>, vector<1000x256xf32>
    %dot_general3A = arith.constant dense<0.000000e+00> : vector<64x256xf32>
    %dot_general3A_16 = tpu.matmul %convert_element_type3A_9, %get3A_15, %dot_general3A {dimension_numbers = #tpu.dot_dimension_numbers<[1], [0], [0], [1], [0, 0, 1, 1], [], []>, transpose_lhs_hint = false} : vector<64x1000xf32>, vector<1000x256xf32>, vector<64x256xf32> -> vector<64x256xf32>
    %add3A = arith.addf %get3A_12, %dot_general3A_16 : vector<64x256xf32>
    %swap3A = arith.constant 0 : index
    %swap3A_17 = arith.constant 0 : index
    %swap3A_18 = vector.load %arg4[%swap3A, %swap3A_17] : memref<64x256xf32, #tpu.memory_space<vmem>>, vector<64x256xf32>
    tpu.vector_store %arg4[%swap3A, %swap3A_17], %add3A {strides = array<i32>} : memref<64x256xf32, #tpu.memory_space<vmem>>, vector<64x256xf32>,
    %eq3A_19 = arith.constant 9 : i32
    %eq3A_20 = arith.cmpi eq, %arg0, %eq3A_19 : i32
    %convert_element_type3A_21 = arith.extui %eq3A_20 : i1 to i32
    %cond3A_22 = arith.constant 0 : i32
    %cond3A_23 = arith.cmpi ne, %convert_element_type3A_21, %cond3A_22 : i32
    scf.if %cond3A_23 {
      %get3A_24 = arith.constant 0 : index
      %get3A_25 = arith.constant 0 : index
      %get3A_26 = vector.load %arg4[%get3A_24, %get3A_25] : memref<64x256xf32, #tpu.memory_space<vmem>>, vector<64x256xf32>
      %swap3A_27 = arith.constant 0 : index
      %swap3A_28 = arith.constant 0 : index
      %swap3A_29 = vector.load %arg3[%swap3A_27, %swap3A_28] : memref<64x256xf32, #tpu.memory_space<vmem>>, vector<64x256xf32>
      tpu.vector_store %arg3[%swap3A_27, %swap3A_28], %get3A_26 {strides = array<i32>} : memref<64x256xf32, #tpu.memory_space<vmem>>, vector<64x256xf32>,
    } else {
    }
    return
  }
  func.func @transform_0(%arg0: i32) -> (i32, i32) {
    %c0_i32 = arith.constant 0 : i32
    %c0_i32_0 = arith.constant 0 : i32
    return %arg0, %c0_i32 : i32, i32
  }
  func.func @transform_1(%arg0: i32) -> (i32, i32, i32) {
    %c0_i32 = arith.constant 0 : i32
    %c0_i32_0 = arith.constant 0 : i32
    %c0_i32_1 = arith.constant 0 : i32
    return %arg0, %c0_i32, %c0_i32_0 : i32, i32, i32
  }
  func.func @transform_2(%arg0: i32) -> (i32, i32) {
    %c0_i32 = arith.constant 0 : i32
    %c0_i32_0 = arith.constant 0 : i32
    %c0_i32_1 = arith.constant 0 : i32
    return %c0_i32, %c0_i32_0 : i32, i32
  }
}

module attributes {stable_mosaic.version = 14 : i64} {
  func.func @_dense2_body(%arg0: i32, %arg1: memref<1000x128xf32, #tpu.memory_space<vmem>>, %arg2: memref<1000x128xf32, #tpu.memory_space<vmem>>, %arg3: memref<1x1x1000xi32, #tpu.memory_space<vmem>>, %arg4: memref<32x10240xf32, #tpu.memory_space<vmem>>, %arg5: memref<64x256xf32, #tpu.memory_space<vmem>>, %arg6: memref<256x256xf32, #tpu.memory_space<vmem>>, %arg7: memref<1x256xf32, #tpu.memory_space<vmem>>, %arg8: memref<256x256xf32, #tpu.memory_space<vmem>>, %arg9: memref<64x256xf32, #tpu.memory_space<vmem>>, %arg10: memref<64x256xf32, #tpu.memory_space<vmem>>, %arg11: memref<64x1xf32, #tpu.memory_space<vmem>>, %arg12: memref<10240x1xf32, #tpu.memory_space<vmem>>) attributes {dimension_semantics = [#tpu.dimension_semantics<arbitrary>], iteration_bounds = array<i64: 10>, scalar_prefetch = 0 : i64, scratch_operands = 3 : i64, tpu.core_type = #tpu.core_type<tc>, window_params = [{transform_indices = @transform_0, window_bounds = array<i64: 1000, 128>}, {transform_indices = @transform_1, window_bounds = array<i64: 1000, 128>}, {transform_indices = @transform_2, window_bounds = array<i64: 1, 1, 1000>}, {pipeline_mode = #tpu.pipeline_mode<synchronous>, transform_indices = @transform_3, window_bounds = array<i64: 32, 10240>}, {pipeline_mode = #tpu.pipeline_mode<synchronous>, transform_indices = @transform_4, window_bounds = array<i64: 64, 256>}, {pipeline_mode = #tpu.pipeline_mode<synchronous>, transform_indices = @transform_5, window_bounds = array<i64: 256, 256>}, {pipeline_mode = #tpu.pipeline_mode<synchronous>, transform_indices = @transform_6, window_bounds = array<i64: 1, 256>}, {pipeline_mode = #tpu.pipeline_mode<synchronous>, transform_indices = @transform_7, window_bounds = array<i64: 256, 256>}, {pipeline_mode = #tpu.pipeline_mode<synchronous>, transform_indices = @transform_8, window_bounds = array<i64: 64, 256>}]} {
    %eq3A = arith.constant 0 : i32
    %eq3A_0 = arith.cmpi eq, %arg0, %eq3A : i32
    %convert_element_type3A = arith.extui %eq3A_0 : i1 to i32
    %cond3A = arith.constant 0 : i32
    %cond3A_1 = arith.cmpi ne, %convert_element_type3A, %cond3A : i32
    scf.if %cond3A_1 {
      %broadcast_in_dim3A_45 = arith.constant 0.000000e+00 : f32
      %broadcast_in_dim3A_46 = vector.broadcast %broadcast_in_dim3A_45 : f32 to vector<64x256xf32>
      %swap3A_47 = arith.constant 0 : index
      %swap3A_48 = arith.constant 0 : index
      %swap3A_49 = vector.load %arg10[%swap3A_47, %swap3A_48] : memref<64x256xf32, #tpu.memory_space<vmem>>, vector<64x256xf32>
      tpu.vector_store %arg10[%swap3A_47, %swap3A_48], %broadcast_in_dim3A_46 {strides = array<i32>} : memref<64x256xf32, #tpu.memory_space<vmem>>, vector<64x256xf32>,
      %broadcast_in_dim3A_50 = arith.constant 0.000000e+00 : f32
      %broadcast_in_dim3A_51 = vector.broadcast %broadcast_in_dim3A_50 : f32 to vector<64x1xf32>
      %swap3A_52 = arith.constant 0 : index
      %swap3A_53 = arith.constant 0 : index
      %swap3A_54 = vector.load %arg11[%swap3A_52, %swap3A_53] : memref<64x1xf32, #tpu.memory_space<vmem>>, vector<64x1xf32>
      tpu.vector_store %arg11[%swap3A_52, %swap3A_53], %broadcast_in_dim3A_51 {strides = array<i32>} : memref<64x1xf32, #tpu.memory_space<vmem>>, vector<64x1xf32>,
      %get3A_55 = arith.constant 0 : index
      %get3A_56 = arith.constant 0 : index
      %get3A_57 = vector.load %arg4[%get3A_55, %get3A_56] : memref<32x10240xf32, #tpu.memory_space<vmem>>, vector<32x10240xf32>
      %broadcast_in_dim3A_58 = arith.constant 1.000000e+00 : f32
      %broadcast_in_dim3A_59 = vector.broadcast %broadcast_in_dim3A_58 : f32 to vector<32x1xf32>
      %dot_general3A_60 = arith.constant dense<0.000000e+00> : vector<10240x1xf32>
      %dot_general3A_61 = tpu.matmul %get3A_57, %broadcast_in_dim3A_59, %dot_general3A_60 {dimension_numbers = #tpu.dot_dimension_numbers<[0], [0], [1], [1], [0, 1, 1, 1], [], []>, transpose_lhs_hint = false} : vector<32x10240xf32>, vector<32x1xf32>, vector<10240x1xf32> -> vector<10240x1xf32>
      %swap3A_62 = arith.constant 0 : index
      %swap3A_63 = arith.constant 0 : index
      %swap3A_64 = vector.load %arg12[%swap3A_62, %swap3A_63] : memref<10240x1xf32, #tpu.memory_space<vmem>>, vector<10240x1xf32>
      tpu.vector_store %arg12[%swap3A_62, %swap3A_63], %dot_general3A_61 {strides = array<i32>} : memref<10240x1xf32, #tpu.memory_space<vmem>>, vector<10240x1xf32>,
    } else {
    }
    %get3A = arith.constant 0 : index
    %get3A_2 = arith.constant 0 : index
    %get3A_3 = arith.constant 0 : index
    %get3A_4 = vector.load %arg3[%get3A, %get3A_2, %get3A_3] : memref<1x1x1000xi32, #tpu.memory_space<vmem>>, vector<1x1x1000xi32>
    %get3A_5 = vector.shape_cast %get3A_4 : vector<1x1x1000xi32> to vector<1x1000xi32>
    %iota3A = tpu.iota {dimensions = array<i32: 0>} : vector<64x1000xi32>
    %eq3A_6 = vector.broadcast %get3A_5 : vector<1x1000xi32> to vector<64x1000xi32>
    %eq3A_7 = arith.cmpi eq, %iota3A, %eq3A_6 : vector<64x1000xi32>
    %convert_element_type3A_8 = arith.extui %eq3A_7 : vector<64x1000xi1> to vector<64x1000xi32>
    %convert_element_type3A_9 = arith.sitofp %convert_element_type3A_8 : vector<64x1000xi32> to vector<64x1000xf32>
    %mul3A = arith.constant 1000 : i32
    %mul3A_10 = arith.muli %arg0, %mul3A : i32
    %get3A_11 = arith.index_cast %mul3A_10 : i32 to index
    %get3A_12 = arith.constant 0 : index
    %get3A_13 = vector.load %arg12[%get3A_11, %get3A_12] : memref<10240x1xf32, #tpu.memory_space<vmem>>, vector<1000x1xf32>
    %max3A = arith.constant 1.000000e+00 : f32
    %max3A_14 = vector.broadcast %max3A : f32 to vector<1000x1xf32>
    %max3A_15 = arith.maximumf %get3A_13, %max3A_14 : vector<1000x1xf32>
    %div3A = arith.constant 1.000000e+00 : f32
    %div3A_16 = vector.broadcast %div3A : f32 to vector<1000x1xf32>
    %div3A_17 = arith.divf %div3A_16, %max3A_15 : vector<1000x1xf32>
    %get3A_18 = arith.constant 0 : index
    %get3A_19 = arith.constant 0 : index
    %get3A_20 = vector.load %arg1[%get3A_18, %get3A_19] : memref<1000x128xf32, #tpu.memory_space<vmem>>, vector<1000x128xf32>
    %get3A_21 = arith.constant 0 : index
    %get3A_22 = arith.constant 0 : index
    %get3A_23 = vector.load %arg2[%get3A_21, %get3A_22] : memref<1000x128xf32, #tpu.memory_space<vmem>>, vector<1000x128xf32>
    %concatenate3A = tpu.concatenate %get3A_20, %get3A_23 in 1 : vector<1000x128xf32>, vector<1000x128xf32> -> vector<1000x256xf32>
    %mul3A_24 = vector.broadcast %div3A_17 : vector<1000x1xf32> to vector<1000x256xf32>
    %mul3A_25 = arith.mulf %concatenate3A, %mul3A_24 : vector<1000x256xf32>
    %get3A_26 = arith.constant 0 : index
    %get3A_27 = arith.constant 0 : index
    %get3A_28 = vector.load %arg10[%get3A_26, %get3A_27] : memref<64x256xf32, #tpu.memory_space<vmem>>, vector<64x256xf32>
    %dot_general3A = arith.constant dense<0.000000e+00> : vector<64x256xf32>
    %dot_general3A_29 = tpu.matmul %convert_element_type3A_9, %mul3A_25, %dot_general3A {dimension_numbers = #tpu.dot_dimension_numbers<[1], [0], [0], [1], [0, 0, 1, 1], [], []>, transpose_lhs_hint = false} : vector<64x1000xf32>, vector<1000x256xf32>, vector<64x256xf32> -> vector<64x256xf32>
    %add3A = arith.addf %get3A_28, %dot_general3A_29 : vector<64x256xf32>
    %swap3A = arith.constant 0 : index
    %swap3A_30 = arith.constant 0 : index
    %swap3A_31 = vector.load %arg10[%swap3A, %swap3A_30] : memref<64x256xf32, #tpu.memory_space<vmem>>, vector<64x256xf32>
    tpu.vector_store %arg10[%swap3A, %swap3A_30], %add3A {strides = array<i32>} : memref<64x256xf32, #tpu.memory_space<vmem>>, vector<64x256xf32>,
    %get3A_32 = arith.constant 0 : index
    %get3A_33 = arith.constant 0 : index
    %get3A_34 = vector.load %arg11[%get3A_32, %get3A_33] : memref<64x1xf32, #tpu.memory_space<vmem>>, vector<64x1xf32>
    %reduce_sum3A = arith.constant dense<0.000000e+00> : vector<64xf32>
    %reduce_sum3A_35 = vector.multi_reduction <add>, %convert_element_type3A_9, %reduce_sum3A [1] : vector<64x1000xf32> to vector<64xf32>
    %broadcast_in_dim3A = vector.shape_cast %reduce_sum3A_35 : vector<64xf32> to vector<64x1xf32>
    %add3A_36 = arith.addf %get3A_34, %broadcast_in_dim3A : vector<64x1xf32>
    %swap3A_37 = arith.constant 0 : index
    %swap3A_38 = arith.constant 0 : index
    %swap3A_39 = vector.load %arg11[%swap3A_37, %swap3A_38] : memref<64x1xf32, #tpu.memory_space<vmem>>, vector<64x1xf32>
    tpu.vector_store %arg11[%swap3A_37, %swap3A_38], %add3A_36 {strides = array<i32>} : memref<64x1xf32, #tpu.memory_space<vmem>>, vector<64x1xf32>,
    %eq3A_40 = arith.constant 9 : i32
    %eq3A_41 = arith.cmpi eq, %arg0, %eq3A_40 : i32
    %convert_element_type3A_42 = arith.extui %eq3A_41 : i1 to i32
    %cond3A_43 = arith.constant 0 : i32
    %cond3A_44 = arith.cmpi ne, %convert_element_type3A_42, %cond3A_43 : i32
    scf.if %cond3A_44 {
      %get3A_45 = arith.constant 0 : index
      %get3A_46 = arith.constant 0 : index
      %get3A_47 = vector.load %arg10[%get3A_45, %get3A_46] : memref<64x256xf32, #tpu.memory_space<vmem>>, vector<64x256xf32>
      %get3A_48 = arith.constant 0 : index
      %get3A_49 = arith.constant 0 : index
      %get3A_50 = vector.load %arg6[%get3A_48, %get3A_49] : memref<256x256xf32, #tpu.memory_space<vmem>>, vector<256x256xf32>
      %dot_general3A_51 = arith.constant dense<0.000000e+00> : vector<64x256xf32>
      %dot_general3A_52 = tpu.matmul %get3A_47, %get3A_50, %dot_general3A_51 {dimension_numbers = #tpu.dot_dimension_numbers<[1], [0], [0], [1], [0, 0, 1, 1], [], []>, transpose_lhs_hint = false} : vector<64x256xf32>, vector<256x256xf32>, vector<64x256xf32> -> vector<64x256xf32>
      %get3A_53 = arith.constant 0 : index
      %get3A_54 = arith.constant 0 : index
      %get3A_55 = vector.load %arg5[%get3A_53, %get3A_54] : memref<64x256xf32, #tpu.memory_space<vmem>>, vector<64x256xf32>
      %get3A_56 = arith.constant 0 : index
      %get3A_57 = arith.constant 0 : index
      %get3A_58 = vector.load %arg8[%get3A_56, %get3A_57] : memref<256x256xf32, #tpu.memory_space<vmem>>, vector<256x256xf32>
      %dot_general3A_59 = arith.constant dense<0.000000e+00> : vector<64x256xf32>
      %dot_general3A_60 = tpu.matmul %get3A_55, %get3A_58, %dot_general3A_59 {dimension_numbers = #tpu.dot_dimension_numbers<[1], [0], [0], [1], [0, 0, 1, 1], [], []>, transpose_lhs_hint = false} : vector<64x256xf32>, vector<256x256xf32>, vector<64x256xf32> -> vector<64x256xf32>
      %add3A_61 = arith.addf %dot_general3A_52, %dot_general3A_60 : vector<64x256xf32>
      %get3A_62 = arith.constant 0 : index
      %get3A_63 = arith.constant 0 : index
      %get3A_64 = vector.load %arg11[%get3A_62, %get3A_63] : memref<64x1xf32, #tpu.memory_space<vmem>>, vector<64x1xf32>
      %get3A_65 = arith.constant 0 : index
      %get3A_66 = arith.constant 0 : index
      %get3A_67 = vector.load %arg7[%get3A_65, %get3A_66] : memref<1x256xf32, #tpu.memory_space<vmem>>, vector<1x256xf32>
      %mul3A_68 = vector.broadcast %get3A_64 : vector<64x1xf32> to vector<64x256xf32>
      %mul3A_69 = vector.broadcast %get3A_67 : vector<1x256xf32> to vector<64x256xf32>
      %mul3A_70 = arith.mulf %mul3A_68, %mul3A_69 : vector<64x256xf32>
      %add3A_71 = arith.addf %add3A_61, %mul3A_70 : vector<64x256xf32>
      %swap3A_72 = arith.constant 0 : index
      %swap3A_73 = arith.constant 0 : index
      %swap3A_74 = vector.load %arg9[%swap3A_72, %swap3A_73] : memref<64x256xf32, #tpu.memory_space<vmem>>, vector<64x256xf32>
      tpu.vector_store %arg9[%swap3A_72, %swap3A_73], %add3A_71 {strides = array<i32>} : memref<64x256xf32, #tpu.memory_space<vmem>>, vector<64x256xf32>,
    } else {
    }
    return
  }
  func.func @transform_0(%arg0: i32) -> (i32, i32) {
    %c0_i32 = arith.constant 0 : i32
    %c0_i32_0 = arith.constant 0 : i32
    return %arg0, %c0_i32 : i32, i32
  }
  func.func @transform_1(%arg0: i32) -> (i32, i32) {
    %c0_i32 = arith.constant 0 : i32
    %c0_i32_0 = arith.constant 0 : i32
    return %arg0, %c0_i32 : i32, i32
  }
  func.func @transform_2(%arg0: i32) -> (i32, i32, i32) {
    %c0_i32 = arith.constant 0 : i32
    %c0_i32_0 = arith.constant 0 : i32
    %c0_i32_1 = arith.constant 0 : i32
    return %arg0, %c0_i32, %c0_i32_0 : i32, i32, i32
  }
  func.func @transform_3(%arg0: i32) -> (i32, i32) {
    %c0_i32 = arith.constant 0 : i32
    %c0_i32_0 = arith.constant 0 : i32
    %c0_i32_1 = arith.constant 0 : i32
    return %c0_i32, %c0_i32_0 : i32, i32
  }
  func.func @transform_4(%arg0: i32) -> (i32, i32) {
    %c0_i32 = arith.constant 0 : i32
    %c0_i32_0 = arith.constant 0 : i32
    %c0_i32_1 = arith.constant 0 : i32
    return %c0_i32, %c0_i32_0 : i32, i32
  }
  func.func @transform_5(%arg0: i32) -> (i32, i32) {
    %c0_i32 = arith.constant 0 : i32
    %c0_i32_0 = arith.constant 0 : i32
    %c0_i32_1 = arith.constant 0 : i32
    return %c0_i32, %c0_i32_0 : i32, i32
  }
  func.func @transform_6(%arg0: i32) -> (i32, i32) {
    %c0_i32 = arith.constant 0 : i32
    %c0_i32_0 = arith.constant 0 : i32
    %c0_i32_1 = arith.constant 0 : i32
    return %c0_i32, %c0_i32_0 : i32, i32
  }
  func.func @transform_7(%arg0: i32) -> (i32, i32) {
    %c0_i32 = arith.constant 0 : i32
    %c0_i32_0 = arith.constant 0 : i32
    %c0_i32_1 = arith.constant 0 : i32
    return %c0_i32, %c0_i32_0 : i32, i32
  }
  func.func @transform_8(%arg0: i32) -> (i32, i32) {
    %c0_i32 = arith.constant 0 : i32
    %c0_i32_0 = arith.constant 0 : i32
    %c0_i32_1 = arith.constant 0 : i32
    return %c0_i32, %c0_i32_0 : i32, i32
  }
}

</mosaic_0001>

<sc_bundles>
// kernel: kernel.11.cloned.1.call-start
scs
__scs_entry_jumppad:
0x0: {  	(pc) =	sbr.rel $0x88, $3  }
0x1: {  	(tag) =	ssettag $0x0;
	lr =	simm.s32 $0x1  }
0x2: {  	[smem:$0x3F98] =	sst lr;
	_ =	strace $0xD0000000  }
0x3: {  	_ = 	snop  }
0x4: {  	_ = 	snop  }
0x5: {  	_ = 	snop  }
0x6: {  	_ = 	snop  }
0x7: {  	_ = 	snop  }
__scs_overlays_trampoline_lowered:
0x8: {  	[smem:$0x3FA7] =	sst s0  }
0x9: {  	[smem:$0x3FA8] =	sst s1  }
0xa: {  	[smem:$0x3FA9] =	sst s2  }
0xb: {  	[smem:$0x3FAA] =	sst s3  }
0xc: {  	[smem:$0x3FAB] =	sst s4  }
0xd: {  	[smem:$0x3FAC] =	sst s5  }
0xe: {  	[smem:$0x3FAD] =	sst s6  }
0xf: {  	[smem:$0x3FAE] =	sst s7  }
0x10: {  	[smem:$0x3FAF] =	sst s8  }
0x11: {  	[smem:$0x3FB0] =	sst s9;
	s0 =	simm.s32 @!p0 $0x0  }
0x12: {  	s1 =	sld [smem:$0x3F96];
	s0 =	simm.s32 @p0 $0x1  }
0x13: {  	[smem:$0x3FB1] =	sst s0;
	s0 =	simm.s32 @!p1 $0x0  }
0x14: {  	s2 =	sld [smem:$0x3F95];
	s0 =	simm.s32 @p1 $0x1  }
0x15: {  	[smem:$0x3FB2] =	sst s0;
	s0 =	simm.s32 @!p2 $0x0  }
0x16: {  	s3 =	sld [smem:$0x3FDB];
	s0 =	simm.s32 @p2 $0x1  }
0x17: {  	s4 =	simm.s32 $0x1BF5;
	[smem:$0x3FB4] =	sst s0  }
0x18: {  	s0 =	sld [smem:$0x3F97];
	_ =	swait.ge [sflag:s4], $0x0  }
0x19: {  	s7 =	sld [smem:$0x3F98]  }
0x1a: {  	s8 =	sadd.s32 $0xFFFFE003, lr  }
0x1b: {  	s9 =	sadd.s32 $0xFFFFFEF7, lr;
	s5 =	simm.s32 $0xFFFFFFFF;
	p2 =	slt.u32 s8, $0xFFFFF086  }
0x1c: {  	p1 =	slt.u32 s9, $0xF7A;
	s5 =	simm.s32 @!p2 $0x0  }
0x1d: {  	s5 =	simm.s32 @p1 $0x1;
	p0 =	seq.s32 s7, s2  }
0x1e: {  	s7 =	smul.u32 @!p0 $0xF7A, s2;
	p2 =	seq.s32 @!p0 s5, $0x0  }
0x1f: {  	s9 =	smul.u32 $0xF7A, s1;
	s8 =	simm.s32 @!p0 $0x1BF5;
	p2 =	por !p2, p0  }
0x20: {  	[sflag:s8] =	ssyncset.s32 @!p0 $0xFFFFF086;
	s6 =	sadd.s32 @!p0 s3, s7;
	s7 =	simm.s32 @!p0 $0x108  }
0x21: {  	s3 =	sadd.s32 s3, s9;
	s6 =	sadd.s32 @!p0 $0x88, s6;
	s7 =	simm.s32 @p2 $0x1082  }
0x22: {  	[simem:s7], [sflag:s8] =	dma.local @!p0 [hbm:s6], $0xF7A  }
0x23: {  	s9 =	sor.u32 $0xD0000000, s2;
	s6 =	simm.s32 $0x108;
	_ =	swait.ge @!p0 [sflag:s8], $0x0  }
0x24: {  	s3 =	sadd.s32 $0x88, s3;
	s6 =	simm.s32 @!p1 $0x1082;
	[sflag:s4] =	ssyncset.s32 $0xFFFFF086  }
0x25: {  	[simem:s6], [sflag:s4] =	dma.local [hbm:s3], $0xF7A  }
0x26: {  	[smem:$0x3F98] =	sst s1;
	(tag) =	ssettag s2;
	_ =	strace s9  }
0x27: {  	s1 =	sld [smem:$0x3FA8]  }
0x28: {  	s2 =	sld [smem:$0x3FA9]  }
0x29: {  	s4 =	sld [smem:$0x3FAB]  }
0x2a: {  	p0 =	seq.s32 s5, $0x0;
	s5 =	sld [smem:$0x3FAC]  }
0x2b: {  	s6 =	sld [smem:$0x3FAD]  }
0x2c: {  	s7 =	sld [smem:$0x3FAE]  }
0x2d: {  	s3 =	simm.s32 $0x108;
	s8 =	sld [smem:$0x3FAF]  }
0x2e: {  	s3 =	simm.s32 @!p0 $0x1082;
	s9 =	sld [smem:$0x3FB0]  }
0x2f: {  	lr =	sadd.s32 s0, s3;
	s0 =	sld [smem:$0x3FA7]  }
0x30: {  	s3 =	sld [smem:$0x3FAA]  }
0x31: {  	[smem:$0x3FB3] =	sst s10  }
0x32: {  	s10 =	sld [smem:$0x3FB1];
	_ =	sdelay $0x3  }
0x33: {  	p0 =	seq.s32 s10, $0x1;
	s10 =	sld [smem:$0x3FB3];
	_ =	sdelay $0x3  }
0x34: {  	[smem:$0x3FB3] =	sst s10  }
0x35: {  	s10 =	sld [smem:$0x3FB2];
	_ =	sdelay $0x3  }
0x36: {  	p1 =	seq.s32 s10, $0x1;
	s10 =	sld [smem:$0x3FB3];
	_ =	sdelay $0x3  }
0x37: {  	[smem:$0x3FB3] =	sst s10  }
0x38: {  	s10 =	sld [smem:$0x3FB4]  }
0x39: {  	_ = 	snop;
	(pc) =	sbr.ind lr, $3  }
0x3a: {  	_ = 	snop  }
0x3b: {  	_ = 	snop  }
0x3c: {  	p2 =	seq.s32 s10, $0x1;
	s10 =	sld [smem:$0x3FB3]  }
0x3d: {  	_ =	shalt  }
0x3e: {  	_ =	shalt  }
0x3f: {  	_ =	shalt  }
0x40: {  	_ =	shalt  }
0x41: {  	_ =	shalt  }
0x42: {  	_ =	shalt  }
0x43: {  	_ =	shalt  }
0x44: {  	_ =	shalt  }
0x45: {  	_ =	shalt  }
0x46: {  	_ =	shalt  }
0x47: {  	_ =	shalt  }
0x48: {  	_ =	shalt  }
0x49: {  	_ =	shalt  }
0x4a: {  	_ =	shalt  }
0x4b: {  	_ =	shalt  }
0x4c: {  	_ =	shalt  }
0x4d: {  	_ =	shalt  }
0x4e: {  	_ =	shalt  }
0x4f: {  	_ =	shalt  }
0x50: {  	_ =	shalt  }
0x51: {  	_ =	shalt  }
0x52: {  	_ =	shalt  }
0x53: {  	_ =	shalt  }
0x54: {  	_ =	shalt  }
0x55: {  	_ =	shalt  }
0x56: {  	_ =	shalt  }
0x57: {  	_ =	shalt  }
0x58: {  	_ =	shalt  }
0x59: {  	_ =	shalt  }
0x5a: {  	_ =	shalt  }
0x5b: {  	_ =	shalt  }
0x5c: {  	_ =	shalt  }
0x5d: {  	_ =	shalt  }
0x5e: {  	_ =	shalt  }
0x5f: {  	_ =	shalt  }
0x60: {  	_ =	shalt  }
0x61: {  	_ =	shalt  }
0x62: {  	_ =	shalt  }
0x63: {  	_ =	shalt  }
0x64: {  	_ =	shalt  }
0x65: {  	_ =	shalt  }
0x66: {  	_ =	shalt  }
0x67: {  	_ =	shalt  }
0x68: {  	_ =	shalt  }
0x69: {  	_ =	shalt  }
0x6a: {  	_ =	shalt  }
0x6b: {  	_ =	shalt  }
0x6c: {  	_ =	shalt  }
0x6d: {  	_ =	shalt  }
0x6e: {  	_ =	shalt  }
0x6f: {  	_ =	shalt  }
0x70: {  	_ =	shalt  }
0x71: {  	_ =	shalt  }
0x72: {  	_ =	shalt  }
0x73: {  	_ =	shalt  }
0x74: {  	_ =	shalt  }
0x75: {  	_ =	shalt  }
0x76: {  	_ =	shalt  }
0x77: {  	_ =	shalt  }
0x78: {  	_ =	shalt  }
0x79: {  	_ =	shalt  }
0x7a: {  	_ =	shalt  }
0x7b: {  	_ =	shalt  }
0x7c: {  	_ =	shalt  }
0x7d: {  	_ =	shalt  }
0x7e: {  	_ =	shalt  }
0x7f: {  	_ =	shalt  }
0x80: {  	_ =	shalt  }
0x81: {  	_ =	shalt  }
0x82: {  	_ =	shalt  }
0x83: {  	_ =	shalt  }
0x84: {  	_ =	shalt  }
0x85: {  	_ =	shalt  }
0x86: {  	_ =	shalt  }
0x87: {  	_ =	shalt  }
.Lfunc_end0:
.L_simem_size_0:
called_computation.1_lowered:
.L_overlay_start_0:
0x88: {  	s2 =	sld [smem:$0x3FD9]  }
0x89: {  	s3 =	sld [smem:$0x3FFE];
	_ =	sdelay $0x1  }
0x8a: {  	s1 =	srdreg.scid  }
0x8b: {  	s0 =	sand.u32 $0x1, s1  }
0x8c: {  	s16 =	sshll.u32 s0, $0xA;
	s2 =	sadd.s32 s3, s2  }
0x8d: {  	s2 =	sadd.s32 s2, s16  }
0x8e: {  	[smem:$0x3FBF] =	sst s2  }
0x8f: {  	_ = 	snop  }
0x90: {  	(tm) =	ssettm $0x1  }
0x91: {  	s17 =	sld [smem:$0x3FFB];
	_ =	sdelay $0x3  }
0x92: {  	_ =	strace s17  }
0x93: {  	s2 =	sld [smem:$0x3FFC];
	_ =	sdelay $0x3  }
0x94: {  	_ =	strace s2  }
0x95: {  	s2 =	sld [smem:$0x3FFD];
	_ =	sdelay $0x3  }
0x96: {  	_ =	strace s2  }
0x97: {  	_ =	strace $0x8FFFFFFF  }
0x98: {  	s18 =	sld [smem:$0x3FDB];
	_ =	sdelay $0x1  }
0x99: {  	s19 =	simm.s32 $_scs_section_size  }
0x9a: {  	s4 =	simm.s32 $_size__tile_overlayer_lowered;
	s5 =	simm.s32 $_tile_overlayer_lowered  }
0x9b: {  	s22 =	simm.s32 $0x1BFF;
	s21 =	sshll.u32 s5, $0x1;
	s2 =	sadd.s32 s19, s18  }
0x9c: {  	s6 =	simm.s32 $0x0;
	s20 =	sshll.u32 s4, $0x1;
	s4 =	sadd.s32 s21, s2  }
0x9d: {  	[timem:s6], [sflag:s22] =	dma.local [hbm:s4], s20  }
0x9e: {  	_ =	swait.ge [sflag:s22], s20  }
0x9f: {  	s3 =	ssub.s32 $0x0, s20;
	[sflag:s22] =	ssyncset.done $0x0  }
0xa0: {  	[sflag:s22] =	ssyncadd.s32 s3;
	_ =	sdelay $0x1  }
0xa1: {  	s23 =	simm.s32 $0x1B8B  }
0xa2: {  	_ =	swait.ge [sflag:s23], $0x1  }
0xa3: {  	[sflag:s23] =	ssyncset.done $0x0  }
0xa4: {  	s25 =	simm.s32 $0x1B8E;
	s24 =	sld [smem:$0x3FFE];
	[sflag:s23] =	ssyncadd.s32 $0xFFFFFFFF  }
0xa5: {  	s26 =	simm.s32 $execute0_lowered;
	[smem:$0x3FD2] =	sst s25  }
0xa6: {  	s4 =	sshll.u32 s26, $0x1;
	_ =	strace $0x80000049;
	[dreg:$0x1] =	wrdreg $0xFFFFFFFF  }
0xa7: {  	s28 =	simm.s32 $_size_execute0_lowered;
	s2 =	sadd.s32 s2, s4;
	[dreg:$0x0] =	wrdreg $0x0  }
0xa8: {  	s4 =	sshll.u32 s28, $0x1;
	[dreg:$0x2] =	wrdreg s2  }
0xa9: {  	[dreg:$0x3] =	wrdreg s4  }
0xaa: {  	[dreg:$0x4] =	wrdreg $0xC0  }
0xab: {  	_ =	task [dreg:s6], $0x5FFFF  }
0xac: {  	[dreg:$0x1] =	wrdreg $0xFFFFFFFF  }
0xad: {  	[dreg:$0x0] =	wrdreg $0x60  }
0xae: {  	[dreg:$0x2] =	wrdreg s24  }
0xaf: {  	[dreg:$0x3] =	wrdreg $0xAD000  }
0xb0: {  	[dreg:$0x4] =	wrdreg $0x9  }
0xb1: {  	_ =	task.clear_ibuf [dreg:s6], $0x5FFFF;
	_ =	strace $0x90000049  }
0xb2: {  	s29 =	simm.s32 $0x9;
	_ =	strace $0x8000004B  }
0xb3: {  	_ =	swait.ge [sflag:s29], $0x1  }
0xb4: {  	[sflag:s29] =	ssyncadd.s32 $0xFFFFFFFF  }
0xb5: {  	_ =	strace $0x9000004B  }
0xb6: {  	_ =	sfence  }
0xb7: {  	s30 =	sld [smem:$0x0];
	_ =	sdelay $0x2  }
0xb8: {  	s31 =	sshll.u32 s1, $0xD;
	s1 =	sshrl.u32 s1, $0x2  }
0xb9: {  	s3 =	sand.u32 $0x4000, s31;
	s1 =	sadd.s32 s1, s30  }
0xba: {  	s0 =	sor.u32 s3, s0;
	s1 =	sshll.u32 s1, $0x11  }
0xbb: {  	s0 =	sor.u32 s1, s0  }
0xbc: {  	s0 =	sadd.s32 $0x8F2B, s0  }
0xbd: {  	[sflag:s0] =	ssyncadd.remote.s32 $0x1  }
0xbe: {  	_ =	sfence.sel $0xFFFF  }
0xbf: {  	[dreg:$0x0] =	wrdreg $0xFFFFFFFF;
	(pc) =	sbr.abs _section_cstart, $3  }
0xc0: {  	[dreg:$0x1] =	wrdreg $0xFFFFFFFF  }
0xc1: {  	_ =	task.clear_ibuf [dreg:s6], $0x2FFFF;
	_ =	strace $0x9FFFFFFF  }
0xc2: {  	(tm) =	ssettm $0x7FFFFFFF  }
0xc3: {  	_ =	shalt  }
tec
execute0_lowered:
.L_overlay_start_1:
0x0: {  	(tag) =	ssettag $0x1  }
0x1: {  	s0 =	rddreg [dreg:$0x0]  }
0x2: {  	s2 =	rddreg [dreg:$0x1];
	s3 =	simm.s32 $0x0;
	s10 =	stileid.u32  }
0x3: {  	s1 =	srdreg.scid;
	s29 =	simm.s32 $0x2;
	s31 =	simm.s32 $0x3  }
0x4: {  	s12 =	simm.s32 $0x9;
	s13 =	simm.s32 $0xA;
	s14 =	simm.s32 $0xB  }
0x5: {  	s28 =	simm.s32 $0x4500;
	s30 =	simm.s32 $0x6500;
	s5 =	smul.u32 $0x50000, s10  }
0x6: {  	[smem:$0x7FF] =	sst s3;
	s4 =	sadd.s32 $0x16800, s0;
	s15 =	smul.u32 $0x4E20, s10  }
0x7: {  	s19 =	sand.u32 $0x1, s1;
	s6 =	sadd.s32 $0xCA00, s0;
	s18 =	smul.u32 $0x2800, s10  }
0x8: {  	s7 =	sadd.s32 $0x2C00, s0;
	s23 =	smul.u32 $0x9C4, s10;
	s8 =	ssub.s32 $0x2, s19  }
0x9: {  	_ =	strace $0x8000004A;
	p0 =	seq.s32 s19, $0x1;
	s9 =	sshrl.u32 s8, $0x1  }
0xa: {  	s5 =	sshrl.u32 s5, $0x2;
	s1 =	sshrl.u32 s15, $0x3;
	s25 =	sadd.s32 s23, s7  }
0xb: {  	s26 =	sadd.s32 s23, s6;
	s23 =	simm.s32 $0x100;
	[dreg:$0x3] =	wrdreg s25  }
0xc: {  	s21 =	sadd.s32 s5, s2;
	s16 =	sadd.s32 $0x9C0, s1;
	[dreg:$0x4] =	wrdreg s26  }
0xd: {  	s15 =	simm.s32 $0x280;
	s17 =	sadd.s32 s6, s16;
	[dreg:$0x5] =	wrdreg s21  }
0xe: {  	s8 =	ssub.s32 s8, s9;
	s5 =	sadd.s32 s7, s16;
	[dreg:$0x6] =	wrdreg s17  }
0xf: {  	s20 =	sadd.s32 $0x9B0, s1;
	s8 =	smax.u32 s8, $0x1;
	[dreg:$0x7] =	wrdreg s5  }
0x10: {  	s1 =	sadd.s32 $0x9B8, s1;
	s22 =	sadd.s32 s6, s20;
	[dreg:$0x8] =	wrdreg s8  }
0x11: {  	s25 =	simm.s32 $0x1;
	s24 =	sadd.s32 s6, s1;
	[dreg:$0x9] =	wrdreg s22  }
0x12: {  	s26 =	simm.s32 $0x40;
	s1 =	sadd.s32 s7, s1;
	[dreg:$0xb] =	wrdreg s24  }
0x13: {  	s6 =	simm.s32 $0x10;
	s8 =	sadd.s32 s7, s20;
	[dreg:$0xc] =	wrdreg s1  }
0x14: {  	s16 =	simm.s32 $0xE;
	[dreg:$0xa] =	wrdreg s8;
	s8 =	simm.s32 $0x98800  }
0x15: {  	s22 =	simm.s32 $0xA500;
	s1 =	simm.s32 $0x4;
	s8 =	simm.s32 @!p0 $0x70800  }
0x16: {  	s7 =	simm.s32 $0x5;
	s5 =	simm.s32 $0xC;
	s0 =	sadd.s32 s8, s0  }
0x17: {  	s17 =	simm.s32 $0xD;
	s24 =	simm.s32 $0x2500;
	s0 =	sadd.s32 s0, s18  }
0x18: {  	v1 =	vimm.f32 $0.0e+00;
	v0 =	vmov s19;
	s18 =	simm.s32 $0xF;
	[dreg:$0xd] =	wrdreg s0;
	s0 =	simm.s32 $0x0  }
.LBB2_1:
0x19: {  	s19 =	simm.s32 $0x0;
	s20 =	simm.s32 $0x200  }
.LBB2_2:
0x1a: {  	p0 =	sne.s32 s20, $0x1E00;
	[tilespmem:s19+$0xA570] =	vst v1  }
0x1b: {  	[tilespmem:s19+$0xA500] =	vst v1  }
0x1c: {  	[tilespmem:s19+$0xA510] =	vst v1  }
.Ltmp0:
0x1d: {  	[tilespmem:s19+$0xA520] =	vst v1;
	(pc) =	sbr.rel @p0 .LBB2_2-.Ltmp0, $4  }
0x1e: {  	[tilespmem:s19+$0xA530] =	vst v1  }
0x1f: {  	[tilespmem:s19+$0xA540] =	vst v1  }
0x20: {  	[tilespmem:s19+$0xA550] =	vst v1  }
0x21: {  	[tilespmem:s19+$0xA560] =	vst v1;
	s19 =	sshra.s32 s20, $0x2;
	s20 =	sadd.s32 $0x200, s20  }
0x22: {  	[tilespmem:s19+$0xA570] =	vst v1  }
0x23: {  	[tilespmem:s19+$0xA500] =	vst v1  }
0x24: {  	[tilespmem:s19+$0xA510] =	vst v1  }
0x25: {  	[tilespmem:s19+$0xA520] =	vst v1  }
0x26: {  	[tilespmem:s19+$0xA530] =	vst v1  }
0x27: {  	[tilespmem:s19+$0xA540] =	vst v1  }
0x28: {  	[tilespmem:s19+$0xA550] =	vst v1  }
0x29: {  	[dreg:$0xe] =	wrdreg s0;
	[tilespmem:s19+$0xA560] =	vst v1;
	s20 =	sadd.s32 $0x0, s21  }
0x2a: {  	[spmem:s20] =	stream.linear.scatter [tilespmem:s22], [sflag:$0x10], $0x800, $0x38;
	[tilespmem:$0x1FE00] =	vst v63  }
0x2b: {  	s19 =	simm.s32 $0x2000;
	_ =	swait.ge [sflag:s6], $0x800  }
.LBB2_4:
0x2c: {  	s20 =	sshra.s32 s19, $0x2;
	[sflag:s6] =	ssyncset.done $0x0;
	p0 =	sne.s32 s19, $0x4E000  }
.Ltmp1:
0x2d: {  	s20 =	sadd.s32 s20, s21;
	[sflag:s6] =	ssyncadd.s32 $0xFFFFF800;
	(pc) =	sbr.rel @p0 .LBB2_4-.Ltmp1, $3  }
0x2e: {  	[spmem:s20] =	stream.linear.scatter [tilespmem:s22], [sflag:$0x10], $0x800, $0x38;
	[tilespmem:$0x1FE00] =	vst v63  }
0x2f: {  	s19 =	sadd.s32 $0x2000, s19;
	_ =	sdelay $0x1  }
0x30: {  	_ =	swait.ge [sflag:s6], $0x800  }
0x31: {  	[sflag:s6] =	ssyncset.done $0x0  }
0x32: {  	[sflag:s6] =	ssyncadd.s32 $0xFFFFF800  }
0x33: {  	[bflag:$0x0] =	sbarrier.arrive $0xFFFF  }
0x34: {  	s19 =	rddreg [dreg:$0x4]  }
0x35: {  	s20 =	rddreg [dreg:$0x3];
	s9 =	sadd.s32 $0x0, s19  }
0x36: {  	[tilespmem:s3], [sflag:$0x1] =	stream.linear.gather [hbm4b:s9+s3], $0x40, $0x38;
	[tilespmem:$0x1FE00] =	vst v63  }
0x37: {  	s21 =	simm.s32 $0x80;
	s20 =	sadd.s32 $0x0, s20  }
0x38: {  	[tilespmem:s21], [sflag:$0x1] =	stream.linear.gather [hbm4b:s20+s3], $0x40, $0x38;
	[tilespmem:$0x1FE00] =	vst v63  }
0x39: {  	s19 =	sadd.s32 $0x8, s9  }
0x3a: {  	[tilespmem:s23], [sflag:$0x2] =	stream.linear.gather [hbm4b:s19+s3], $0x40, $0x38;
	[tilespmem:$0x1FE00] =	vst v63  }
0x3b: {  	s6 =	simm.s32 $0x180;
	s0 =	sadd.s32 $0x8, s20  }
0x3c: {  	[tilespmem:s6], [sflag:$0x2] =	stream.linear.gather [hbm4b:s0+s3], $0x40, $0x38;
	[tilespmem:$0x1FE00] =	vst v63  }
0x3d: {  	s8 =	sadd.s32 $0x10, s9;
	s0 =	simm.s32 $0x200  }
0x3e: {  	[tilespmem:s0], [sflag:$0x3] =	stream.linear.gather [hbm4b:s8+s3], $0x40, $0x38;
	[tilespmem:$0x1FE00] =	vst v63  }
0x3f: {  	s10 =	sadd.s32 $0x10, s20;
	s8 =	simm.s32 $0x280  }
0x40: {  	[tilespmem:s8], [sflag:$0x3] =	stream.linear.gather [hbm4b:s10+s3], $0x40, $0x38;
	[tilespmem:$0x1FE00] =	vst v63  }
0x41: {  	s11 =	sadd.s32 $0x18, s9;
	s10 =	simm.s32 $0x300  }
0x42: {  	[tilespmem:s10], [sflag:$0x4] =	stream.linear.gather [hbm4b:s11+s3], $0x40, $0x38;
	[tilespmem:$0x1FE00] =	vst v63  }
0x43: {  	s22 =	sadd.s32 $0x18, s20;
	s11 =	simm.s32 $0x380  }
0x44: {  	[tilespmem:s11], [sflag:$0x4] =	stream.linear.gather [hbm4b:s22+s3], $0x40, $0x38;
	[tilespmem:$0x1FE00] =	vst v63  }
0x45: {  	s22 =	sadd.s32 $0x20, s9;
	s9 =	simm.s32 $0x400  }
0x46: {  	[tilespmem:s9], [sflag:$0x5] =	stream.linear.gather [hbm4b:s22+s3], $0x40, $0x38;
	[tilespmem:$0x1FE00] =	vst v63  }
0x47: {  	s20 =	sadd.s32 $0x20, s20;
	s22 =	simm.s32 $0x480  }
0x48: {  	[tilespmem:s22], [sflag:$0x5] =	stream.linear.gather [hbm4b:s20+s3], $0x40, $0x38;
	[tilespmem:$0x1FE00] =	vst v63  }
0x49: {  	_ =	swait.ge [sflag:s25], $0x40  }
0x4a: {  	[sflag:s25] =	ssyncset.done $0x0  }
0x4b: {  	[sflag:s25] =	ssyncadd.s32 $0xFFFFFFC0  }
0x4c: {  	_ =	swait.ge [sflag:s25], $0x40  }
0x4d: {  	[sflag:s25] =	ssyncset.done $0x0  }
0x4e: {  	[sflag:s25] =	ssyncadd.s32 $0xFFFFFFC0  }
0x4f: {  	v2 =	vld [tilespmem:$0x30]  }
0x50: {  	v3 =	vld [tilespmem:$0x0]  }
0x51: {  	v4 =	vld [tilespmem:$0x20]  }
0x52: {  	v5 =	vld [tilespmem:$0x10];
	_ =	sdelay $0x1  }
0x53: {  	v2 =	vshll.u32 v2, $0x1  }
0x54: {  	v3 =	vshll.u32 v3, $0x1;
	v2 =	vor.u32 v0, v2  }
0x55: {  	v4 =	vshll.u32 v4, $0x1;
	v3 =	vor.u32 v0, v3;
	[tilespmem:$0x30] =	vst v2  }
0x56: {  	[tilespmem:$0x0] =	vst v3;
	v2 =	vshll.u32 v5, $0x1;
	v3 =	vor.u32 v0, v4  }
0x57: {  	v2 =	vor.u32 v0, v2;
	[tilespmem:$0x20] =	vst v3  }
0x58: {  	s19 =	simm.s32 $0x500;
	[tilespmem:$0x10] =	vst v2  }
0x59: {  	[tilespmem:s19], [sflag:$0x6] =	stream.indirect.gather [hbm4b:s4+s26], $0x80, s3, s26, $0xb8;
	[tilespmem:$0x1FE00] =	vst v63  }
0x5a: {  	_ =	swait.ge [sflag:s29], $0x40  }
0x5b: {  	[sflag:s29] =	ssyncset.done $0x0  }
0x5c: {  	[sflag:s29] =	ssyncadd.s32 $0xFFFFFFC0  }
0x5d: {  	_ =	swait.ge [sflag:s29], $0x40  }
0x5e: {  	[sflag:s29] =	ssyncset.done $0x0  }
0x5f: {  	[sflag:s29] =	ssyncadd.s32 $0xFFFFFFC0  }
0x60: {  	v2 =	vld [tilespmem:$0x100]  }
0x61: {  	v3 =	vld [tilespmem:$0x110]  }
0x62: {  	v56 =	vld [tilespmem:$0x120]  }
0x63: {  	v57 =	vld [tilespmem:$0x130];
	_ =	sdelay $0x1  }
0x64: {  	v2 =	vshll.u32 v2, $0x1  }
0x65: {  	v3 =	vshll.u32 v3, $0x1;
	v2 =	vor.u32 v0, v2  }
0x66: {  	[tilespmem:$0x100] =	vst v2;
	v2 =	vor.u32 v0, v3;
	v3 =	vshll.u32 v56, $0x1  }
0x67: {  	[tilespmem:$0x110] =	vst v2;
	v2 =	vor.u32 v0, v3;
	v3 =	vshll.u32 v57, $0x1  }
0x68: {  	[tilespmem:$0x120] =	vst v2;
	v2 =	vor.u32 v0, v3  }
0x69: {  	[tilespmem:$0x130] =	vst v2  }
0x6a: {  	[tilespmem:s24], [sflag:$0x7] =	stream.indirect.gather [hbm4b:s4+s26], $0x80, s23, s26, $0xb8;
	[tilespmem:$0x1FE00] =	vst v63  }
0x6b: {  	_ =	swait.ge [sflag:s31], $0x40  }
0x6c: {  	[sflag:s31] =	ssyncset.done $0x0  }
0x6d: {  	[sflag:s31] =	ssyncadd.s32 $0xFFFFFFC0  }
0x6e: {  	_ =	swait.ge [sflag:s31], $0x40  }
0x6f: {  	[sflag:s31] =	ssyncset.done $0x0  }
0x70: {  	[sflag:s31] =	ssyncadd.s32 $0xFFFFFFC0  }
0x71: {  	v2 =	vld [tilespmem:$0x200]  }
0x72: {  	v3 =	vld [tilespmem:$0x210]  }
0x73: {  	v58 =	vld [tilespmem:$0x220]  }
0x74: {  	v59 =	vld [tilespmem:$0x230];
	_ =	sdelay $0x1  }
0x75: {  	v2 =	vshll.u32 v2, $0x1  }
0x76: {  	v3 =	vshll.u32 v3, $0x1;
	v2 =	vor.u32 v0, v2  }
0x77: {  	[tilespmem:$0x200] =	vst v2;
	v2 =	vor.u32 v0, v3;
	v3 =	vshll.u32 v58, $0x1  }
0x78: {  	[tilespmem:$0x210] =	vst v2;
	v2 =	vor.u32 v0, v3;
	v3 =	vshll.u32 v59, $0x1  }
0x79: {  	[tilespmem:$0x220] =	vst v2;
	v2 =	vor.u32 v0, v3  }
0x7a: {  	[tilespmem:$0x230] =	vst v2  }
0x7b: {  	[tilespmem:s28], [sflag:$0x8] =	stream.indirect.gather [hbm4b:s4+s26], $0x80, s0, s26, $0xb8;
	[tilespmem:$0x1FE00] =	vst v63  }
0x7c: {  	_ =	swait.ge [sflag:s1], $0x40  }
0x7d: {  	[sflag:s1] =	ssyncset.done $0x0  }
0x7e: {  	[sflag:s1] =	ssyncadd.s32 $0xFFFFFFC0  }
0x7f: {  	_ =	swait.ge [sflag:s1], $0x40  }
0x80: {  	[sflag:s1] =	ssyncset.done $0x0  }
0x81: {  	[sflag:s1] =	ssyncadd.s32 $0xFFFFFFC0  }
0x82: {  	v2 =	vld [tilespmem:$0x330]  }
0x83: {  	v3 =	vld [tilespmem:$0x300]  }
0x84: {  	v60 =	vld [tilespmem:$0x310]  }
0x85: {  	v61 =	vld [tilespmem:$0x320];
	_ =	sdelay $0x1  }
0x86: {  	v2 =	vshll.u32 v2, $0x1  }
0x87: {  	v3 =	vshll.u32 v3, $0x1;
	v2 =	vor.u32 v0, v2  }
0x88: {  	v4 =	vshll.u32 v60, $0x1;
	v3 =	vor.u32 v0, v3;
	[tilespmem:$0x330] =	vst v2  }
0x89: {  	[tilespmem:$0x300] =	vst v3;
	v2 =	vor.u32 v0, v4;
	v3 =	vshll.u32 v61, $0x1  }
0x8a: {  	[tilespmem:$0x310] =	vst v2;
	v2 =	vor.u32 v0, v3  }
0x8b: {  	[tilespmem:$0x320] =	vst v2  }
0x8c: {  	[tilespmem:s30], [sflag:$0x9] =	stream.indirect.gather [hbm4b:s4+s26], $0x80, s10, s26, $0xb8;
	[tilespmem:$0x1FE00] =	vst v63  }
0x8d: {  	_ =	swait.ge [sflag:s7], $0x40  }
0x8e: {  	[sflag:s7] =	ssyncset.done $0x0  }
0x8f: {  	[sflag:s7] =	ssyncadd.s32 $0xFFFFFFC0  }
0x90: {  	_ =	swait.ge [sflag:s7], $0x40  }
0x91: {  	[sflag:s7] =	ssyncset.done $0x0  }
0x92: {  	[sflag:s7] =	ssyncadd.s32 $0xFFFFFFC0  }
0x93: {  	v2 =	vld [tilespmem:$0x400]  }
0x94: {  	v3 =	vld [tilespmem:$0x410]  }
0x95: {  	v62 =	vld [tilespmem:$0x420]  }
0x96: {  	v63 =	vld [tilespmem:$0x430];
	_ =	sdelay $0x1  }
0x97: {  	v2 =	vshll.u32 v2, $0x1  }
0x98: {  	v3 =	vshll.u32 v3, $0x1;
	v2 =	vor.u32 v0, v2  }
0x99: {  	[tilespmem:$0x400] =	vst v2;
	v2 =	vor.u32 v0, v3;
	v3 =	vshll.u32 v62, $0x1  }
0x9a: {  	[tilespmem:$0x410] =	vst v2;
	v2 =	vor.u32 v0, v3;
	v3 =	vshll.u32 v63, $0x1  }
0x9b: {  	[tilespmem:$0x420] =	vst v2;
	v2 =	vor.u32 v0, v3  }
0x9c: {  	s20 =	simm.s32 $0x6;
	s0 =	simm.s32 $0x8500;
	[tilespmem:$0x430] =	vst v2  }
0x9d: {  	[tilespmem:s0], [sflag:$0xA] =	stream.indirect.gather [hbm4b:s4+s26], $0x80, s9, s26, $0xb8;
	[tilespmem:$0x1FE00] =	vst v63  }
0x9e: {  	_ =	swait.ge [sflag:s20], $0x2000  }
0x9f: {  	[sflag:s20] =	ssyncset.done $0x0  }
0xa0: {  	[sflag:s20] =	ssyncadd.s32 $0xFFFFE000  }
0xa1: {  	[spmem:s2] =	stream.indirect.scatter.add.f32 [tilespmem:s19], [sflag:$0xB], $0x80, s21, s26, $0xb8;
	[tilespmem:$0x1FE00] =	vst v63  }
0xa2: {  	s21 =	simm.s32 $0x7  }
0xa3: {  	_ =	swait.ge [sflag:s21], $0x2000  }
0xa4: {  	[sflag:s21] =	ssyncset.done $0x0  }
0xa5: {  	s23 =	simm.s32 $0x8;
	[sflag:s21] =	ssyncadd.s32 $0xFFFFE000  }
0xa6: {  	[spmem:s2] =	stream.indirect.scatter.add.f32 [tilespmem:s24], [sflag:$0xC], $0x80, s6, s26, $0xb8;
	[tilespmem:$0x1FE00] =	vst v63  }
0xa7: {  	_ =	swait.ge [sflag:s23], $0x2000  }
0xa8: {  	[sflag:s23] =	ssyncset.done $0x0  }
0xa9: {  	[sflag:s23] =	ssyncadd.s32 $0xFFFFE000  }
0xaa: {  	[spmem:s2] =	stream.indirect.scatter.add.f32 [tilespmem:s28], [sflag:$0xD], $0x80, s8, s26, $0xb8;
	[tilespmem:$0x1FE00] =	vst v63  }
0xab: {  	_ =	swait.ge [sflag:s12], $0x2000  }
0xac: {  	[sflag:s12] =	ssyncset.done $0x0  }
0xad: {  	s19 =	simm.s32 $0x28;
	[sflag:s12] =	ssyncadd.s32 $0xFFFFE000  }
0xae: {  	[spmem:s2] =	stream.indirect.scatter.add.f32 [tilespmem:s30], [sflag:$0xE], $0x80, s11, s26, $0xb8;
	[tilespmem:$0x1FE00] =	vst v63  }
.LBB2_6:
0xaf: {  	_ =	swait.ge [sflag:s13], $0x2000  }
0xb0: {  	[sflag:s13] =	ssyncset.done $0x0  }
0xb1: {  	[sflag:s13] =	ssyncadd.s32 $0xFFFFE000  }
0xb2: {  	[spmem:s2] =	stream.indirect.scatter.add.f32 [tilespmem:s0], [sflag:$0xF], $0x80, s22, s26, $0xb8;
	[tilespmem:$0x1FE00] =	vst v63  }
0xb3: {  	_ =	swait.ge [sflag:s14], $0x2000  }
0xb4: {  	[sflag:s14] =	ssyncset.done $0x0  }
0xb5: {  	[sflag:s14] =	ssyncadd.s32 $0xFFFFE000  }
0xb6: {  	_ =	swait.ge [sflag:s5], $0x2000  }
0xb7: {  	[sflag:s5] =	ssyncset.done $0x0  }
0xb8: {  	[sflag:s5] =	ssyncadd.s32 $0xFFFFE000  }
0xb9: {  	_ =	swait.ge [sflag:s17], $0x2000  }
0xba: {  	[sflag:s17] =	ssyncset.done $0x0  }
0xbb: {  	[sflag:s17] =	ssyncadd.s32 $0xFFFFE000  }
0xbc: {  	_ =	swait.ge [sflag:s16], $0x2000  }
0xbd: {  	[sflag:s16] =	ssyncset.done $0x0  }
0xbe: {  	[sflag:s16] =	ssyncadd.s32 $0xFFFFE000  }
0xbf: {  	_ =	swait.ge [sflag:s18], $0x2000  }
0xc0: {  	s20 =	smov.u32 s19;
	s21 =	rddreg [dreg:$0x4];
	[sflag:s18] =	ssyncset.done $0x0  }
0xc1: {  	s11 =	rddreg [dreg:$0x3];
	[sflag:s18] =	ssyncadd.s32 $0xFFFFE000;
	s21 =	sadd.s32 s20, s21  }
0xc2: {  	[tilespmem:s3], [sflag:$0x1] =	stream.linear.gather [hbm4b:s21+s3], $0x40, $0x38;
	[tilespmem:$0x1FE00] =	vst v63  }
0xc3: {  	s23 =	simm.s32 $0x80;
	s20 =	sadd.s32 s20, s11  }
0xc4: {  	[tilespmem:s23], [sflag:$0x1] =	stream.linear.gather [hbm4b:s20+s3], $0x40, $0x38;
	[tilespmem:$0x1FE00] =	vst v63  }
0xc5: {  	s6 =	sadd.s32 $0x8, s21;
	s23 =	simm.s32 $0x100  }
0xc6: {  	[tilespmem:s23], [sflag:$0x2] =	stream.linear.gather [hbm4b:s6+s3], $0x40, $0x38;
	[tilespmem:$0x1FE00] =	vst v63  }
0xc7: {  	s8 =	sadd.s32 $0x8, s20;
	s6 =	simm.s32 $0x180  }
0xc8: {  	[tilespmem:s6], [sflag:$0x2] =	stream.linear.gather [hbm4b:s8+s3], $0x40, $0x38;
	[tilespmem:$0x1FE00] =	vst v63  }
0xc9: {  	s9 =	sadd.s32 $0x10, s21;
	s8 =	simm.s32 $0x200  }
0xca: {  	[tilespmem:s8], [sflag:$0x3] =	stream.linear.gather [hbm4b:s9+s3], $0x40, $0x38;
	[tilespmem:$0x1FE00] =	vst v63  }
0xcb: {  	s10 =	sadd.s32 $0x10, s20  }
0xcc: {  	[tilespmem:s15], [sflag:$0x3] =	stream.linear.gather [hbm4b:s10+s3], $0x40, $0x38;
	[tilespmem:$0x1FE00] =	vst v63  }
0xcd: {  	s11 =	sadd.s32 $0x18, s21;
	s10 =	simm.s32 $0x300  }
0xce: {  	[tilespmem:s10], [sflag:$0x4] =	stream.linear.gather [hbm4b:s11+s3], $0x40, $0x38;
	[tilespmem:$0x1FE00] =	vst v63  }
0xcf: {  	s9 =	sadd.s32 $0x18, s20;
	s11 =	simm.s32 $0x380  }
0xd0: {  	[tilespmem:s11], [sflag:$0x4] =	stream.linear.gather [hbm4b:s9+s3], $0x40, $0x38;
	[tilespmem:$0x1FE00] =	vst v63  }
0xd1: {  	s21 =	sadd.s32 $0x20, s21;
	s9 =	simm.s32 $0x400  }
0xd2: {  	[tilespmem:s9], [sflag:$0x5] =	stream.linear.gather [hbm4b:s21+s3], $0x40, $0x38;
	[tilespmem:$0x1FE00] =	vst v63  }
0xd3: {  	s22 =	simm.s32 $0x480;
	s20 =	sadd.s32 $0x20, s20  }
0xd4: {  	[tilespmem:s22], [sflag:$0x5] =	stream.linear.gather [hbm4b:s20+s3], $0x40, $0x38;
	[tilespmem:$0x1FE00] =	vst v63  }
0xd5: {  	_ =	swait.ge [sflag:s25], $0x40  }
0xd6: {  	[sflag:s25] =	ssyncset.done $0x0  }
0xd7: {  	[sflag:s25] =	ssyncadd.s32 $0xFFFFFFC0  }
0xd8: {  	_ =	swait.ge [sflag:s25], $0x40  }
0xd9: {  	[sflag:s25] =	ssyncset.done $0x0  }
0xda: {  	[sflag:s25] =	ssyncadd.s32 $0xFFFFFFC0  }
0xdb: {  	v2 =	vld [tilespmem:$0x30]  }
0xdc: {  	v3 =	vld [tilespmem:$0x0]  }
0xdd: {  	v4 =	vld [tilespmem:$0x20]  }
0xde: {  	v5 =	vld [tilespmem:$0x10];
	_ =	sdelay $0x1  }
0xdf: {  	v2 =	vshll.u32 v2, $0x1  }
0xe0: {  	v3 =	vshll.u32 v3, $0x1;
	v2 =	vor.u32 v0, v2  }
0xe1: {  	v4 =	vshll.u32 v4, $0x1;
	v3 =	vor.u32 v0, v3;
	[tilespmem:$0x30] =	vst v2  }
0xe2: {  	[tilespmem:$0x0] =	vst v3;
	v2 =	vshll.u32 v5, $0x1;
	v3 =	vor.u32 v0, v4  }
0xe3: {  	v2 =	vor.u32 v0, v2;
	[tilespmem:$0x20] =	vst v3  }
0xe4: {  	s20 =	simm.s32 $0x500;
	[tilespmem:$0x10] =	vst v2  }
0xe5: {  	[tilespmem:s20], [sflag:$0x6] =	stream.indirect.gather [hbm4b:s4+s26], $0x80, s3, s26, $0xb8;
	[tilespmem:$0x1FE00] =	vst v63  }
0xe6: {  	_ =	swait.ge [sflag:s29], $0x40  }
0xe7: {  	[sflag:s29] =	ssyncset.done $0x0  }
0xe8: {  	[sflag:s29] =	ssyncadd.s32 $0xFFFFFFC0  }
0xe9: {  	_ =	swait.ge [sflag:s29], $0x40  }
0xea: {  	[sflag:s29] =	ssyncset.done $0x0  }
0xeb: {  	[sflag:s29] =	ssyncadd.s32 $0xFFFFFFC0  }
0xec: {  	v2 =	vld [tilespmem:$0x100]  }
0xed: {  	v3 =	vld [tilespmem:$0x110]  }
0xee: {  	v56 =	vld [tilespmem:$0x120]  }
0xef: {  	v57 =	vld [tilespmem:$0x130];
	_ =	sdelay $0x1  }
0xf0: {  	v2 =	vshll.u32 v2, $0x1  }
0xf1: {  	v3 =	vshll.u32 v3, $0x1;
	v2 =	vor.u32 v0, v2  }
0xf2: {  	[tilespmem:$0x100] =	vst v2;
	v2 =	vor.u32 v0, v3;
	v3 =	vshll.u32 v56, $0x1  }
0xf3: {  	[tilespmem:$0x110] =	vst v2;
	v2 =	vor.u32 v0, v3;
	v3 =	vshll.u32 v57, $0x1  }
0xf4: {  	[tilespmem:$0x120] =	vst v2;
	v2 =	vor.u32 v0, v3  }
0xf5: {  	[tilespmem:$0x130] =	vst v2  }
0xf6: {  	[tilespmem:s24], [sflag:$0x7] =	stream.indirect.gather [hbm4b:s4+s26], $0x80, s23, s26, $0xb8;
	[tilespmem:$0x1FE00] =	vst v63  }
0xf7: {  	_ =	swait.ge [sflag:s31], $0x40  }
0xf8: {  	[sflag:s31] =	ssyncset.done $0x0  }
0xf9: {  	[sflag:s31] =	ssyncadd.s32 $0xFFFFFFC0  }
0xfa: {  	_ =	swait.ge [sflag:s31], $0x40  }
0xfb: {  	[sflag:s31] =	ssyncset.done $0x0  }
0xfc: {  	[sflag:s31] =	ssyncadd.s32 $0xFFFFFFC0  }
0xfd: {  	v2 =	vld [tilespmem:$0x200]  }
0xfe: {  	v3 =	vld [tilespmem:$0x210]  }
0xff: {  	v58 =	vld [tilespmem:$0x220]  }
0x100: {  	v59 =	vld [tilespmem:$0x230];
	_ =	sdelay $0x1  }
0x101: {  	v2 =	vshll.u32 v2, $0x1  }
0x102: {  	v3 =	vshll.u32 v3, $0x1;
	v2 =	vor.u32 v0, v2  }
0x103: {  	[tilespmem:$0x200] =	vst v2;
	v2 =	vor.u32 v0, v3;
	v3 =	vshll.u32 v58, $0x1  }
0x104: {  	[tilespmem:$0x210] =	vst v2;
	v2 =	vor.u32 v0, v3;
	v3 =	vshll.u32 v59, $0x1  }
0x105: {  	[tilespmem:$0x220] =	vst v2;
	v2 =	vor.u32 v0, v3  }
0x106: {  	[tilespmem:$0x230] =	vst v2  }
0x107: {  	[tilespmem:s28], [sflag:$0x8] =	stream.indirect.gather [hbm4b:s4+s26], $0x80, s8, s26, $0xb8;
	[tilespmem:$0x1FE00] =	vst v63  }
0x108: {  	_ =	swait.ge [sflag:s1], $0x40  }
0x109: {  	[sflag:s1] =	ssyncset.done $0x0  }
0x10a: {  	[sflag:s1] =	ssyncadd.s32 $0xFFFFFFC0  }
0x10b: {  	_ =	swait.ge [sflag:s1], $0x40  }
0x10c: {  	[sflag:s1] =	ssyncset.done $0x0  }
0x10d: {  	[sflag:s1] =	ssyncadd.s32 $0xFFFFFFC0  }
0x10e: {  	v2 =	vld [tilespmem:$0x330]  }
0x10f: {  	v3 =	vld [tilespmem:$0x300]  }
0x110: {  	v60 =	vld [tilespmem:$0x310]  }
0x111: {  	v61 =	vld [tilespmem:$0x320];
	_ =	sdelay $0x1  }
0x112: {  	v2 =	vshll.u32 v2, $0x1  }
0x113: {  	v3 =	vshll.u32 v3, $0x1;
	v2 =	vor.u32 v0, v2  }
0x114: {  	v4 =	vshll.u32 v60, $0x1;
	v3 =	vor.u32 v0, v3;
	[tilespmem:$0x330] =	vst v2  }
0x115: {  	[tilespmem:$0x300] =	vst v3;
	v2 =	vor.u32 v0, v4;
	v3 =	vshll.u32 v61, $0x1  }
0x116: {  	[tilespmem:$0x310] =	vst v2;
	v2 =	vor.u32 v0, v3  }
0x117: {  	[tilespmem:$0x320] =	vst v2  }
0x118: {  	[tilespmem:s30], [sflag:$0x9] =	stream.indirect.gather [hbm4b:s4+s26], $0x80, s10, s26, $0xb8;
	[tilespmem:$0x1FE00] =	vst v63  }
0x119: {  	_ =	swait.ge [sflag:s7], $0x40  }
0x11a: {  	[sflag:s7] =	ssyncset.done $0x0  }
0x11b: {  	[sflag:s7] =	ssyncadd.s32 $0xFFFFFFC0  }
0x11c: {  	_ =	swait.ge [sflag:s7], $0x40  }
0x11d: {  	[sflag:s7] =	ssyncset.done $0x0  }
0x11e: {  	[sflag:s7] =	ssyncadd.s32 $0xFFFFFFC0  }
0x11f: {  	v2 =	vld [tilespmem:$0x400]  }
0x120: {  	v3 =	vld [tilespmem:$0x410]  }
0x121: {  	v62 =	vld [tilespmem:$0x420]  }
0x122: {  	v63 =	vld [tilespmem:$0x430];
	_ =	sdelay $0x1  }
0x123: {  	v2 =	vshll.u32 v2, $0x1  }
0x124: {  	v3 =	vshll.u32 v3, $0x1;
	v2 =	vor.u32 v0, v2  }
0x125: {  	[tilespmem:$0x400] =	vst v2;
	v2 =	vor.u32 v0, v3;
	v3 =	vshll.u32 v62, $0x1  }
0x126: {  	[tilespmem:$0x410] =	vst v2;
	v2 =	vor.u32 v0, v3;
	v3 =	vshll.u32 v63, $0x1  }
0x127: {  	[tilespmem:$0x420] =	vst v2;
	v2 =	vor.u32 v0, v3  }
0x128: {  	[tilespmem:$0x430] =	vst v2  }
0x129: {  	[tilespmem:s0], [sflag:$0xA] =	stream.indirect.gather [hbm4b:s4+s26], $0x80, s9, s26, $0xb8;
	[tilespmem:$0x1FE00] =	vst v63  }
0x12a: {  	s9 =	simm.s32 $0x6  }
0x12b: {  	_ =	swait.ge [sflag:s9], $0x2000  }
0x12c: {  	[sflag:s9] =	ssyncset.done $0x0  }
0x12d: {  	s21 =	simm.s32 $0x80;
	s8 =	simm.s32 $0x7;
	[sflag:s9] =	ssyncadd.s32 $0xFFFFE000  }
0x12e: {  	[spmem:s2] =	stream.indirect.scatter.add.f32 [tilespmem:s20], [sflag:$0xB], $0x80, s21, s26, $0xb8;
	[tilespmem:$0x1FE00] =	vst v63  }
0x12f: {  	_ =	swait.ge [sflag:s8], $0x2000  }
0x130: {  	[sflag:s8] =	ssyncset.done $0x0  }
0x131: {  	s10 =	simm.s32 $0x8;
	[sflag:s8] =	ssyncadd.s32 $0xFFFFE000  }
0x132: {  	[spmem:s2] =	stream.indirect.scatter.add.f32 [tilespmem:s24], [sflag:$0xC], $0x80, s6, s26, $0xb8;
	[tilespmem:$0x1FE00] =	vst v63  }
0x133: {  	_ =	swait.ge [sflag:s10], $0x2000  }
0x134: {  	[sflag:s10] =	ssyncset.done $0x0  }
0x135: {  	p0 =	sne.s32 s19, $0x988;
	[sflag:s10] =	ssyncadd.s32 $0xFFFFE000  }
0x136: {  	[spmem:s2] =	stream.indirect.scatter.add.f32 [tilespmem:s28], [sflag:$0xD], $0x80, s15, s26, $0xb8;
	[tilespmem:$0x1FE00] =	vst v63  }
.Ltmp2:
0x137: {  	_ = 	snop;
	(pc) =	sbr.rel @p0 .LBB2_6-.Ltmp2, $4  }
0x138: {  	_ =	swait.ge [sflag:s12], $0x2000  }
0x139: {  	[sflag:s12] =	ssyncset.done $0x0  }
0x13a: {  	s19 =	sadd.s32 $0x28, s19;
	[sflag:s12] =	ssyncadd.s32 $0xFFFFE000  }
0x13b: {  	[spmem:s2] =	stream.indirect.scatter.add.f32 [tilespmem:s30], [sflag:$0xE], $0x80, s11, s26, $0xb8;
	[tilespmem:$0x1FE00] =	vst v63  }
0x13c: {  	_ =	swait.ge [sflag:s13], $0x2000  }
0x13d: {  	[sflag:s13] =	ssyncset.done $0x0  }
0x13e: {  	[sflag:s13] =	ssyncadd.s32 $0xFFFFE000  }
0x13f: {  	[spmem:s2] =	stream.indirect.scatter.add.f32 [tilespmem:s0], [sflag:$0xF], $0x80, s22, s26, $0xb8;
	[tilespmem:$0x1FE00] =	vst v63  }
0x140: {  	_ =	swait.ge [sflag:s14], $0x2000  }
0x141: {  	[sflag:s14] =	ssyncset.done $0x0  }
0x142: {  	[sflag:s14] =	ssyncadd.s32 $0xFFFFE000  }
0x143: {  	_ =	swait.ge [sflag:s5], $0x2000  }
0x144: {  	[sflag:s5] =	ssyncset.done $0x0  }
0x145: {  	[sflag:s5] =	ssyncadd.s32 $0xFFFFE000  }
0x146: {  	_ =	swait.ge [sflag:s17], $0x2000  }
0x147: {  	[sflag:s17] =	ssyncset.done $0x0  }
0x148: {  	[sflag:s17] =	ssyncadd.s32 $0xFFFFE000  }
0x149: {  	_ =	swait.ge [sflag:s16], $0x2000  }
0x14a: {  	[sflag:s16] =	ssyncset.done $0x0  }
0x14b: {  	[sflag:s16] =	ssyncadd.s32 $0xFFFFE000  }
0x14c: {  	_ =	swait.ge [sflag:s18], $0x2000  }
0x14d: {  	[sflag:s18] =	ssyncset.done $0x0  }
0x14e: {  	s19 =	rddreg [dreg:$0x9];
	[sflag:s18] =	ssyncadd.s32 $0xFFFFE000  }
0x14f: {  	[tilespmem:s3], [sflag:$0x1] =	stream.linear.gather [hbm4b:s19+s3], $0x40, $0x38;
	[tilespmem:$0x1FE00] =	vst v63  }
0x150: {  	s6 =	rddreg [dreg:$0xa]  }
0x151: {  	[tilespmem:s21], [sflag:$0x1] =	stream.linear.gather [hbm4b:s6+s3], $0x40, $0x38;
	[tilespmem:$0x1FE00] =	vst v63  }
0x152: {  	_ =	swait.ge [sflag:s25], $0x40  }
0x153: {  	[sflag:s25] =	ssyncset.done $0x0  }
0x154: {  	[sflag:s25] =	ssyncadd.s32 $0xFFFFFFC0  }
0x155: {  	_ =	swait.ge [sflag:s25], $0x40  }
0x156: {  	[sflag:s25] =	ssyncset.done $0x0  }
0x157: {  	[sflag:s25] =	ssyncadd.s32 $0xFFFFFFC0  }
0x158: {  	v2 =	vld [tilespmem:$0x0]  }
0x159: {  	v3 =	vld [tilespmem:$0x10]  }
0x15a: {  	v4 =	vld [tilespmem:$0x20]  }
0x15b: {  	v5 =	vld [tilespmem:$0x30];
	_ =	sdelay $0x1  }
0x15c: {  	v2 =	vshll.u32 v2, $0x1  }
0x15d: {  	v3 =	vshll.u32 v3, $0x1;
	v2 =	vor.u32 v0, v2  }
0x15e: {  	[tilespmem:$0x0] =	vst v2;
	v2 =	vor.u32 v0, v3;
	v3 =	vshll.u32 v4, $0x1  }
0x15f: {  	[tilespmem:$0x10] =	vst v2;
	v2 =	vor.u32 v0, v3;
	v3 =	vshll.u32 v5, $0x1  }
0x160: {  	[tilespmem:$0x20] =	vst v2;
	v2 =	vor.u32 v0, v3  }
0x161: {  	[tilespmem:$0x30] =	vst v2  }
0x162: {  	[tilespmem:s20], [sflag:$0x6] =	stream.indirect.gather [hbm4b:s4+s26], $0x80, s3, s26, $0xb8;
	[tilespmem:$0x1FE00] =	vst v63  }
0x163: {  	_ =	swait.ge [sflag:s9], $0x2000  }
0x164: {  	[sflag:s9] =	ssyncset.done $0x0  }
0x165: {  	[sflag:s9] =	ssyncadd.s32 $0xFFFFE000  }
0x166: {  	[spmem:s2] =	stream.indirect.scatter.add.f32 [tilespmem:s20], [sflag:$0xB], $0x80, s21, s26, $0xb8;
	[tilespmem:$0x1FE00] =	vst v63  }
0x167: {  	_ =	swait.ge [sflag:s14], $0x2000  }
0x168: {  	[sflag:s14] =	ssyncset.done $0x0  }
0x169: {  	s8 =	rddreg [dreg:$0xb];
	[sflag:s14] =	ssyncadd.s32 $0xFFFFE000  }
0x16a: {  	[tilespmem:s3], [sflag:$0x1] =	stream.linear.gather [hbm4b:s8+s3], $0x40, $0x38;
	[tilespmem:$0x1FE00] =	vst v63  }
0x16b: {  	s10 =	rddreg [dreg:$0xc]  }
0x16c: {  	[tilespmem:s21], [sflag:$0x1] =	stream.linear.gather [hbm4b:s10+s3], $0x40, $0x38;
	[tilespmem:$0x1FE00] =	vst v63  }
0x16d: {  	_ =	swait.ge [sflag:s25], $0x40  }
0x16e: {  	[sflag:s25] =	ssyncset.done $0x0  }
0x16f: {  	[sflag:s25] =	ssyncadd.s32 $0xFFFFFFC0  }
0x170: {  	_ =	swait.ge [sflag:s25], $0x40  }
0x171: {  	[sflag:s25] =	ssyncset.done $0x0  }
0x172: {  	[sflag:s25] =	ssyncadd.s32 $0xFFFFFFC0  }
0x173: {  	v2 =	vld [tilespmem:$0x0]  }
0x174: {  	v3 =	vld [tilespmem:$0x10]  }
0x175: {  	v62 =	vld [tilespmem:$0x20]  }
0x176: {  	v63 =	vld [tilespmem:$0x30];
	_ =	sdelay $0x1  }
0x177: {  	v2 =	vshll.u32 v2, $0x1  }
0x178: {  	v3 =	vshll.u32 v3, $0x1;
	v2 =	vor.u32 v0, v2  }
0x179: {  	[tilespmem:$0x0] =	vst v2;
	v2 =	vor.u32 v0, v3;
	v3 =	vshll.u32 v62, $0x1  }
0x17a: {  	[tilespmem:$0x10] =	vst v2;
	v2 =	vor.u32 v0, v3;
	v3 =	vshll.u32 v63, $0x1  }
0x17b: {  	[tilespmem:$0x20] =	vst v2;
	v2 =	vor.u32 v0, v3  }
0x17c: {  	[tilespmem:$0x30] =	vst v2  }
0x17d: {  	[tilespmem:s20], [sflag:$0x6] =	stream.indirect.gather [hbm4b:s4+s26], $0x80, s3, s26, $0xb8;
	[tilespmem:$0x1FE00] =	vst v63  }
0x17e: {  	_ =	swait.ge [sflag:s9], $0x2000  }
0x17f: {  	[sflag:s9] =	ssyncset.done $0x0  }
0x180: {  	[sflag:s9] =	ssyncadd.s32 $0xFFFFE000  }
0x181: {  	[spmem:s2] =	stream.indirect.scatter.add.f32 [tilespmem:s20], [sflag:$0xB], $0x80, s21, s26, $0xb8;
	[tilespmem:$0x1FE00] =	vst v63  }
0x182: {  	_ =	swait.ge [sflag:s14], $0x2000  }
0x183: {  	[sflag:s14] =	ssyncset.done $0x0  }
0x184: {  	s20 =	simm.s32 $0x1ED00;
	s11 =	rddreg [dreg:$0x6];
	[sflag:s14] =	ssyncadd.s32 $0xFFFFE000  }
0x185: {  	[tilespmem:s20], [sflag:$0x1] =	stream.linear.gather [hbm4b:s11+s3], $0x20, $0x38;
	[tilespmem:$0x1FE00] =	vst v63  }
0x186: {  	s6 =	simm.s32 $0x1ED80;
	s21 =	rddreg [dreg:$0x7]  }
0x187: {  	[tilespmem:s6], [sflag:$0x1] =	stream.linear.gather [hbm4b:s21+s3], $0x20, $0x38;
	[tilespmem:$0x1FE00] =	vst v63  }
0x188: {  	_ =	swait.ge [sflag:s25], $0x20  }
0x189: {  	[sflag:s25] =	ssyncset.done $0x0  }
0x18a: {  	[sflag:s25] =	ssyncadd.s32 $0xFFFFFFE0  }
0x18b: {  	_ =	swait.ge [sflag:s25], $0x20  }
0x18c: {  	[sflag:s25] =	ssyncset.done $0x0  }
0x18d: {  	[sflag:s25] =	ssyncadd.s32 $0xFFFFFFE0  }
0x18e: {  	v2 =	vld [tilespmem:$0x1ED00]  }
0x18f: {  	v3 =	vld [tilespmem:$0x1ED10];
	_ =	sdelay $0x3  }
0x190: {  	v2 =	vshll.u32 v2, $0x1  }
0x191: {  	v3 =	vshll.u32 v3, $0x1;
	v2 =	vor.u32 v0, v2  }
0x192: {  	[tilespmem:$0x1ED00] =	vst v2;
	v2 =	vor.u32 v0, v3  }
0x193: {  	s22 =	simm.s32 $0x1EE00;
	s8 =	simm.s32 $0x20;
	[tilespmem:$0x1ED10] =	vst v2  }
0x194: {  	[tilespmem:s22], [sflag:$0x6] =	stream.indirect.gather [hbm4b:s4+s8], $0x80, s20, s8, $0xb8;
	[tilespmem:$0x1FE00] =	vst v63  }
0x195: {  	_ =	swait.ge [sflag:s9], $0x1000  }
0x196: {  	[sflag:s9] =	ssyncset.done $0x0  }
0x197: {  	[sflag:s9] =	ssyncadd.s32 $0xFFFFF000  }
0x198: {  	[spmem:s2] =	stream.indirect.scatter.add.f32 [tilespmem:s22], [sflag:$0xB], $0x80, s6, s8, $0xb8;
	[tilespmem:$0x1FE00] =	vst v63  }
0x199: {  	_ =	swait.ge [sflag:s14], $0x1000  }
0x19a: {  	[sflag:s14] =	ssyncset.done $0x0  }
0x19b: {  	[sflag:s14] =	ssyncadd.s32 $0xFFFFF000  }
0x19c: {  	s9 =	stileid.u32;
	[bflag:$0x0] =	sbarrier.arrive $0xFFFF  }
0x19d: {  	s19 =	sshll.u32 s9, $0x6;
	s6 =	simm.s32 $0x10;
	s21 =	rddreg [dreg:$0x5]  }
0x19e: {  	s19 =	sor.u32 $0x1C10, s19;
	s11 =	rddreg [dreg:$0xd];
	s10 =	sshrl.u32 s21, $0x3  }
0x19f: {  	[hbm:s11], [sflag:s19] =	dma.local [spmem:s10], $0x2800  }
0x1a0: {  	_ =	swait.ge [sflag:s6], $0x2800  }
0x1a1: {  	s20 =	rddreg [dreg:$0xe]  }
0x1a2: {  	s22 =	rddreg [dreg:$0x8];
	s0 =	sadd.s32 $0x1, s20  }
0x1a3: {  	p0 =	sne.s32 s0, s22  }
.Ltmp3:
0x1a4: {  	_ = 	snop;
	(pc) =	sbr.rel @p0 .LBB2_1-.Ltmp3, $3  }
0x1a5: {  	_ =	sdelay $0x1  }
0x1a6: {  	[sflag:s6] =	ssyncset.done $0x0  }
0x1a7: {  	[sflag:s6] =	ssyncadd.s32 $0xFFFFD800;
	s22 =	simm.s32 $0xA500  }
0x1a8: {  	_ =	sfence.sel $0x180000  }
0x1a9: {  	[bflag:$0x0] =	sbarrier.arrive $0xFFFF  }
0x1aa: {  	_ =	strace $0x9000004A  }
0x1ab: {  	s0 =	stileid.u32;
	[bflag:$0x2] =	sbarrier.arrive $0xFFFF  }
0x1ac: {  	p0 =	sne.s32 s0, $0x0;
	s0 =	rddreg [dreg:$0x2]  }
0x1ad: {  	s0 =	sadd.s32 @!p0 $0x100000, s0  }
0x1ae: {  	[sflag:s0] =	ssyncadd.tile.s32 @!p0 $0x1;
	_ =	shalt  }
.Lfunc_end2:
_tile_overlayer_lowered:
.L_overlay_start_2:
0x1af: {  	(tag) =	ssettag $0x2  }
0x1b0: {  	s0 =	rddreg [dreg:$0x0];
	s2 =	stileid.u32  }
0x1b1: {  	s1 =	rddreg [dreg:$0x1];
	p0 =	sne.s32 s2, $0x0  }
0x1b2: {  	s3 =	rddreg [dreg:$0x2];
	[bflag:$0x3] =	sbarrier.arrive $0xFFFF;
	s2 =	simm.s32 @!p0 $0x1C10  }
0x1b3: {  	[timem:s3], [sflag:s2] =	dma.local @!p0 [hbm:s0], s1  }
0x1b4: {  	s0 =	simm.s32 @!p0 $0x10  }
0x1b5: {  	_ =	swait.ge @!p0 [sflag:s0], s1  }
0x1b6: {  	s1 =	ssub.s32 @!p0 $0x0, s1;
	[sflag:s0] =	ssyncset.done @!p0 $0x0  }
0x1b7: {  	[sflag:s0] =	ssyncadd.s32 @!p0 s1  }
0x1b8: {  	[bflag:$0x3] =	sbarrier.arrive $0xFFFF  }
0x1b9: {  	_ =	shalt  }

// kernel: kernel.8.cloned.1.call-start
scs
__scs_entry_jumppad:
0x0: {  	(pc) =	sbr.rel $0x88, $3  }
0x1: {  	(tag) =	ssettag $0x0;
	lr =	simm.s32 $0x1  }
0x2: {  	[smem:$0x3F98] =	sst lr;
	_ =	strace $0xD0000000  }
0x3: {  	_ = 	snop  }
0x4: {  	_ = 	snop  }
0x5: {  	_ = 	snop  }
0x6: {  	_ = 	snop  }
0x7: {  	_ = 	snop  }
__scs_overlays_trampoline_lowered:
0x8: {  	[smem:$0x3FA7] =	sst s0  }
0x9: {  	[smem:$0x3FA8] =	sst s1  }
0xa: {  	[smem:$0x3FA9] =	sst s2  }
0xb: {  	[smem:$0x3FAA] =	sst s3  }
0xc: {  	[smem:$0x3FAB] =	sst s4  }
0xd: {  	[smem:$0x3FAC] =	sst s5  }
0xe: {  	[smem:$0x3FAD] =	sst s6  }
0xf: {  	[smem:$0x3FAE] =	sst s7  }
0x10: {  	[smem:$0x3FAF] =	sst s8  }
0x11: {  	[smem:$0x3FB0] =	sst s9;
	s0 =	simm.s32 @!p0 $0x0  }
0x12: {  	s1 =	sld [smem:$0x3F96];
	s0 =	simm.s32 @p0 $0x1  }
0x13: {  	[smem:$0x3FB1] =	sst s0;
	s0 =	simm.s32 @!p1 $0x0  }
0x14: {  	s2 =	sld [smem:$0x3F95];
	s0 =	simm.s32 @p1 $0x1  }
0x15: {  	[smem:$0x3FB2] =	sst s0;
	s0 =	simm.s32 @!p2 $0x0  }
0x16: {  	s3 =	sld [smem:$0x3FDB];
	s0 =	simm.s32 @p2 $0x1  }
0x17: {  	s4 =	simm.s32 $0x1BF5;
	[smem:$0x3FB4] =	sst s0  }
0x18: {  	s0 =	sld [smem:$0x3F97];
	_ =	swait.ge [sflag:s4], $0x0  }
0x19: {  	s7 =	sld [smem:$0x3F98]  }
0x1a: {  	s8 =	sadd.s32 $0xFFFFE003, lr  }
0x1b: {  	s9 =	sadd.s32 $0xFFFFFEF7, lr;
	s5 =	simm.s32 $0xFFFFFFFF;
	p2 =	slt.u32 s8, $0xFFFFF086  }
0x1c: {  	p1 =	slt.u32 s9, $0xF7A;
	s5 =	simm.s32 @!p2 $0x0  }
0x1d: {  	s5 =	simm.s32 @p1 $0x1;
	p0 =	seq.s32 s7, s2  }
0x1e: {  	s7 =	smul.u32 @!p0 $0xF7A, s2;
	p2 =	seq.s32 @!p0 s5, $0x0  }
0x1f: {  	s9 =	smul.u32 $0xF7A, s1;
	s8 =	simm.s32 @!p0 $0x1BF5;
	p2 =	por !p2, p0  }
0x20: {  	[sflag:s8] =	ssyncset.s32 @!p0 $0xFFFFF086;
	s6 =	sadd.s32 @!p0 s3, s7;
	s7 =	simm.s32 @!p0 $0x108  }
0x21: {  	s3 =	sadd.s32 s3, s9;
	s6 =	sadd.s32 @!p0 $0x88, s6;
	s7 =	simm.s32 @p2 $0x1082  }
0x22: {  	[simem:s7], [sflag:s8] =	dma.local @!p0 [hbm:s6], $0xF7A  }
0x23: {  	s9 =	sor.u32 $0xD0000000, s2;
	s6 =	simm.s32 $0x108;
	_ =	swait.ge @!p0 [sflag:s8], $0x0  }
0x24: {  	s3 =	sadd.s32 $0x88, s3;
	s6 =	simm.s32 @!p1 $0x1082;
	[sflag:s4] =	ssyncset.s32 $0xFFFFF086  }
0x25: {  	[simem:s6], [sflag:s4] =	dma.local [hbm:s3], $0xF7A  }
0x26: {  	[smem:$0x3F98] =	sst s1;
	(tag) =	ssettag s2;
	_ =	strace s9  }
0x27: {  	s1 =	sld [smem:$0x3FA8]  }
0x28: {  	s2 =	sld [smem:$0x3FA9]  }
0x29: {  	s4 =	sld [smem:$0x3FAB]  }
0x2a: {  	p0 =	seq.s32 s5, $0x0;
	s5 =	sld [smem:$0x3FAC]  }
0x2b: {  	s6 =	sld [smem:$0x3FAD]  }
0x2c: {  	s7 =	sld [smem:$0x3FAE]  }
0x2d: {  	s3 =	simm.s32 $0x108;
	s8 =	sld [smem:$0x3FAF]  }
0x2e: {  	s3 =	simm.s32 @!p0 $0x1082;
	s9 =	sld [smem:$0x3FB0]  }
0x2f: {  	lr =	sadd.s32 s0, s3;
	s0 =	sld [smem:$0x3FA7]  }
0x30: {  	s3 =	sld [smem:$0x3FAA]  }
0x31: {  	[smem:$0x3FB3] =	sst s10  }
0x32: {  	s10 =	sld [smem:$0x3FB1];
	_ =	sdelay $0x3  }
0x33: {  	p0 =	seq.s32 s10, $0x1;
	s10 =	sld [smem:$0x3FB3];
	_ =	sdelay $0x3  }
0x34: {  	[smem:$0x3FB3] =	sst s10  }
0x35: {  	s10 =	sld [smem:$0x3FB2];
	_ =	sdelay $0x3  }
0x36: {  	p1 =	seq.s32 s10, $0x1;
	s10 =	sld [smem:$0x3FB3];
	_ =	sdelay $0x3  }
0x37: {  	[smem:$0x3FB3] =	sst s10  }
0x38: {  	s10 =	sld [smem:$0x3FB4]  }
0x39: {  	_ = 	snop;
	(pc) =	sbr.ind lr, $3  }
0x3a: {  	_ = 	snop  }
0x3b: {  	_ = 	snop  }
0x3c: {  	p2 =	seq.s32 s10, $0x1;
	s10 =	sld [smem:$0x3FB3]  }
0x3d: {  	_ =	shalt  }
0x3e: {  	_ =	shalt  }
0x3f: {  	_ =	shalt  }
0x40: {  	_ =	shalt  }
0x41: {  	_ =	shalt  }
0x42: {  	_ =	shalt  }
0x43: {  	_ =	shalt  }
0x44: {  	_ =	shalt  }
0x45: {  	_ =	shalt  }
0x46: {  	_ =	shalt  }
0x47: {  	_ =	shalt  }
0x48: {  	_ =	shalt  }
0x49: {  	_ =	shalt  }
0x4a: {  	_ =	shalt  }
0x4b: {  	_ =	shalt  }
0x4c: {  	_ =	shalt  }
0x4d: {  	_ =	shalt  }
0x4e: {  	_ =	shalt  }
0x4f: {  	_ =	shalt  }
0x50: {  	_ =	shalt  }
0x51: {  	_ =	shalt  }
0x52: {  	_ =	shalt  }
0x53: {  	_ =	shalt  }
0x54: {  	_ =	shalt  }
0x55: {  	_ =	shalt  }
0x56: {  	_ =	shalt  }
0x57: {  	_ =	shalt  }
0x58: {  	_ =	shalt  }
0x59: {  	_ =	shalt  }
0x5a: {  	_ =	shalt  }
0x5b: {  	_ =	shalt  }
0x5c: {  	_ =	shalt  }
0x5d: {  	_ =	shalt  }
0x5e: {  	_ =	shalt  }
0x5f: {  	_ =	shalt  }
0x60: {  	_ =	shalt  }
0x61: {  	_ =	shalt  }
0x62: {  	_ =	shalt  }
0x63: {  	_ =	shalt  }
0x64: {  	_ =	shalt  }
0x65: {  	_ =	shalt  }
0x66: {  	_ =	shalt  }
0x67: {  	_ =	shalt  }
0x68: {  	_ =	shalt  }
0x69: {  	_ =	shalt  }
0x6a: {  	_ =	shalt  }
0x6b: {  	_ =	shalt  }
0x6c: {  	_ =	shalt  }
0x6d: {  	_ =	shalt  }
0x6e: {  	_ =	shalt  }
0x6f: {  	_ =	shalt  }
0x70: {  	_ =	shalt  }
0x71: {  	_ =	shalt  }
0x72: {  	_ =	shalt  }
0x73: {  	_ =	shalt  }
0x74: {  	_ =	shalt  }
0x75: {  	_ =	shalt  }
0x76: {  	_ =	shalt  }
0x77: {  	_ =	shalt  }
0x78: {  	_ =	shalt  }
0x79: {  	_ =	shalt  }
0x7a: {  	_ =	shalt  }
0x7b: {  	_ =	shalt  }
0x7c: {  	_ =	shalt  }
0x7d: {  	_ =	shalt  }
0x7e: {  	_ =	shalt  }
0x7f: {  	_ =	shalt  }
0x80: {  	_ =	shalt  }
0x81: {  	_ =	shalt  }
0x82: {  	_ =	shalt  }
0x83: {  	_ =	shalt  }
0x84: {  	_ =	shalt  }
0x85: {  	_ =	shalt  }
0x86: {  	_ =	shalt  }
0x87: {  	_ =	shalt  }
.Lfunc_end0:
.L_simem_size_0:
called_computation_lowered:
.L_overlay_start_0:
0x88: {  	s2 =	sld [smem:$0x3FD9]  }
0x89: {  	s3 =	sld [smem:$0x3FFE];
	_ =	sdelay $0x1  }
0x8a: {  	s1 =	srdreg.scid  }
0x8b: {  	s0 =	sand.u32 $0x1, s1  }
0x8c: {  	s17 =	sshll.u32 s0, $0xA;
	s2 =	sadd.s32 s3, s2  }
0x8d: {  	s2 =	sadd.s32 s2, s17  }
0x8e: {  	[smem:$0x3FBF] =	sst s2  }
0x8f: {  	_ = 	snop  }
0x90: {  	s2 =	sld [smem:$0x3FC9];
	(tm) =	ssettm $0x1  }
0x91: {  	s18 =	sld [smem:$0x3FFB];
	_ =	sdelay $0x3  }
0x92: {  	_ =	strace s18  }
0x93: {  	s3 =	sld [smem:$0x3FFC];
	_ =	sdelay $0x3  }
0x94: {  	_ =	strace s3  }
0x95: {  	s3 =	sld [smem:$0x3FFD];
	_ =	sdelay $0x3  }
0x96: {  	_ =	strace s3  }
0x97: {  	_ =	strace $0x8FFFFFFF  }
0x98: {  	s19 =	sld [smem:$0x3FDB];
	_ =	sdelay $0x1  }
0x99: {  	s4 =	simm.s32 $_scs_section_size  }
0x9a: {  	s5 =	simm.s32 $_size__tile_overlayer_lowered;
	s6 =	simm.s32 $_tile_overlayer_lowered  }
0x9b: {  	s22 =	simm.s32 $0x1BFF;
	s21 =	sshll.u32 s6, $0x1;
	s3 =	sadd.s32 s4, s19  }
0x9c: {  	s7 =	simm.s32 $0x0;
	s20 =	sshll.u32 s5, $0x1;
	s5 =	sadd.s32 s21, s3  }
0x9d: {  	[timem:s7], [sflag:s22] =	dma.local [hbm:s5], s20  }
0x9e: {  	_ =	swait.ge [sflag:s22], s20  }
0x9f: {  	s4 =	ssub.s32 $0x0, s20;
	[sflag:s22] =	ssyncset.done $0x0  }
0xa0: {  	[sflag:s22] =	ssyncadd.s32 s4;
	_ =	sdelay $0x1  }
0xa1: {  	s23 =	simm.s32 $0x1B8B  }
0xa2: {  	_ =	swait.ge [sflag:s23], $0x1  }
0xa3: {  	[sflag:s23] =	ssyncset.done $0x0  }
0xa4: {  	s25 =	simm.s32 $0x1B8E;
	s24 =	sld [smem:$0x3FFE];
	[sflag:s23] =	ssyncadd.s32 $0xFFFFFFFF  }
0xa5: {  	s26 =	simm.s32 $execute0_lowered;
	[smem:$0x3FD2] =	sst s25  }
0xa6: {  	s5 =	sshll.u32 s26, $0x1;
	_ =	strace $0x80000046;
	[dreg:$0x1] =	wrdreg $0xFFFFFFFF  }
0xa7: {  	s28 =	simm.s32 $_size_execute0_lowered;
	s3 =	sadd.s32 s3, s5;
	[dreg:$0x0] =	wrdreg $0x0  }
0xa8: {  	s5 =	sshll.u32 s28, $0x1;
	[dreg:$0x2] =	wrdreg s3  }
0xa9: {  	[dreg:$0x3] =	wrdreg s5  }
0xaa: {  	[dreg:$0x4] =	wrdreg $0xC0  }
0xab: {  	_ =	task [dreg:s7], $0x5FFFF  }
0xac: {  	[dreg:$0x1] =	wrdreg $0xFFFFFFFF  }
0xad: {  	[dreg:$0x0] =	wrdreg $0x60  }
0xae: {  	[dreg:$0x2] =	wrdreg s2  }
0xaf: {  	[dreg:$0x3] =	wrdreg s24  }
0xb0: {  	[dreg:$0x4] =	wrdreg $0xB4000  }
0xb1: {  	[dreg:$0x5] =	wrdreg $0x9  }
0xb2: {  	_ =	task.clear_ibuf [dreg:s7], $0x6FFFF;
	_ =	strace $0x90000046  }
0xb3: {  	s29 =	simm.s32 $0x9;
	_ =	strace $0x80000048  }
0xb4: {  	_ =	swait.ge [sflag:s29], $0x1  }
0xb5: {  	[sflag:s29] =	ssyncadd.s32 $0xFFFFFFFF  }
0xb6: {  	_ =	strace $0x90000048  }
0xb7: {  	_ =	sfence  }
0xb8: {  	s30 =	sld [smem:$0x0];
	_ =	sdelay $0x2  }
0xb9: {  	s31 =	sshll.u32 s1, $0xD;
	s1 =	sshrl.u32 s1, $0x2  }
0xba: {  	s3 =	sand.u32 $0x4000, s31;
	s1 =	sadd.s32 s1, s30  }
0xbb: {  	s0 =	sor.u32 s3, s0;
	s1 =	sshll.u32 s1, $0x11  }
0xbc: {  	s0 =	sor.u32 s1, s0  }
0xbd: {  	s0 =	sadd.s32 $0x8F2B, s0  }
0xbe: {  	[sflag:s0] =	ssyncadd.remote.s32 $0x1  }
0xbf: {  	_ =	sfence.sel $0xFFFF  }
0xc0: {  	[dreg:$0x0] =	wrdreg $0xFFFFFFFF;
	(pc) =	sbr.abs _section_cstart, $3  }
0xc1: {  	[dreg:$0x1] =	wrdreg $0xFFFFFFFF  }
0xc2: {  	_ =	task.clear_ibuf [dreg:s7], $0x2FFFF;
	_ =	strace $0x9FFFFFFF  }
0xc3: {  	(tm) =	ssettm $0x7FFFFFFF  }
tec
execute0_lowered:
.L_overlay_start_1:
0x0: {  	(tag) =	ssettag $0x1  }
0x1: {  	s1 =	rddreg [dreg:$0x0]  }
0x2: {  	s0 =	srdreg.scid;
	s2 =	rddreg [dreg:$0x1]  }
0x3: {  	s15 =	stileid.u32;
	s3 =	rddreg [dreg:$0x2]  }
0x4: {  	s28 =	simm.s32 $0x4;
	s31 =	simm.s32 $0x8C00;
	s30 =	simm.s32 $0xA  }
0x5: {  	s29 =	simm.s32 $0xB;
	s0 =	sand.u32 $0x1, s0;
	s7 =	sshll.u32 s15, $0x7  }
0x6: {  	s8 =	sadd.s32 $0xCA00, s2;
	s9 =	sadd.s32 $0x2C00, s2;
	s24 =	smul.u32 $0x50000, s15  }
0x7: {  	s14 =	smul.u32 $0x2710, s15;
	s4 =	sshll.u32 s0, $0x4;
	s7 =	sand.u32 $0x380, s7  }
0x8: {  	s10 =	ssub.s32 $0x2, s0;
	s12 =	smul.u32 $0x27100, s0;
	p0 =	seq.s32 s0, $0x1  }
0x9: {  	s5 =	sor.u32 s15, s4;
	s4 =	simm.s32 $0x0;
	s11 =	sshrl.u32 s10, $0x1  }
0xa: {  	s6 =	sshrl.u32 s5, $0x3;
	[smem:$0x7FF] =	sst s4;
	s5 =	smul.u32 $0x2710, s5  }
0xb: {  	s10 =	ssub.s32 s10, s11;
	s6 =	smul.u32 $0x14000, s6;
	_ =	strace $0x80000047  }
0xc: {  	s16 =	smax.u32 s10, $0x1;
	s10 =	simm.s32 $0x3E800;
	s13 =	sshrl.u32 s5, $0x3  }
0xd: {  	[dreg:$0xf] =	wrdreg s16;
	s10 =	simm.s32 @!p0 $0x16800;
	s6 =	sor.u32 s7, s6  }
0xe: {  	s7 =	sshrl.u32 s24, $0x2;
	s25 =	sadd.s32 $0x4E0, s13;
	s13 =	sadd.s32 s14, s12  }
0xf: {  	s14 =	smul.u32 $0x2800, s15;
	s6 =	sshrl.u32 s6, $0x3;
	s5 =	sadd.s32 s7, s3  }
0x10: {  	s26 =	sadd.s32 s8, s25;
	s7 =	sadd.s32 s9, s25;
	s15 =	sadd.s32 $0xC0, s13  }
0x11: {  	s12 =	sadd.s32 $0x80, s13;
	s20 =	sadd.s32 $0x40, s13;
	[dreg:$0xc] =	wrdreg s26  }
0x12: {  	s6 =	sadd.s32 s6, s2;
	[dreg:$0xd] =	wrdreg s7;
	s17 =	sshrl.u32 s15, $0x3  }
0x13: {  	s18 =	sshrl.u32 s12, $0x3;
	s22 =	sshrl.u32 s20, $0x3;
	s6 =	sadd.s32 $0x66800, s6  }
0x14: {  	s7 =	sshrl.u32 s13, $0x3;
	s11 =	sadd.s32 s17, s9;
	[dreg:$0xe] =	wrdreg s6  }
0x15: {  	s2 =	sadd.s32 s10, s2;
	s19 =	sadd.s32 s18, s9;
	[dreg:$0x4] =	wrdreg s11  }
0x16: {  	s12 =	simm.s32 $0xD;
	s21 =	sadd.s32 s18, s8;
	[dreg:$0x6] =	wrdreg s19  }
0x17: {  	s20 =	simm.s32 $0x1;
	s23 =	sadd.s32 s22, s9;
	[dreg:$0x7] =	wrdreg s21  }
0x18: {  	s10 =	simm.s32 $0x8;
	s24 =	sadd.s32 s22, s8;
	[dreg:$0x8] =	wrdreg s23  }
0x19: {  	s25 =	sadd.s32 s7, s9;
	s0 =	sadd.s32 s2, s14;
	[dreg:$0x9] =	wrdreg s24  }
0x1a: {  	s26 =	sadd.s32 s7, s8;
	s9 =	simm.s32 $0x7;
	[dreg:$0x10] =	wrdreg s0  }
0x1b: {  	s7 =	simm.s32 $0x5;
	s22 =	simm.s32 $0x280;
	[dreg:$0xa] =	wrdreg s25  }
0x1c: {  	s18 =	simm.s32 $0x6400;
	s6 =	sadd.s32 s17, s8;
	[dreg:$0xb] =	wrdreg s26  }
0x1d: {  	s11 =	simm.s32 $0x8400;
	s21 =	simm.s32 $0x40;
	s23 =	simm.s32 $0x2  }
0x1e: {  	s25 =	simm.s32 $0x3;
	s0 =	simm.s32 $0x0;
	s17 =	simm.s32 $0xC  }
0x1f: {  	v0 =	vimm.f32 $0.0e+00;
	v1 =	vimm.f32 $1.000000000e+00;
	s19 =	simm.s32 $0x80;
	s26 =	simm.s32 $0x180;
	[dreg:$0x5] =	wrdreg s6  }
.LBB2_1:
0x20: {  	s14 =	simm.s32 $0x0;
	s15 =	simm.s32 $0x200  }
.LBB2_2:
0x21: {  	p0 =	sne.s32 s15, $0x1E00;
	[tilespmem:s14+$0x8470] =	vst v0  }
0x22: {  	[tilespmem:s14+$0x8400] =	vst v0  }
0x23: {  	[tilespmem:s14+$0x8410] =	vst v0  }
.Ltmp0:
0x24: {  	[tilespmem:s14+$0x8420] =	vst v0;
	(pc) =	sbr.rel @p0 .LBB2_2-.Ltmp0, $4  }
0x25: {  	[tilespmem:s14+$0x8430] =	vst v0  }
0x26: {  	[tilespmem:s14+$0x8440] =	vst v0  }
0x27: {  	[tilespmem:s14+$0x8450] =	vst v0  }
0x28: {  	[tilespmem:s14+$0x8460] =	vst v0;
	s14 =	sshra.s32 s15, $0x2;
	s15 =	sadd.s32 $0x200, s15  }
0x29: {  	[tilespmem:s14+$0x8470] =	vst v0  }
0x2a: {  	[tilespmem:s14+$0x8400] =	vst v0  }
0x2b: {  	[tilespmem:s14+$0x8410] =	vst v0  }
0x2c: {  	[tilespmem:s14+$0x8420] =	vst v0  }
0x2d: {  	[tilespmem:s14+$0x8430] =	vst v0  }
0x2e: {  	[tilespmem:s14+$0x8440] =	vst v0  }
0x2f: {  	[tilespmem:s14+$0x8450] =	vst v0  }
0x30: {  	[tilespmem:s14+$0x8460] =	vst v0;
	s24 =	sadd.s32 $0x0, s5  }
0x31: {  	[spmem:s24] =	stream.linear.scatter [tilespmem:s11], [sflag:$0xD], $0x800, $0x38;
	[tilespmem:$0x1FD00] =	vst v63  }
0x32: {  	s14 =	simm.s32 $0x2000;
	_ =	swait.ge [sflag:s12], $0x800  }
.LBB2_4:
0x33: {  	s15 =	sshra.s32 s14, $0x2;
	[sflag:s12] =	ssyncset.done $0x0;
	p0 =	sne.s32 s14, $0x4E000  }
.Ltmp1:
0x34: {  	s15 =	sadd.s32 s15, s5;
	[sflag:s12] =	ssyncadd.s32 $0xFFFFF800;
	(pc) =	sbr.rel @p0 .LBB2_4-.Ltmp1, $3  }
0x35: {  	[spmem:s15] =	stream.linear.scatter [tilespmem:s11], [sflag:$0xD], $0x800, $0x38;
	[tilespmem:$0x1FD00] =	vst v63  }
0x36: {  	s14 =	sadd.s32 $0x2000, s14;
	_ =	sdelay $0x1  }
0x37: {  	_ =	swait.ge [sflag:s12], $0x800  }
0x38: {  	[dreg:$0x11] =	wrdreg s0;
	[sflag:s12] =	ssyncset.done $0x0  }
0x39: {  	s14 =	simm.s32 $0x40;
	s15 =	simm.s32 $0x0;
	[sflag:s12] =	ssyncadd.s32 $0xFFFFF800  }
.LBB2_6:
0x3a: {  	p0 =	sne.s32 s14, $0x9FC0;
	[tilespmem:s15+$0x8C00] =	vst v0;
	s15 =	smov.u32 s14;
	s14 =	sadd.s32 $0x40, s14  }
.Ltmp2:
0x3b: {  	(pc) =	sbr.rel @p0 .LBB2_6-.Ltmp2, $2  }
0x3c: {  	_ =	sdelay $0x2  }
0x3d: {  	s15 =	sshra.s32 s15, $0x2  }
0x3e: {  	[tilespmem:s15+$0x8C00] =	vst v0  }
0x3f: {  	s14 =	simm.s32 $0x0;
	s8 =	simm.s32 $0x6;
	[bflag:$0x0] =	sbarrier.arrive $0xFFFF  }
.LBB2_8:
0x40: {  	s15 =	rddreg [dreg:$0xb]  }
0x41: {  	s16 =	rddreg [dreg:$0xa];
	s15 =	sadd.s32 s14, s15  }
0x42: {  	[tilespmem:s4], [sflag:$0x1] =	stream.linear.gather [hbm4b:s15+s4], $0x40, $0x38;
	[tilespmem:$0x1FD00] =	vst v63  }
0x43: {  	s2 =	rddreg [dreg:$0x9];
	s0 =	sadd.s32 s14, s16  }
0x44: {  	[tilespmem:s19], [sflag:$0x1] =	stream.linear.gather [hbm4b:s0+s4], $0x40, $0x38;
	[tilespmem:$0x1FD00] =	vst v63  }
0x45: {  	s6 =	rddreg [dreg:$0x8];
	s13 =	simm.s32 $0x100;
	s16 =	sadd.s32 s14, s2  }
0x46: {  	[tilespmem:s13], [sflag:$0x2] =	stream.linear.gather [hbm4b:s16+s4], $0x40, $0x38;
	[tilespmem:$0x1FD00] =	vst v63  }
0x47: {  	s24 =	rddreg [dreg:$0x7];
	s15 =	sadd.s32 s14, s6  }
0x48: {  	[tilespmem:s26], [sflag:$0x2] =	stream.linear.gather [hbm4b:s15+s4], $0x40, $0x38;
	[tilespmem:$0x1FD00] =	vst v63  }
0x49: {  	s0 =	rddreg [dreg:$0x6];
	s16 =	sadd.s32 s14, s24;
	s24 =	simm.s32 $0x200  }
0x4a: {  	[tilespmem:s24], [sflag:$0x3] =	stream.linear.gather [hbm4b:s16+s4], $0x40, $0x38;
	[tilespmem:$0x1FD00] =	vst v63  }
0x4b: {  	s2 =	rddreg [dreg:$0x5];
	s15 =	sadd.s32 s14, s0  }
0x4c: {  	[tilespmem:s22], [sflag:$0x3] =	stream.linear.gather [hbm4b:s15+s4], $0x40, $0x38;
	[tilespmem:$0x1FD00] =	vst v63  }
0x4d: {  	s6 =	rddreg [dreg:$0x4];
	s16 =	sadd.s32 s14, s2;
	s2 =	simm.s32 $0x300  }
0x4e: {  	[tilespmem:s2], [sflag:$0x4] =	stream.linear.gather [hbm4b:s16+s4], $0x40, $0x38;
	[tilespmem:$0x1FD00] =	vst v63  }
0x4f: {  	s15 =	sadd.s32 s14, s6;
	s16 =	simm.s32 $0x380  }
0x50: {  	[tilespmem:s16], [sflag:$0x4] =	stream.linear.gather [hbm4b:s15+s4], $0x40, $0x38;
	[tilespmem:$0x1FD00] =	vst v63  }
0x51: {  	_ =	swait.ge [sflag:s20], $0x40  }
0x52: {  	[sflag:s20] =	ssyncset.done $0x0  }
0x53: {  	[sflag:s20] =	ssyncadd.s32 $0xFFFFFFC0  }
0x54: {  	_ =	swait.ge [sflag:s20], $0x40  }
0x55: {  	[sflag:s20] =	ssyncset.done $0x0  }
0x56: {  	s15 =	simm.s32 $0x400;
	[sflag:s20] =	ssyncadd.s32 $0xFFFFFFC0  }
0x57: {  	[tilespmem:s15], [sflag:$0x5] =	stream.indirect.gather [hbm4b:s1+s21], $0x80, s4, s21, $0xb8;
	[tilespmem:$0x1FD00] =	vst v63  }
0x58: {  	_ =	swait.ge [sflag:s23], $0x40  }
0x59: {  	[sflag:s23] =	ssyncset.done $0x0  }
0x5a: {  	[sflag:s23] =	ssyncadd.s32 $0xFFFFFFC0  }
0x5b: {  	_ =	swait.ge [sflag:s23], $0x40  }
0x5c: {  	[sflag:s23] =	ssyncset.done $0x0  }
0x5d: {  	s0 =	simm.s32 $0x2400;
	[sflag:s23] =	ssyncadd.s32 $0xFFFFFFC0  }
0x5e: {  	[tilespmem:s0], [sflag:$0x6] =	stream.indirect.gather [hbm4b:s1+s21], $0x80, s13, s21, $0xb8;
	[tilespmem:$0x1FD00] =	vst v63  }
0x5f: {  	_ =	swait.ge [sflag:s25], $0x40  }
0x60: {  	[sflag:s25] =	ssyncset.done $0x0  }
0x61: {  	[sflag:s25] =	ssyncadd.s32 $0xFFFFFFC0  }
0x62: {  	_ =	swait.ge [sflag:s25], $0x40  }
0x63: {  	[sflag:s25] =	ssyncset.done $0x0  }
0x64: {  	s6 =	simm.s32 $0x4400;
	[sflag:s25] =	ssyncadd.s32 $0xFFFFFFC0  }
0x65: {  	[tilespmem:s6], [sflag:$0x7] =	stream.indirect.gather [hbm4b:s1+s21], $0x80, s24, s21, $0xb8;
	[tilespmem:$0x1FD00] =	vst v63  }
0x66: {  	_ =	swait.ge [sflag:s28], $0x40  }
0x67: {  	[sflag:s28] =	ssyncset.done $0x0  }
0x68: {  	[sflag:s28] =	ssyncadd.s32 $0xFFFFFFC0  }
0x69: {  	_ =	swait.ge [sflag:s28], $0x40  }
0x6a: {  	[sflag:s28] =	ssyncset.done $0x0  }
0x6b: {  	[sflag:s28] =	ssyncadd.s32 $0xFFFFFFC0  }
0x6c: {  	[tilespmem:s18], [sflag:$0x8] =	stream.indirect.gather [hbm4b:s1+s21], $0x80, s2, s21, $0xb8;
	[tilespmem:$0x1FD00] =	vst v63  }
0x6d: {  	_ =	swait.ge [sflag:s7], $0x2000  }
0x6e: {  	[sflag:s7] =	ssyncset.done $0x0  }
0x6f: {  	[sflag:s7] =	ssyncadd.s32 $0xFFFFE000  }
0x70: {  	[spmem:s3] =	stream.indirect.scatter.add.f32 [tilespmem:s15], [sflag:$0x9], $0x80, s19, s21, $0xb8;
	[tilespmem:$0x1FD00] =	vst v63  }
0x71: {  	v2 =	vld [tilespmem:$0x80];
	_ =	sdelay $0x7  }
0x72: {  	[tilespmem:v2+s31+$0x0] =	vst.idx.add.f32.msk $0xffff, v1  }
0x73: {  	v2 =	vld [tilespmem:$0x90];
	_ =	sdelay $0x7  }
0x74: {  	[tilespmem:v2+s31+$0x0] =	vst.idx.add.f32.msk $0xffff, v1  }
0x75: {  	v2 =	vld [tilespmem:$0xA0];
	_ =	sdelay $0x7  }
0x76: {  	[tilespmem:v2+s31+$0x0] =	vst.idx.add.f32.msk $0xffff, v1  }
0x77: {  	v2 =	vld [tilespmem:$0xB0];
	_ =	sdelay $0x7  }
0x78: {  	[tilespmem:v2+s31+$0x0] =	vst.idx.add.f32.msk $0xffff, v1  }
0x79: {  	_ =	swait.ge [sflag:s8], $0x2000  }
0x7a: {  	[sflag:s8] =	ssyncset.done $0x0  }
0x7b: {  	[sflag:s8] =	ssyncadd.s32 $0xFFFFE000  }
0x7c: {  	[spmem:s3] =	stream.indirect.scatter.add.f32 [tilespmem:s0], [sflag:$0xA], $0x80, s26, s21, $0xb8;
	[tilespmem:$0x1FD00] =	vst v63  }
0x7d: {  	v2 =	vld [tilespmem:$0x180];
	_ =	sdelay $0x7  }
0x7e: {  	[tilespmem:v2+s31+$0x0] =	vst.idx.add.f32.msk $0xffff, v1  }
0x7f: {  	v2 =	vld [tilespmem:$0x190];
	_ =	sdelay $0x7  }
0x80: {  	[tilespmem:v2+s31+$0x0] =	vst.idx.add.f32.msk $0xffff, v1  }
0x81: {  	v2 =	vld [tilespmem:$0x1A0];
	_ =	sdelay $0x7  }
0x82: {  	[tilespmem:v2+s31+$0x0] =	vst.idx.add.f32.msk $0xffff, v1  }
0x83: {  	v2 =	vld [tilespmem:$0x1B0];
	_ =	sdelay $0x7  }
0x84: {  	[tilespmem:v2+s31+$0x0] =	vst.idx.add.f32.msk $0xffff, v1  }
0x85: {  	_ =	swait.ge [sflag:s9], $0x2000  }
0x86: {  	[sflag:s9] =	ssyncset.done $0x0  }
0x87: {  	[sflag:s9] =	ssyncadd.s32 $0xFFFFE000  }
0x88: {  	[spmem:s3] =	stream.indirect.scatter.add.f32 [tilespmem:s6], [sflag:$0xB], $0x80, s22, s21, $0xb8;
	[tilespmem:$0x1FD00] =	vst v63  }
0x89: {  	v2 =	vld [tilespmem:$0x280];
	_ =	sdelay $0x7  }
0x8a: {  	[tilespmem:v2+s31+$0x0] =	vst.idx.add.f32.msk $0xffff, v1  }
0x8b: {  	v2 =	vld [tilespmem:$0x290];
	_ =	sdelay $0x7  }
0x8c: {  	[tilespmem:v2+s31+$0x0] =	vst.idx.add.f32.msk $0xffff, v1  }
0x8d: {  	v2 =	vld [tilespmem:$0x2A0];
	_ =	sdelay $0x7  }
0x8e: {  	[tilespmem:v2+s31+$0x0] =	vst.idx.add.f32.msk $0xffff, v1  }
0x8f: {  	v2 =	vld [tilespmem:$0x2B0];
	_ =	sdelay $0x7  }
0x90: {  	[tilespmem:v2+s31+$0x0] =	vst.idx.add.f32.msk $0xffff, v1  }
0x91: {  	_ =	swait.ge [sflag:s10], $0x2000  }
0x92: {  	[sflag:s10] =	ssyncset.done $0x0  }
0x93: {  	[sflag:s10] =	ssyncadd.s32 $0xFFFFE000  }
0x94: {  	[spmem:s3] =	stream.indirect.scatter.add.f32 [tilespmem:s18], [sflag:$0xC], $0x80, s16, s21, $0xb8;
	[tilespmem:$0x1FD00] =	vst v63  }
0x95: {  	v2 =	vld [tilespmem:$0x380];
	_ =	sdelay $0x7  }
0x96: {  	[tilespmem:v2+s31+$0x0] =	vst.idx.add.f32.msk $0xffff, v1  }
0x97: {  	v2 =	vld [tilespmem:$0x390];
	_ =	sdelay $0x7  }
0x98: {  	[tilespmem:v2+s31+$0x0] =	vst.idx.add.f32.msk $0xffff, v1  }
0x99: {  	v2 =	vld [tilespmem:$0x3A0];
	_ =	sdelay $0x7  }
0x9a: {  	[tilespmem:v2+s31+$0x0] =	vst.idx.add.f32.msk $0xffff, v1  }
0x9b: {  	v2 =	vld [tilespmem:$0x3B0];
	_ =	sdelay $0x7  }
0x9c: {  	s16 =	simm.s32 $0x9;
	[tilespmem:v2+s31+$0x0] =	vst.idx.add.f32.msk $0xffff, v1  }
0x9d: {  	_ =	swait.ge [sflag:s16], $0x2000  }
0x9e: {  	[sflag:s16] =	ssyncset.done $0x0  }
0x9f: {  	[sflag:s16] =	ssyncadd.s32 $0xFFFFE000  }
0xa0: {  	_ =	swait.ge [sflag:s30], $0x2000  }
0xa1: {  	[sflag:s30] =	ssyncset.done $0x0  }
0xa2: {  	[sflag:s30] =	ssyncadd.s32 $0xFFFFE000  }
0xa3: {  	p0 =	sne.s32 s14, $0x4C0;
	_ =	swait.ge [sflag:s29], $0x2000  }
.Ltmp3:
0xa4: {  	[sflag:s29] =	ssyncset.done $0x0;
	(pc) =	sbr.rel @p0 .LBB2_8-.Ltmp3, $4  }
0xa5: {  	[sflag:s29] =	ssyncadd.s32 $0xFFFFE000  }
0xa6: {  	_ =	swait.ge [sflag:s17], $0x2000  }
0xa7: {  	s14 =	sadd.s32 $0x20, s14;
	[sflag:s17] =	ssyncset.done $0x0  }
0xa8: {  	s13 =	simm.s32 $0x80;
	s24 =	simm.s32 $0x400;
	[sflag:s17] =	ssyncadd.s32 $0xFFFFE000  }
0xa9: {  	s14 =	rddreg [dreg:$0xc];
	s0 =	simm.s32 $0x1F400  }
0xaa: {  	[tilespmem:s0], [sflag:$0x1] =	stream.linear.gather [hbm4b:s14+s4], $0x10, $0x38;
	[tilespmem:$0x1FD00] =	vst v63  }
0xab: {  	s16 =	rddreg [dreg:$0xd];
	s2 =	simm.s32 $0x1F480  }
0xac: {  	[tilespmem:s2], [sflag:$0x1] =	stream.linear.gather [hbm4b:s16+s4], $0x10, $0x38;
	[tilespmem:$0x1FD00] =	vst v63  }
0xad: {  	_ =	swait.ge [sflag:s20], $0x10  }
0xae: {  	[sflag:s20] =	ssyncset.done $0x0  }
0xaf: {  	[sflag:s20] =	ssyncadd.s32 $0xFFFFFFF0  }
0xb0: {  	_ =	swait.ge [sflag:s20], $0x10  }
0xb1: {  	[sflag:s20] =	ssyncset.done $0x0  }
0xb2: {  	s6 =	simm.s32 $0x10;
	s8 =	simm.s32 $0x1F500;
	[sflag:s20] =	ssyncadd.s32 $0xFFFFFFF0  }
0xb3: {  	[tilespmem:s8], [sflag:$0x5] =	stream.indirect.gather [hbm4b:s1+s6], $0x80, s0, s6, $0xb8;
	[tilespmem:$0x1FD00] =	vst v63  }
0xb4: {  	_ =	swait.ge [sflag:s7], $0x800  }
0xb5: {  	[sflag:s7] =	ssyncset.done $0x0  }
0xb6: {  	[sflag:s7] =	ssyncadd.s32 $0xFFFFF800  }
0xb7: {  	[spmem:s3] =	stream.indirect.scatter.add.f32 [tilespmem:s8], [sflag:$0x9], $0x80, s2, s6, $0xb8;
	[tilespmem:$0x1FD00] =	vst v63  }
0xb8: {  	v2 =	vld [tilespmem:$0x1F480];
	_ =	sdelay $0x7  }
0xb9: {  	s6 =	simm.s32 $0x9;
	[tilespmem:v2+s31+$0x0] =	vst.idx.add.f32.msk $0xffff, v1  }
0xba: {  	_ =	swait.ge [sflag:s6], $0x800  }
0xbb: {  	[sflag:s6] =	ssyncset.done $0x0  }
0xbc: {  	s8 =	stileid.u32;
	[sflag:s6] =	ssyncadd.s32 $0xFFFFF800  }
0xbd: {  	s14 =	sshll.u32 s8, $0x6;
	[bflag:$0x0] =	sbarrier.arrive $0xFFFF  }
0xbe: {  	s15 =	sshrl.u32 s5, $0x3;
	s14 =	sor.u32 $0x1C0D, s14;
	s16 =	rddreg [dreg:$0x10]  }
0xbf: {  	[hbm:s16], [sflag:s14] =	dma.local [spmem:s15], $0x2800  }
0xc0: {  	_ =	swait.ge [sflag:s12], $0x2800  }
0xc1: {  	[sflag:s12] =	ssyncset.done $0x0  }
0xc2: {  	s15 =	rddreg [dreg:$0xe];
	[sflag:s12] =	ssyncadd.s32 $0xFFFFD800  }
0xc3: {  	[hbm4b:s15+s13] =	stream.strided.scatter [tilespmem:s31], [sflag:$0xD], $0x2800, s24, s13, $0x38;
	[tilespmem:$0x1FD00] =	vst v63  }
0xc4: {  	_ =	swait.ge [sflag:s12], $0x2800  }
0xc5: {  	s16 =	rddreg [dreg:$0x11]  }
0xc6: {  	s24 =	rddreg [dreg:$0xf];
	s0 =	sadd.s32 $0x1, s16  }
0xc7: {  	p0 =	sne.s32 s0, s24  }
.Ltmp4:
0xc8: {  	_ = 	snop;
	(pc) =	sbr.rel @p0 .LBB2_1-.Ltmp4, $3  }
0xc9: {  	_ =	sdelay $0x1  }
0xca: {  	[sflag:s12] =	ssyncset.done $0x0  }
0xcb: {  	[sflag:s12] =	ssyncadd.s32 $0xFFFFD800  }
0xcc: {  	_ =	sfence.sel $0x180000  }
0xcd: {  	[bflag:$0x0] =	sbarrier.arrive $0xFFFF  }
0xce: {  	_ =	strace $0x90000047  }
0xcf: {  	s0 =	stileid.u32;
	[bflag:$0x2] =	sbarrier.arrive $0xFFFF  }
0xd0: {  	p0 =	sne.s32 s0, $0x0;
	s0 =	rddreg [dreg:$0x3]  }
0xd1: {  	s0 =	sadd.s32 @!p0 $0x100000, s0  }
0xd2: {  	[sflag:s0] =	ssyncadd.tile.s32 @!p0 $0x1;
	_ =	shalt  }
.Lfunc_end2:
_tile_overlayer_lowered:
.L_overlay_start_2:
0xd3: {  	(tag) =	ssettag $0x2  }
0xd4: {  	s0 =	rddreg [dreg:$0x0];
	s2 =	stileid.u32  }
0xd5: {  	s1 =	rddreg [dreg:$0x1];
	p0 =	sne.s32 s2, $0x0  }
0xd6: {  	s3 =	rddreg [dreg:$0x2];
	[bflag:$0x3] =	sbarrier.arrive $0xFFFF;
	s2 =	simm.s32 @!p0 $0x1C0D  }
0xd7: {  	[timem:s3], [sflag:s2] =	dma.local @!p0 [hbm:s0], s1  }
0xd8: {  	s0 =	simm.s32 @!p0 $0xD  }
0xd9: {  	_ =	swait.ge @!p0 [sflag:s0], s1  }
0xda: {  	s1 =	ssub.s32 @!p0 $0x0, s1;
	[sflag:s0] =	ssyncset.done @!p0 $0x0  }
0xdb: {  	[sflag:s0] =	ssyncadd.s32 @!p0 s1  }
0xdc: {  	[bflag:$0x3] =	sbarrier.arrive $0xFFFF  }
0xdd: {  	_ =	shalt  }

</sc_bundles>
